<compile_context>
chip_gen: v7x
topology: tpu7x:2x2x1
jax: 0.10.2.dev20260603
libtpu: 0.0.44.dev20260713+nightly
codegen_flags: <defaults>
</compile_context>

<pallas_src>
import functools

import jax
import jax.numpy as jnp
from jax import lax
from jax.experimental import pallas as pl
from jax.experimental.pallas import tpu as pltpu
from jax.experimental.pallas import tpu_sc as plsc

_B, _S, _D = 4, 8192, 1024
_NW = 32
_ROWS_PER_W = _S // _NW
_CHUNK = 32
_NCHUNK = _ROWS_PER_W // _CHUNK


_mesh = plsc.VectorSubcoreMesh(core_axis_name="c", subcore_axis_name="s")


@functools.partial(
    pl.kernel,
    mesh=_mesh,
    out_type=jax.ShapeDtypeStruct((_B, _S, _D), jnp.float32),
    scratch_types=[
        pltpu.VMEM((2, _CHUNK, _D), jnp.float32),
        pltpu.SemaphoreType.DMA,
        pltpu.SemaphoreType.DMA,
    ],
)
def _sc_broadcast(table_hbm, out_hbm, buf, in_sem, out_sem):
    wid = lax.axis_index("s") * 2 + lax.axis_index("c")
    base = wid * _ROWS_PER_W

    pending_out = []
    for c in range(_NCHUNK):
        r0 = base + c * _CHUNK
        slot = c % 2
        cp_in = pltpu.make_async_copy(
            table_hbm.at[pl.ds(r0, _CHUNK)], buf.at[slot], in_sem
        )
        cp_in.start()
        for cp in pending_out:
            cp.wait()
        pending_out = []
        cp_in.wait()
        for b in range(_B):
            cp_out = pltpu.make_async_copy(
                buf.at[slot], out_hbm.at[b, pl.ds(r0, _CHUNK)], out_sem
            )
            cp_out.start()
            pending_out.append(cp_out)
    for cp in pending_out:
        cp.wait()


def kernel(x, table):
    return _sc_broadcast(table)

# --- scband reference (transcript-rebuilt; emitter-appended) ---
"""Pipeline reference for scband-learnable-position-embedding-31001073943357 (READ-ONLY COPY).

The authoritative reference and input builder live on the scoring server;
editing this copy changes nothing except your own understanding.
"""

import jax, jax.numpy as jnp
import numpy as np

B, S, D = 4, 8192, 1024
L = 8192

def setup_inputs(seed: int = 0) -> dict:
    key = jax.random.key(seed)
    k1, k2 = jax.random.split(key)
    x = jax.random.normal(k1, (B, S, D), dtype=jnp.float32)
    # learned position embedding table (torch inits to 0.0; use small randn so
    # the reference output is non-trivial for numeric comparison)
    table = jax.random.normal(k2, (L, D), dtype=jnp.float32) * 0.02
    return {"x": x, "table": table}

def reference(x, table):
    # pos = torch.arange(x.shape[1]).unsqueeze(0); pos = embed(pos); pos.expand_as(x)
    S_ = x.shape[1]
    pos = jnp.arange(S_)
    emb = jnp.take(table, pos, axis=0)  # [S, D] embedding gather
    emb = emb[None, :, :]               # [1, S, D]
    return jnp.broadcast_to(emb, x.shape)  # expand_as -> [B, S, D]

if __name__ == "__main__":
    import jax
    _d = setup_inputs()
    print(jax.jit(kernel)(*tuple(_d.values())))

</pallas_src>

<mosaic_0001>
#map = affine_map<(d0, d1) -> (0, 0)>
#map1 = affine_map<(d0, d1) -> (0, 0, 0)>
module attributes {stable_mosaic.version = 14 : i64} {
  func.func @_sc_broadcast(%arg0: i32, %arg1: i32, %arg2: memref<8192x1024xf32, #tpu.memory_space<hbm>>, %arg3: memref<4x8192x1024xf32, #tpu.memory_space<hbm>>, %arg4: memref<2x32x1024xf32, #tpu.memory_space<vmem>>, %arg5: memref<!tpu.dma_semaphore, #tpu.memory_space<semaphore_mem>>, %arg6: memref<!tpu.dma_semaphore, #tpu.memory_space<semaphore_mem>>) attributes {dimension_semantics = [#tpu.dimension_semantics<core_parallel>, #tpu.dimension_semantics<subcore_parallel>], iteration_bounds = array<i64: 2, 16>, scalar_prefetch = 0 : i64, scratch_operands = 3 : i64, tpu.core_type = #tpu.core_type<sc_vector_subcore>, window_params = [{transform_indices = #map}, {transform_indices = #map1}]} {
    %mul3A = arith.constant 2 : i32
    %mul3A_0 = arith.muli %arg1, %mul3A : i32
    %add3A = arith.addi %mul3A_0, %arg0 : i32
    %mul3A_1 = arith.constant 256 : i32
    %mul3A_2 = arith.muli %add3A, %mul3A_1 : i32
    %add3A_3 = arith.constant 0 : i32
    %add3A_4 = arith.addi %mul3A_2, %add3A_3 : i32
    %dma_start3A = arith.constant 0 : i32
    %dma_start3A_5 = arith.constant 0 : i32
    %dma_start3A_6 = arith.constant 0 : i32
    %dma_start3A_7 = tpu.memref_slice %arg4[%dma_start3A, %dma_start3A_5, %dma_start3A_6] : memref<2x32x1024xf32, #tpu.memory_space<vmem>> -> memref<1x32x1024xf32, #tpu.memory_space<vmem>>
    %dma_start3A_8 = tpu.memref_squeeze %dma_start3A_7 : memref<1x32x1024xf32, #tpu.memory_space<vmem>> -> memref<32x1024xf32, #tpu.memory_space<vmem>>
    %dma_start3A_9 = arith.constant 0 : i32
    %dma_start3A_10 = tpu.memref_slice %arg2[%add3A_4, %dma_start3A_9] : memref<8192x1024xf32, #tpu.memory_space<hbm>> -> memref<32x1024xf32, #tpu.memory_space<hbm>>
    %dma_start3A_11 = arith.constant 0 : i32
    %dma_start3A_12 = arith.constant 0 : i32
    %dma_start3A_13 = tpu.memref_slice %arg4[%dma_start3A, %dma_start3A_11, %dma_start3A_12] : memref<2x32x1024xf32, #tpu.memory_space<vmem>> -> memref<1x32x1024xf32, #tpu.memory_space<vmem>>
    %dma_start3A_14 = tpu.memref_squeeze %dma_start3A_13 : memref<1x32x1024xf32, #tpu.memory_space<vmem>> -> memref<32x1024xf32, #tpu.memory_space<vmem>>
    %dma_start3A_15 = arith.constant 0 : i32
    %dma_start3A_16 = tpu.memref_slice %arg2[%add3A_4, %dma_start3A_15] : memref<8192x1024xf32, #tpu.memory_space<hbm>> -> memref<32x1024xf32, #tpu.memory_space<hbm>>
    tpu.enqueue_dma source(%dma_start3A_16 : memref<32x1024xf32, #tpu.memory_space<hbm>>) target(%dma_start3A_14 : memref<32x1024xf32, #tpu.memory_space<vmem>>) target_semaphore(%arg5 : memref<!tpu.dma_semaphore, #tpu.memory_space<semaphore_mem>>)
    %dma_wait3A = arith.constant 0 : i32
    %dma_wait3A_17 = arith.constant 0 : i32
    %dma_wait3A_18 = arith.constant 0 : i32
    %dma_wait3A_19 = tpu.memref_slice %arg4[%dma_wait3A, %dma_wait3A_17, %dma_wait3A_18] : memref<2x32x1024xf32, #tpu.memory_space<vmem>> -> memref<1x32x1024xf32, #tpu.memory_space<vmem>>
    %dma_wait3A_20 = tpu.memref_squeeze %dma_wait3A_19 : memref<1x32x1024xf32, #tpu.memory_space<vmem>> -> memref<32x1024xf32, #tpu.memory_space<vmem>>
    %dma_wait3A_21 = arith.constant 0 : i32
    %dma_wait3A_22 = tpu.memref_slice %arg2[%add3A_4, %dma_wait3A_21] : memref<8192x1024xf32, #tpu.memory_space<hbm>> -> memref<32x1024xf32, #tpu.memory_space<hbm>>
    %dma_wait3A_23 = arith.constant 0 : i32
    %dma_wait3A_24 = arith.constant 0 : i32
    %dma_wait3A_25 = tpu.memref_slice %arg4[%dma_wait3A, %dma_wait3A_23, %dma_wait3A_24] : memref<2x32x1024xf32, #tpu.memory_space<vmem>> -> memref<1x32x1024xf32, #tpu.memory_space<vmem>>
    %dma_wait3A_26 = tpu.memref_squeeze %dma_wait3A_25 : memref<1x32x1024xf32, #tpu.memory_space<vmem>> -> memref<32x1024xf32, #tpu.memory_space<vmem>>
    %dma_wait3A_27 = arith.constant 0 : i32
    %dma_wait3A_28 = tpu.memref_slice %arg2[%add3A_4, %dma_wait3A_27] : memref<8192x1024xf32, #tpu.memory_space<hbm>> -> memref<32x1024xf32, #tpu.memory_space<hbm>>
    tpu.wait_dma2 semaphore(%arg5 : memref<!tpu.dma_semaphore, #tpu.memory_space<semaphore_mem>>) src(%dma_wait3A_28 : memref<32x1024xf32, #tpu.memory_space<hbm>>) dst(%dma_wait3A_26 : memref<32x1024xf32, #tpu.memory_space<vmem>>)
    %dma_start3A_29 = arith.constant 0 : i32
    %dma_start3A_30 = arith.constant 0 : i32
    %dma_start3A_31 = arith.constant 0 : i32
    %dma_start3A_32 = arith.constant 0 : i32
    %dma_start3A_33 = tpu.memref_slice %arg4[%dma_start3A_29, %dma_start3A_31, %dma_start3A_32] : memref<2x32x1024xf32, #tpu.memory_space<vmem>> -> memref<1x32x1024xf32, #tpu.memory_space<vmem>>
    %dma_start3A_34 = tpu.memref_squeeze %dma_start3A_33 : memref<1x32x1024xf32, #tpu.memory_space<vmem>> -> memref<32x1024xf32, #tpu.memory_space<vmem>>
    %dma_start3A_35 = arith.constant 0 : i32
    %dma_start3A_36 = tpu.memref_slice %arg3[%dma_start3A_30, %add3A_4, %dma_start3A_35] : memref<4x8192x1024xf32, #tpu.memory_space<hbm>> -> memref<1x32x1024xf32, #tpu.memory_space<hbm>>
    %dma_start3A_37 = tpu.memref_squeeze %dma_start3A_36 : memref<1x32x1024xf32, #tpu.memory_space<hbm>> -> memref<32x1024xf32, #tpu.memory_space<hbm>>
    %dma_start3A_38 = arith.constant 0 : i32
    %dma_start3A_39 = tpu.memref_slice %arg3[%dma_start3A_30, %add3A_4, %dma_start3A_38] : memref<4x8192x1024xf32, #tpu.memory_space<hbm>> -> memref<1x32x1024xf32, #tpu.memory_space<hbm>>
    %dma_start3A_40 = tpu.memref_squeeze %dma_start3A_39 : memref<1x32x1024xf32, #tpu.memory_space<hbm>> -> memref<32x1024xf32, #tpu.memory_space<hbm>>
    %dma_start3A_41 = arith.constant 0 : i32
    %dma_start3A_42 = arith.constant 0 : i32
    %dma_start3A_43 = tpu.memref_slice %arg4[%dma_start3A_29, %dma_start3A_41, %dma_start3A_42] : memref<2x32x1024xf32, #tpu.memory_space<vmem>> -> memref<1x32x1024xf32, #tpu.memory_space<vmem>>
    %dma_start3A_44 = tpu.memref_squeeze %dma_start3A_43 : memref<1x32x1024xf32, #tpu.memory_space<vmem>> -> memref<32x1024xf32, #tpu.memory_space<vmem>>
    tpu.enqueue_dma source(%dma_start3A_44 : memref<32x1024xf32, #tpu.memory_space<vmem>>) target(%dma_start3A_40 : memref<32x1024xf32, #tpu.memory_space<hbm>>) target_semaphore(%arg6 : memref<!tpu.dma_semaphore, #tpu.memory_space<semaphore_mem>>)
    %dma_start3A_45 = arith.constant 0 : i32
    %dma_start3A_46 = arith.constant 1 : i32
    %dma_start3A_47 = arith.constant 0 : i32
    %dma_start3A_48 = arith.constant 0 : i32
    %dma_start3A_49 = tpu.memref_slice %arg4[%dma_start3A_45, %dma_start3A_47, %dma_start3A_48] : memref<2x32x1024xf32, #tpu.memory_space<vmem>> -> memref<1x32x1024xf32, #tpu.memory_space<vmem>>
    %dma_start3A_50 = tpu.memref_squeeze %dma_start3A_49 : memref<1x32x1024xf32, #tpu.memory_space<vmem>> -> memref<32x1024xf32, #tpu.memory_space<vmem>>
    %dma_start3A_51 = arith.constant 0 : i32
    %dma_start3A_52 = tpu.memref_slice %arg3[%dma_start3A_46, %add3A_4, %dma_start3A_51] : memref<4x8192x1024xf32, #tpu.memory_space<hbm>> -> memref<1x32x1024xf32, #tpu.memory_space<hbm>>
    %dma_start3A_53 = tpu.memref_squeeze %dma_start3A_52 : memref<1x32x1024xf32, #tpu.memory_space<hbm>> -> memref<32x1024xf32, #tpu.memory_space<hbm>>
    %dma_start3A_54 = arith.constant 0 : i32
    %dma_start3A_55 = tpu.memref_slice %arg3[%dma_start3A_46, %add3A_4, %dma_start3A_54] : memref<4x8192x1024xf32, #tpu.memory_space<hbm>> -> memref<1x32x1024xf32, #tpu.memory_space<hbm>>
    %dma_start3A_56 = tpu.memref_squeeze %dma_start3A_55 : memref<1x32x1024xf32, #tpu.memory_space<hbm>> -> memref<32x1024xf32, #tpu.memory_space<hbm>>
    %dma_start3A_57 = arith.constant 0 : i32
    %dma_start3A_58 = arith.constant 0 : i32
    %dma_start3A_59 = tpu.memref_slice %arg4[%dma_start3A_45, %dma_start3A_57, %dma_start3A_58] : memref<2x32x1024xf32, #tpu.memory_space<vmem>> -> memref<1x32x1024xf32, #tpu.memory_space<vmem>>
    %dma_start3A_60 = tpu.memref_squeeze %dma_start3A_59 : memref<1x32x1024xf32, #tpu.memory_space<vmem>> -> memref<32x1024xf32, #tpu.memory_space<vmem>>
    tpu.enqueue_dma source(%dma_start3A_60 : memref<32x1024xf32, #tpu.memory_space<vmem>>) target(%dma_start3A_56 : memref<32x1024xf32, #tpu.memory_space<hbm>>) target_semaphore(%arg6 : memref<!tpu.dma_semaphore, #tpu.memory_space<semaphore_mem>>)
    %dma_start3A_61 = arith.constant 0 : i32
    %dma_start3A_62 = arith.constant 2 : i32
    %dma_start3A_63 = arith.constant 0 : i32
    %dma_start3A_64 = arith.constant 0 : i32
    %dma_start3A_65 = tpu.memref_slice %arg4[%dma_start3A_61, %dma_start3A_63, %dma_start3A_64] : memref<2x32x1024xf32, #tpu.memory_space<vmem>> -> memref<1x32x1024xf32, #tpu.memory_space<vmem>>
    %dma_start3A_66 = tpu.memref_squeeze %dma_start3A_65 : memref<1x32x1024xf32, #tpu.memory_space<vmem>> -> memref<32x1024xf32, #tpu.memory_space<vmem>>
    %dma_start3A_67 = arith.constant 0 : i32
    %dma_start3A_68 = tpu.memref_slice %arg3[%dma_start3A_62, %add3A_4, %dma_start3A_67] : memref<4x8192x1024xf32, #tpu.memory_space<hbm>> -> memref<1x32x1024xf32, #tpu.memory_space<hbm>>
    %dma_start3A_69 = tpu.memref_squeeze %dma_start3A_68 : memref<1x32x1024xf32, #tpu.memory_space<hbm>> -> memref<32x1024xf32, #tpu.memory_space<hbm>>
    %dma_start3A_70 = arith.constant 0 : i32
    %dma_start3A_71 = tpu.memref_slice %arg3[%dma_start3A_62, %add3A_4, %dma_start3A_70] : memref<4x8192x1024xf32, #tpu.memory_space<hbm>> -> memref<1x32x1024xf32, #tpu.memory_space<hbm>>
    %dma_start3A_72 = tpu.memref_squeeze %dma_start3A_71 : memref<1x32x1024xf32, #tpu.memory_space<hbm>> -> memref<32x1024xf32, #tpu.memory_space<hbm>>
    %dma_start3A_73 = arith.constant 0 : i32
    %dma_start3A_74 = arith.constant 0 : i32
    %dma_start3A_75 = tpu.memref_slice %arg4[%dma_start3A_61, %dma_start3A_73, %dma_start3A_74] : memref<2x32x1024xf32, #tpu.memory_space<vmem>> -> memref<1x32x1024xf32, #tpu.memory_space<vmem>>
    %dma_start3A_76 = tpu.memref_squeeze %dma_start3A_75 : memref<1x32x1024xf32, #tpu.memory_space<vmem>> -> memref<32x1024xf32, #tpu.memory_space<vmem>>
    tpu.enqueue_dma source(%dma_start3A_76 : memref<32x1024xf32, #tpu.memory_space<vmem>>) target(%dma_start3A_72 : memref<32x1024xf32, #tpu.memory_space<hbm>>) target_semaphore(%arg6 : memref<!tpu.dma_semaphore, #tpu.memory_space<semaphore_mem>>)
    %dma_start3A_77 = arith.constant 0 : i32
    %dma_start3A_78 = arith.constant 3 : i32
    %dma_start3A_79 = arith.constant 0 : i32
    %dma_start3A_80 = arith.constant 0 : i32
    %dma_start3A_81 = tpu.memref_slice %arg4[%dma_start3A_77, %dma_start3A_79, %dma_start3A_80] : memref<2x32x1024xf32, #tpu.memory_space<vmem>> -> memref<1x32x1024xf32, #tpu.memory_space<vmem>>
    %dma_start3A_82 = tpu.memref_squeeze %dma_start3A_81 : memref<1x32x1024xf32, #tpu.memory_space<vmem>> -> memref<32x1024xf32, #tpu.memory_space<vmem>>
    %dma_start3A_83 = arith.constant 0 : i32
    %dma_start3A_84 = tpu.memref_slice %arg3[%dma_start3A_78, %add3A_4, %dma_start3A_83] : memref<4x8192x1024xf32, #tpu.memory_space<hbm>> -> memref<1x32x1024xf32, #tpu.memory_space<hbm>>
    %dma_start3A_85 = tpu.memref_squeeze %dma_start3A_84 : memref<1x32x1024xf32, #tpu.memory_space<hbm>> -> memref<32x1024xf32, #tpu.memory_space<hbm>>
    %dma_start3A_86 = arith.constant 0 : i32
    %dma_start3A_87 = tpu.memref_slice %arg3[%dma_start3A_78, %add3A_4, %dma_start3A_86] : memref<4x8192x1024xf32, #tpu.memory_space<hbm>> -> memref<1x32x1024xf32, #tpu.memory_space<hbm>>
    %dma_start3A_88 = tpu.memref_squeeze %dma_start3A_87 : memref<1x32x1024xf32, #tpu.memory_space<hbm>> -> memref<32x1024xf32, #tpu.memory_space<hbm>>
    %dma_start3A_89 = arith.constant 0 : i32
    %dma_start3A_90 = arith.constant 0 : i32
    %dma_start3A_91 = tpu.memref_slice %arg4[%dma_start3A_77, %dma_start3A_89, %dma_start3A_90] : memref<2x32x1024xf32, #tpu.memory_space<vmem>> -> memref<1x32x1024xf32, #tpu.memory_space<vmem>>
    %dma_start3A_92 = tpu.memref_squeeze %dma_start3A_91 : memref<1x32x1024xf32, #tpu.memory_space<vmem>> -> memref<32x1024xf32, #tpu.memory_space<vmem>>
    tpu.enqueue_dma source(%dma_start3A_92 : memref<32x1024xf32, #tpu.memory_space<vmem>>) target(%dma_start3A_88 : memref<32x1024xf32, #tpu.memory_space<hbm>>) target_semaphore(%arg6 : memref<!tpu.dma_semaphore, #tpu.memory_space<semaphore_mem>>)
    %add3A_93 = arith.constant 32 : i32
    %add3A_94 = arith.addi %mul3A_2, %add3A_93 : i32
    %dma_start3A_95 = arith.constant 1 : i32
    %dma_start3A_96 = arith.constant 0 : i32
    %dma_start3A_97 = arith.constant 0 : i32
    %dma_start3A_98 = tpu.memref_slice %arg4[%dma_start3A_95, %dma_start3A_96, %dma_start3A_97] : memref<2x32x1024xf32, #tpu.memory_space<vmem>> -> memref<1x32x1024xf32, #tpu.memory_space<vmem>>
    %dma_start3A_99 = tpu.memref_squeeze %dma_start3A_98 : memref<1x32x1024xf32, #tpu.memory_space<vmem>> -> memref<32x1024xf32, #tpu.memory_space<vmem>>
    %dma_start3A_100 = arith.constant 0 : i32
    %dma_start3A_101 = tpu.memref_slice %arg2[%add3A_94, %dma_start3A_100] : memref<8192x1024xf32, #tpu.memory_space<hbm>> -> memref<32x1024xf32, #tpu.memory_space<hbm>>
    %dma_start3A_102 = arith.constant 0 : i32
    %dma_start3A_103 = arith.constant 0 : i32
    %dma_start3A_104 = tpu.memref_slice %arg4[%dma_start3A_95, %dma_start3A_102, %dma_start3A_103] : memref<2x32x1024xf32, #tpu.memory_space<vmem>> -> memref<1x32x1024xf32, #tpu.memory_space<vmem>>
    %dma_start3A_105 = tpu.memref_squeeze %dma_start3A_104 : memref<1x32x1024xf32, #tpu.memory_space<vmem>> -> memref<32x1024xf32, #tpu.memory_space<vmem>>
    %dma_start3A_106 = arith.constant 0 : i32
    %dma_start3A_107 = tpu.memref_slice %arg2[%add3A_94, %dma_start3A_106] : memref<8192x1024xf32, #tpu.memory_space<hbm>> -> memref<32x1024xf32, #tpu.memory_space<hbm>>
    tpu.enqueue_dma source(%dma_start3A_107 : memref<32x1024xf32, #tpu.memory_space<hbm>>) target(%dma_start3A_105 : memref<32x1024xf32, #tpu.memory_space<vmem>>) target_semaphore(%arg5 : memref<!tpu.dma_semaphore, #tpu.memory_space<semaphore_mem>>)
    %dma_wait3A_108 = arith.constant 0 : i32
    %dma_wait3A_109 = arith.constant 0 : i32
    %dma_wait3A_110 = arith.constant 0 : i32
    %dma_wait3A_111 = arith.constant 0 : i32
    %dma_wait3A_112 = tpu.memref_slice %arg4[%dma_wait3A_108, %dma_wait3A_110, %dma_wait3A_111] : memref<2x32x1024xf32, #tpu.memory_space<vmem>> -> memref<1x32x1024xf32, #tpu.memory_space<vmem>>
    %dma_wait3A_113 = tpu.memref_squeeze %dma_wait3A_112 : memref<1x32x1024xf32, #tpu.memory_space<vmem>> -> memref<32x1024xf32, #tpu.memory_space<vmem>>
    %dma_wait3A_114 = arith.constant 0 : i32
    %dma_wait3A_115 = tpu.memref_slice %arg3[%dma_wait3A_109, %add3A_4, %dma_wait3A_114] : memref<4x8192x1024xf32, #tpu.memory_space<hbm>> -> memref<1x32x1024xf32, #tpu.memory_space<hbm>>
    %dma_wait3A_116 = tpu.memref_squeeze %dma_wait3A_115 : memref<1x32x1024xf32, #tpu.memory_space<hbm>> -> memref<32x1024xf32, #tpu.memory_space<hbm>>
    %dma_wait3A_117 = arith.constant 0 : i32
    %dma_wait3A_118 = tpu.memref_slice %arg3[%dma_wait3A_109, %add3A_4, %dma_wait3A_117] : memref<4x8192x1024xf32, #tpu.memory_space<hbm>> -> memref<1x32x1024xf32, #tpu.memory_space<hbm>>
    %dma_wait3A_119 = tpu.memref_squeeze %dma_wait3A_118 : memref<1x32x1024xf32, #tpu.memory_space<hbm>> -> memref<32x1024xf32, #tpu.memory_space<hbm>>
    %dma_wait3A_120 = arith.constant 0 : i32
    %dma_wait3A_121 = arith.constant 0 : i32
    %dma_wait3A_122 = tpu.memref_slice %arg4[%dma_wait3A_108, %dma_wait3A_120, %dma_wait3A_121] : memref<2x32x1024xf32, #tpu.memory_space<vmem>> -> memref<1x32x1024xf32, #tpu.memory_space<vmem>>
    %dma_wait3A_123 = tpu.memref_squeeze %dma_wait3A_122 : memref<1x32x1024xf32, #tpu.memory_space<vmem>> -> memref<32x1024xf32, #tpu.memory_space<vmem>>
    tpu.wait_dma2 semaphore(%arg6 : memref<!tpu.dma_semaphore, #tpu.memory_space<semaphore_mem>>) src(%dma_wait3A_123 : memref<32x1024xf32, #tpu.memory_space<vmem>>) dst(%dma_wait3A_119 : memref<32x1024xf32, #tpu.memory_space<hbm>>)
    %dma_wait3A_124 = arith.constant 0 : i32
    %dma_wait3A_125 = arith.constant 1 : i32
    %dma_wait3A_126 = arith.constant 0 : i32
    %dma_wait3A_127 = arith.constant 0 : i32
    %dma_wait3A_128 = tpu.memref_slice %arg4[%dma_wait3A_124, %dma_wait3A_126, %dma_wait3A_127] : memref<2x32x1024xf32, #tpu.memory_space<vmem>> -> memref<1x32x1024xf32, #tpu.memory_space<vmem>>
    %dma_wait3A_129 = tpu.memref_squeeze %dma_wait3A_128 : memref<1x32x1024xf32, #tpu.memory_space<vmem>> -> memref<32x1024xf32, #tpu.memory_space<vmem>>
    %dma_wait3A_130 = arith.constant 0 : i32
    %dma_wait3A_131 = tpu.memref_slice %arg3[%dma_wait3A_125, %add3A_4, %dma_wait3A_130] : memref<4x8192x1024xf32, #tpu.memory_space<hbm>> -> memref<1x32x1024xf32, #tpu.memory_space<hbm>>
    %dma_wait3A_132 = tpu.memref_squeeze %dma_wait3A_131 : memref<1x32x1024xf32, #tpu.memory_space<hbm>> -> memref<32x1024xf32, #tpu.memory_space<hbm>>
    %dma_wait3A_133 = arith.constant 0 : i32
    %dma_wait3A_134 = tpu.memref_slice %arg3[%dma_wait3A_125, %add3A_4, %dma_wait3A_133] : memref<4x8192x1024xf32, #tpu.memory_space<hbm>> -> memref<1x32x1024xf32, #tpu.memory_space<hbm>>
    %dma_wait3A_135 = tpu.memref_squeeze %dma_wait3A_134 : memref<1x32x1024xf32, #tpu.memory_space<hbm>> -> memref<32x1024xf32, #tpu.memory_space<hbm>>
    %dma_wait3A_136 = arith.constant 0 : i32
    %dma_wait3A_137 = arith.constant 0 : i32
    %dma_wait3A_138 = tpu.memref_slice %arg4[%dma_wait3A_124, %dma_wait3A_136, %dma_wait3A_137] : memref<2x32x1024xf32, #tpu.memory_space<vmem>> -> memref<1x32x1024xf32, #tpu.memory_space<vmem>>
    %dma_wait3A_139 = tpu.memref_squeeze %dma_wait3A_138 : memref<1x32x1024xf32, #tpu.memory_space<vmem>> -> memref<32x1024xf32, #tpu.memory_space<vmem>>
    tpu.wait_dma2 semaphore(%arg6 : memref<!tpu.dma_semaphore, #tpu.memory_space<semaphore_mem>>) src(%dma_wait3A_139 : memref<32x1024xf32, #tpu.memory_space<vmem>>) dst(%dma_wait3A_135 : memref<32x1024xf32, #tpu.memory_space<hbm>>)
    %dma_wait3A_140 = arith.constant 0 : i32
    %dma_wait3A_141 = arith.constant 2 : i32
    %dma_wait3A_142 = arith.constant 0 : i32
    %dma_wait3A_143 = arith.constant 0 : i32
    %dma_wait3A_144 = tpu.memref_slice %arg4[%dma_wait3A_140, %dma_wait3A_142, %dma_wait3A_143] : memref<2x32x1024xf32, #tpu.memory_space<vmem>> -> memref<1x32x1024xf32, #tpu.memory_space<vmem>>
    %dma_wait3A_145 = tpu.memref_squeeze %dma_wait3A_144 : memref<1x32x1024xf32, #tpu.memory_space<vmem>> -> memref<32x1024xf32, #tpu.memory_space<vmem>>
    %dma_wait3A_146 = arith.constant 0 : i32
    %dma_wait3A_147 = tpu.memref_slice %arg3[%dma_wait3A_141, %add3A_4, %dma_wait3A_146] : memref<4x8192x1024xf32, #tpu.memory_space<hbm>> -> memref<1x32x1024xf32, #tpu.memory_space<hbm>>
    %dma_wait3A_148 = tpu.memref_squeeze %dma_wait3A_147 : memref<1x32x1024xf32, #tpu.memory_space<hbm>> -> memref<32x1024xf32, #tpu.memory_space<hbm>>
    %dma_wait3A_149 = arith.constant 0 : i32
    %dma_wait3A_150 = tpu.memref_slice %arg3[%dma_wait3A_141, %add3A_4, %dma_wait3A_149] : memref<4x8192x1024xf32, #tpu.memory_space<hbm>> -> memref<1x32x1024xf32, #tpu.memory_space<hbm>>
    %dma_wait3A_151 = tpu.memref_squeeze %dma_wait3A_150 : memref<1x32x1024xf32, #tpu.memory_space<hbm>> -> memref<32x1024xf32, #tpu.memory_space<hbm>>
    %dma_wait3A_152 = arith.constant 0 : i32
    %dma_wait3A_153 = arith.constant 0 : i32
    %dma_wait3A_154 = tpu.memref_slice %arg4[%dma_wait3A_140, %dma_wait3A_152, %dma_wait3A_153] : memref<2x32x1024xf32, #tpu.memory_space<vmem>> -> memref<1x32x1024xf32, #tpu.memory_space<vmem>>
    %dma_wait3A_155 = tpu.memref_squeeze %dma_wait3A_154 : memref<1x32x1024xf32, #tpu.memory_space<vmem>> -> memref<32x1024xf32, #tpu.memory_space<vmem>>
    tpu.wait_dma2 semaphore(%arg6 : memref<!tpu.dma_semaphore, #tpu.memory_space<semaphore_mem>>) src(%dma_wait3A_155 : memref<32x1024xf32, #tpu.memory_space<vmem>>) dst(%dma_wait3A_151 : memref<32x1024xf32, #tpu.memory_space<hbm>>)
    %dma_wait3A_156 = arith.constant 0 : i32
    %dma_wait3A_157 = arith.constant 3 : i32
    %dma_wait3A_158 = arith.constant 0 : i32
    %dma_wait3A_159 = arith.constant 0 : i32
    %dma_wait3A_160 = tpu.memref_slice %arg4[%dma_wait3A_156, %dma_wait3A_158, %dma_wait3A_159] : memref<2x32x1024xf32, #tpu.memory_space<vmem>> -> memref<1x32x1024xf32, #tpu.memory_space<vmem>>
    %dma_wait3A_161 = tpu.memref_squeeze %dma_wait3A_160 : memref<1x32x1024xf32, #tpu.memory_space<vmem>> -> memref<32x1024xf32, #tpu.memory_space<vmem>>
    %dma_wait3A_162 = arith.constant 0 : i32
    %dma_wait3A_163 = tpu.memref_slice %arg3[%dma_wait3A_157, %add3A_4, %dma_wait3A_162] : memref<4x8192x1024xf32, #tpu.memory_space<hbm>> -> memref<1x32x1024xf32, #tpu.memory_space<hbm>>
    %dma_wait3A_164 = tpu.memref_squeeze %dma_wait3A_163 : memref<1x32x1024xf32, #tpu.memory_space<hbm>> -> memref<32x1024xf32, #tpu.memory_space<hbm>>
    %dma_wait3A_165 = arith.constant 0 : i32
    %dma_wait3A_166 = tpu.memref_slice %arg3[%dma_wait3A_157, %add3A_4, %dma_wait3A_165] : memref<4x8192x1024xf32, #tpu.memory_space<hbm>> -> memref<1x32x1024xf32, #tpu.memory_space<hbm>>
    %dma_wait3A_167 = tpu.memref_squeeze %dma_wait3A_166 : memref<1x32x1024xf32, #tpu.memory_space<hbm>> -> memref<32x1024xf32, #tpu.memory_space<hbm>>
    %dma_wait3A_168 = arith.constant 0 : i32
    %dma_wait3A_169 = arith.constant 0 : i32
    %dma_wait3A_170 = tpu.memref_slice %arg4[%dma_wait3A_156, %dma_wait3A_168, %dma_wait3A_169] : memref<2x32x1024xf32, #tpu.memory_space<vmem>> -> memref<1x32x1024xf32, #tpu.memory_space<vmem>>
    %dma_wait3A_171 = tpu.memref_squeeze %dma_wait3A_170 : memref<1x32x1024xf32, #tpu.memory_space<vmem>> -> memref<32x1024xf32, #tpu.memory_space<vmem>>
    tpu.wait_dma2 semaphore(%arg6 : memref<!tpu.dma_semaphore, #tpu.memory_space<semaphore_mem>>) src(%dma_wait3A_171 : memref<32x1024xf32, #tpu.memory_space<vmem>>) dst(%dma_wait3A_167 : memref<32x1024xf32, #tpu.memory_space<hbm>>)
    %dma_wait3A_172 = arith.constant 1 : i32
    %dma_wait3A_173 = arith.constant 0 : i32
    %dma_wait3A_174 = arith.constant 0 : i32
    %dma_wait3A_175 = tpu.memref_slice %arg4[%dma_wait3A_172, %dma_wait3A_173, %dma_wait3A_174] : memref<2x32x1024xf32, #tpu.memory_space<vmem>> -> memref<1x32x1024xf32, #tpu.memory_space<vmem>>
    %dma_wait3A_176 = tpu.memref_squeeze %dma_wait3A_175 : memref<1x32x1024xf32, #tpu.memory_space<vmem>> -> memref<32x1024xf32, #tpu.memory_space<vmem>>
    %dma_wait3A_177 = arith.constant 0 : i32
    %dma_wait3A_178 = tpu.memref_slice %arg2[%add3A_94, %dma_wait3A_177] : memref<8192x1024xf32, #tpu.memory_space<hbm>> -> memref<32x1024xf32, #tpu.memory_space<hbm>>
    %dma_wait3A_179 = arith.constant 0 : i32
    %dma_wait3A_180 = arith.constant 0 : i32
    %dma_wait3A_181 = tpu.memref_slice %arg4[%dma_wait3A_172, %dma_wait3A_179, %dma_wait3A_180] : memref<2x32x1024xf32, #tpu.memory_space<vmem>> -> memref<1x32x1024xf32, #tpu.memory_space<vmem>>
    %dma_wait3A_182 = tpu.memref_squeeze %dma_wait3A_181 : memref<1x32x1024xf32, #tpu.memory_space<vmem>> -> memref<32x1024xf32, #tpu.memory_space<vmem>>
    %dma_wait3A_183 = arith.constant 0 : i32
    %dma_wait3A_184 = tpu.memref_slice %arg2[%add3A_94, %dma_wait3A_183] : memref<8192x1024xf32, #tpu.memory_space<hbm>> -> memref<32x1024xf32, #tpu.memory_space<hbm>>
    tpu.wait_dma2 semaphore(%arg5 : memref<!tpu.dma_semaphore, #tpu.memory_space<semaphore_mem>>) src(%dma_wait3A_184 : memref<32x1024xf32, #tpu.memory_space<hbm>>) dst(%dma_wait3A_182 : memref<32x1024xf32, #tpu.memory_space<vmem>>)
    %dma_start3A_185 = arith.constant 1 : i32
    %dma_start3A_186 = arith.constant 0 : i32
    %dma_start3A_187 = arith.constant 0 : i32
    %dma_start3A_188 = arith.constant 0 : i32
    %dma_start3A_189 = tpu.memref_slice %arg4[%dma_start3A_185, %dma_start3A_187, %dma_start3A_188] : memref<2x32x1024xf32, #tpu.memory_space<vmem>> -> memref<1x32x1024xf32, #tpu.memory_space<vmem>>
    %dma_start3A_190 = tpu.memref_squeeze %dma_start3A_189 : memref<1x32x1024xf32, #tpu.memory_space<vmem>> -> memref<32x1024xf32, #tpu.memory_space<vmem>>
    %dma_start3A_191 = arith.constant 0 : i32
    %dma_start3A_192 = tpu.memref_slice %arg3[%dma_start3A_186, %add3A_94, %dma_start3A_191] : memref<4x8192x1024xf32, #tpu.memory_space<hbm>> -> memref<1x32x1024xf32, #tpu.memory_space<hbm>>
    %dma_start3A_193 = tpu.memref_squeeze %dma_start3A_192 : memref<1x32x1024xf32, #tpu.memory_space<hbm>> -> memref<32x1024xf32, #tpu.memory_space<hbm>>
    %dma_start3A_194 = arith.constant 0 : i32
    %dma_start3A_195 = tpu.memref_slice %arg3[%dma_start3A_186, %add3A_94, %dma_start3A_194] : memref<4x8192x1024xf32, #tpu.memory_space<hbm>> -> memref<1x32x1024xf32, #tpu.memory_space<hbm>>
    %dma_start3A_196 = tpu.memref_squeeze %dma_start3A_195 : memref<1x32x1024xf32, #tpu.memory_space<hbm>> -> memref<32x1024xf32, #tpu.memory_space<hbm>>
    %dma_start3A_197 = arith.constant 0 : i32
    %dma_start3A_198 = arith.constant 0 : i32
    %dma_start3A_199 = tpu.memref_slice %arg4[%dma_start3A_185, %dma_start3A_197, %dma_start3A_198] : memref<2x32x1024xf32, #tpu.memory_space<vmem>> -> memref<1x32x1024xf32, #tpu.memory_space<vmem>>
    %dma_start3A_200 = tpu.memref_squeeze %dma_start3A_199 : memref<1x32x1024xf32, #tpu.memory_space<vmem>> -> memref<32x1024xf32, #tpu.memory_space<vmem>>
    tpu.enqueue_dma source(%dma_start3A_200 : memref<32x1024xf32, #tpu.memory_space<vmem>>) target(%dma_start3A_196 : memref<32x1024xf32, #tpu.memory_space<hbm>>) target_semaphore(%arg6 : memref<!tpu.dma_semaphore, #tpu.memory_space<semaphore_mem>>)
    %dma_start3A_201 = arith.constant 1 : i32
    %dma_start3A_202 = arith.constant 1 : i32
    %dma_start3A_203 = arith.constant 0 : i32
    %dma_start3A_204 = arith.constant 0 : i32
    %dma_start3A_205 = tpu.memref_slice %arg4[%dma_start3A_201, %dma_start3A_203, %dma_start3A_204] : memref<2x32x1024xf32, #tpu.memory_space<vmem>> -> memref<1x32x1024xf32, #tpu.memory_space<vmem>>
    %dma_start3A_206 = tpu.memref_squeeze %dma_start3A_205 : memref<1x32x1024xf32, #tpu.memory_space<vmem>> -> memref<32x1024xf32, #tpu.memory_space<vmem>>
    %dma_start3A_207 = arith.constant 0 : i32
    %dma_start3A_208 = tpu.memref_slice %arg3[%dma_start3A_202, %add3A_94, %dma_start3A_207] : memref<4x8192x1024xf32, #tpu.memory_space<hbm>> -> memref<1x32x1024xf32, #tpu.memory_space<hbm>>
    %dma_start3A_209 = tpu.memref_squeeze %dma_start3A_208 : memref<1x32x1024xf32, #tpu.memory_space<hbm>> -> memref<32x1024xf32, #tpu.memory_space<hbm>>
    %dma_start3A_210 = arith.constant 0 : i32
    %dma_start3A_211 = tpu.memref_slice %arg3[%dma_start3A_202, %add3A_94, %dma_start3A_210] : memref<4x8192x1024xf32, #tpu.memory_space<hbm>> -> memref<1x32x1024xf32, #tpu.memory_space<hbm>>
    %dma_start3A_212 = tpu.memref_squeeze %dma_start3A_211 : memref<1x32x1024xf32, #tpu.memory_space<hbm>> -> memref<32x1024xf32, #tpu.memory_space<hbm>>
    %dma_start3A_213 = arith.constant 0 : i32
    %dma_start3A_214 = arith.constant 0 : i32
    %dma_start3A_215 = tpu.memref_slice %arg4[%dma_start3A_201, %dma_start3A_213, %dma_start3A_214] : memref<2x32x1024xf32, #tpu.memory_space<vmem>> -> memref<1x32x1024xf32, #tpu.memory_space<vmem>>
    %dma_start3A_216 = tpu.memref_squeeze %dma_start3A_215 : memref<1x32x1024xf32, #tpu.memory_space<vmem>> -> memref<32x1024xf32, #tpu.memory_space<vmem>>
    tpu.enqueue_dma source(%dma_start3A_216 : memref<32x1024xf32, #tpu.memory_space<vmem>>) target(%dma_start3A_212 : memref<32x1024xf32, #tpu.memory_space<hbm>>) target_semaphore(%arg6 : memref<!tpu.dma_semaphore, #tpu.memory_space<semaphore_mem>>)
    %dma_start3A_217 = arith.constant 1 : i32
    %dma_start3A_218 = arith.constant 2 : i32
    %dma_start3A_219 = arith.constant 0 : i32
    %dma_start3A_220 = arith.constant 0 : i32
    %dma_start3A_221 = tpu.memref_slice %arg4[%dma_start3A_217, %dma_start3A_219, %dma_start3A_220] : memref<2x32x1024xf32, #tpu.memory_space<vmem>> -> memref<1x32x1024xf32, #tpu.memory_space<vmem>>
    %dma_start3A_222 = tpu.memref_squeeze %dma_start3A_221 : memref<1x32x1024xf32, #tpu.memory_space<vmem>> -> memref<32x1024xf32, #tpu.memory_space<vmem>>
    %dma_start3A_223 = arith.constant 0 : i32
    %dma_start3A_224 = tpu.memref_slice %arg3[%dma_start3A_218, %add3A_94, %dma_start3A_223] : memref<4x8192x1024xf32, #tpu.memory_space<hbm>> -> memref<1x32x1024xf32, #tpu.memory_space<hbm>>
    %dma_start3A_225 = tpu.memref_squeeze %dma_start3A_224 : memref<1x32x1024xf32, #tpu.memory_space<hbm>> -> memref<32x1024xf32, #tpu.memory_space<hbm>>
    %dma_start3A_226 = arith.constant 0 : i32
    %dma_start3A_227 = tpu.memref_slice %arg3[%dma_start3A_218, %add3A_94, %dma_start3A_226] : memref<4x8192x1024xf32, #tpu.memory_space<hbm>> -> memref<1x32x1024xf32, #tpu.memory_space<hbm>>
    %dma_start3A_228 = tpu.memref_squeeze %dma_start3A_227 : memref<1x32x1024xf32, #tpu.memory_space<hbm>> -> memref<32x1024xf32, #tpu.memory_space<hbm>>
    %dma_start3A_229 = arith.constant 0 : i32
    %dma_start3A_230 = arith.constant 0 : i32
    %dma_start3A_231 = tpu.memref_slice %arg4[%dma_start3A_217, %dma_start3A_229, %dma_start3A_230] : memref<2x32x1024xf32, #tpu.memory_space<vmem>> -> memref<1x32x1024xf32, #tpu.memory_space<vmem>>
    %dma_start3A_232 = tpu.memref_squeeze %dma_start3A_231 : memref<1x32x1024xf32, #tpu.memory_space<vmem>> -> memref<32x1024xf32, #tpu.memory_space<vmem>>
    tpu.enqueue_dma source(%dma_start3A_232 : memref<32x1024xf32, #tpu.memory_space<vmem>>) target(%dma_start3A_228 : memref<32x1024xf32, #tpu.memory_space<hbm>>) target_semaphore(%arg6 : memref<!tpu.dma_semaphore, #tpu.memory_space<semaphore_mem>>)
    %dma_start3A_233 = arith.constant 1 : i32
    %dma_start3A_234 = arith.constant 3 : i32
    %dma_start3A_235 = arith.constant 0 : i32
    %dma_start3A_236 = arith.constant 0 : i32
    %dma_start3A_237 = tpu.memref_slice %arg4[%dma_start3A_233, %dma_start3A_235, %dma_start3A_236] : memref<2x32x1024xf32, #tpu.memory_space<vmem>> -> memref<1x32x1024xf32, #tpu.memory_space<vmem>>
    %dma_start3A_238 = tpu.memref_squeeze %dma_start3A_237 : memref<1x32x1024xf32, #tpu.memory_space<vmem>> -> memref<32x1024xf32, #tpu.memory_space<vmem>>
    %dma_start3A_239 = arith.constant 0 : i32
    %dma_start3A_240 = tpu.memref_slice %arg3[%dma_start3A_234, %add3A_94, %dma_start3A_239] : memref<4x8192x1024xf32, #tpu.memory_space<hbm>> -> memref<1x32x1024xf32, #tpu.memory_space<hbm>>
    %dma_start3A_241 = tpu.memref_squeeze %dma_start3A_240 : memref<1x32x1024xf32, #tpu.memory_space<hbm>> -> memref<32x1024xf32, #tpu.memory_space<hbm>>
    %dma_start3A_242 = arith.constant 0 : i32
    %dma_start3A_243 = tpu.memref_slice %arg3[%dma_start3A_234, %add3A_94, %dma_start3A_242] : memref<4x8192x1024xf32, #tpu.memory_space<hbm>> -> memref<1x32x1024xf32, #tpu.memory_space<hbm>>
    %dma_start3A_244 = tpu.memref_squeeze %dma_start3A_243 : memref<1x32x1024xf32, #tpu.memory_space<hbm>> -> memref<32x1024xf32, #tpu.memory_space<hbm>>
    %dma_start3A_245 = arith.constant 0 : i32
    %dma_start3A_246 = arith.constant 0 : i32
    %dma_start3A_247 = tpu.memref_slice %arg4[%dma_start3A_233, %dma_start3A_245, %dma_start3A_246] : memref<2x32x1024xf32, #tpu.memory_space<vmem>> -> memref<1x32x1024xf32, #tpu.memory_space<vmem>>
    %dma_start3A_248 = tpu.memref_squeeze %dma_start3A_247 : memref<1x32x1024xf32, #tpu.memory_space<vmem>> -> memref<32x1024xf32, #tpu.memory_space<vmem>>
    tpu.enqueue_dma source(%dma_start3A_248 : memref<32x1024xf32, #tpu.memory_space<vmem>>) target(%dma_start3A_244 : memref<32x1024xf32, #tpu.memory_space<hbm>>) target_semaphore(%arg6 : memref<!tpu.dma_semaphore, #tpu.memory_space<semaphore_mem>>)
    %add3A_249 = arith.constant 64 : i32
    %add3A_250 = arith.addi %mul3A_2, %add3A_249 : i32
    %dma_start3A_251 = arith.constant 0 : i32
    %dma_start3A_252 = arith.constant 0 : i32
    %dma_start3A_253 = arith.constant 0 : i32
    %dma_start3A_254 = tpu.memref_slice %arg4[%dma_start3A_251, %dma_start3A_252, %dma_start3A_253] : memref<2x32x1024xf32, #tpu.memory_space<vmem>> -> memref<1x32x1024xf32, #tpu.memory_space<vmem>>
    %dma_start3A_255 = tpu.memref_squeeze %dma_start3A_254 : memref<1x32x1024xf32, #tpu.memory_space<vmem>> -> memref<32x1024xf32, #tpu.memory_space<vmem>>
    %dma_start3A_256 = arith.constant 0 : i32
    %dma_start3A_257 = tpu.memref_slice %arg2[%add3A_250, %dma_start3A_256] : memref<8192x1024xf32, #tpu.memory_space<hbm>> -> memref<32x1024xf32, #tpu.memory_space<hbm>>
    %dma_start3A_258 = arith.constant 0 : i32
    %dma_start3A_259 = arith.constant 0 : i32
    %dma_start3A_260 = tpu.memref_slice %arg4[%dma_start3A_251, %dma_start3A_258, %dma_start3A_259] : memref<2x32x1024xf32, #tpu.memory_space<vmem>> -> memref<1x32x1024xf32, #tpu.memory_space<vmem>>
    %dma_start3A_261 = tpu.memref_squeeze %dma_start3A_260 : memref<1x32x1024xf32, #tpu.memory_space<vmem>> -> memref<32x1024xf32, #tpu.memory_space<vmem>>
    %dma_start3A_262 = arith.constant 0 : i32
    %dma_start3A_263 = tpu.memref_slice %arg2[%add3A_250, %dma_start3A_262] : memref<8192x1024xf32, #tpu.memory_space<hbm>> -> memref<32x1024xf32, #tpu.memory_space<hbm>>
    tpu.enqueue_dma source(%dma_start3A_263 : memref<32x1024xf32, #tpu.memory_space<hbm>>) target(%dma_start3A_261 : memref<32x1024xf32, #tpu.memory_space<vmem>>) target_semaphore(%arg5 : memref<!tpu.dma_semaphore, #tpu.memory_space<semaphore_mem>>)
    %dma_wait3A_264 = arith.constant 1 : i32
    %dma_wait3A_265 = arith.constant 0 : i32
    %dma_wait3A_266 = arith.constant 0 : i32
    %dma_wait3A_267 = arith.constant 0 : i32
    %dma_wait3A_268 = tpu.memref_slice %arg4[%dma_wait3A_264, %dma_wait3A_266, %dma_wait3A_267] : memref<2x32x1024xf32, #tpu.memory_space<vmem>> -> memref<1x32x1024xf32, #tpu.memory_space<vmem>>
    %dma_wait3A_269 = tpu.memref_squeeze %dma_wait3A_268 : memref<1x32x1024xf32, #tpu.memory_space<vmem>> -> memref<32x1024xf32, #tpu.memory_space<vmem>>
    %dma_wait3A_270 = arith.constant 0 : i32
    %dma_wait3A_271 = tpu.memref_slice %arg3[%dma_wait3A_265, %add3A_94, %dma_wait3A_270] : memref<4x8192x1024xf32, #tpu.memory_space<hbm>> -> memref<1x32x1024xf32, #tpu.memory_space<hbm>>
    %dma_wait3A_272 = tpu.memref_squeeze %dma_wait3A_271 : memref<1x32x1024xf32, #tpu.memory_space<hbm>> -> memref<32x1024xf32, #tpu.memory_space<hbm>>
    %dma_wait3A_273 = arith.constant 0 : i32
    %dma_wait3A_274 = tpu.memref_slice %arg3[%dma_wait3A_265, %add3A_94, %dma_wait3A_273] : memref<4x8192x1024xf32, #tpu.memory_space<hbm>> -> memref<1x32x1024xf32, #tpu.memory_space<hbm>>
    %dma_wait3A_275 = tpu.memref_squeeze %dma_wait3A_274 : memref<1x32x1024xf32, #tpu.memory_space<hbm>> -> memref<32x1024xf32, #tpu.memory_space<hbm>>
    %dma_wait3A_276 = arith.constant 0 : i32
    %dma_wait3A_277 = arith.constant 0 : i32
    %dma_wait3A_278 = tpu.memref_slice %arg4[%dma_wait3A_264, %dma_wait3A_276, %dma_wait3A_277] : memref<2x32x1024xf32, #tpu.memory_space<vmem>> -> memref<1x32x1024xf32, #tpu.memory_space<vmem>>
    %dma_wait3A_279 = tpu.memref_squeeze %dma_wait3A_278 : memref<1x32x1024xf32, #tpu.memory_space<vmem>> -> memref<32x1024xf32, #tpu.memory_space<vmem>>
    tpu.wait_dma2 semaphore(%arg6 : memref<!tpu.dma_semaphore, #tpu.memory_space<semaphore_mem>>) src(%dma_wait3A_279 : memref<32x1024xf32, #tpu.memory_space<vmem>>) dst(%dma_wait3A_275 : memref<32x1024xf32, #tpu.memory_space<hbm>>)
    %dma_wait3A_280 = arith.constant 1 : i32
    %dma_wait3A_281 = arith.constant 1 : i32
    %dma_wait3A_282 = arith.constant 0 : i32
    %dma_wait3A_283 = arith.constant 0 : i32
    %dma_wait3A_284 = tpu.memref_slice %arg4[%dma_wait3A_280, %dma_wait3A_282, %dma_wait3A_283] : memref<2x32x1024xf32, #tpu.memory_space<vmem>> -> memref<1x32x1024xf32, #tpu.memory_space<vmem>>
    %dma_wait3A_285 = tpu.memref_squeeze %dma_wait3A_284 : memref<1x32x1024xf32, #tpu.memory_space<vmem>> -> memref<32x1024xf32, #tpu.memory_space<vmem>>
    %dma_wait3A_286 = arith.constant 0 : i32
    %dma_wait3A_287 = tpu.memref_slice %arg3[%dma_wait3A_281, %add3A_94, %dma_wait3A_286] : memref<4x8192x1024xf32, #tpu.memory_space<hbm>> -> memref<1x32x1024xf32, #tpu.memory_space<hbm>>
    %dma_wait3A_288 = tpu.memref_squeeze %dma_wait3A_287 : memref<1x32x1024xf32, #tpu.memory_space<hbm>> -> memref<32x1024xf32, #tpu.memory_space<hbm>>
    %dma_wait3A_289 = arith.constant 0 : i32
    %dma_wait3A_290 = tpu.memref_slice %arg3[%dma_wait3A_281, %add3A_94, %dma_wait3A_289] : memref<4x8192x1024xf32, #tpu.memory_space<hbm>> -> memref<1x32x1024xf32, #tpu.memory_space<hbm>>
    %dma_wait3A_291 = tpu.memref_squeeze %dma_wait3A_290 : memref<1x32x1024xf32, #tpu.memory_space<hbm>> -> memref<32x1024xf32, #tpu.memory_space<hbm>>
    %dma_wait3A_292 = arith.constant 0 : i32
    %dma_wait3A_293 = arith.constant 0 : i32
    %dma_wait3A_294 = tpu.memref_slice %arg4[%dma_wait3A_280, %dma_wait3A_292, %dma_wait3A_293] : memref<2x32x1024xf32, #tpu.memory_space<vmem>> -> memref<1x32x1024xf32, #tpu.memory_space<vmem>>
    %dma_wait3A_295 = tpu.memref_squeeze %dma_wait3A_294 : memref<1x32x1024xf32, #tpu.memory_space<vmem>> -> memref<32x1024xf32, #tpu.memory_space<vmem>>
    tpu.wait_dma2 semaphore(%arg6 : memref<!tpu.dma_semaphore, #tpu.memory_space<semaphore_mem>>) src(%dma_wait3A_295 : memref<32x1024xf32, #tpu.memory_space<vmem>>) dst(%dma_wait3A_291 : memref<32x1024xf32, #tpu.memory_space<hbm>>)
    %dma_wait3A_296 = arith.constant 1 : i32
    %dma_wait3A_297 = arith.constant 2 : i32
    %dma_wait3A_298 = arith.constant 0 : i32
    %dma_wait3A_299 = arith.constant 0 : i32
    %dma_wait3A_300 = tpu.memref_slice %arg4[%dma_wait3A_296, %dma_wait3A_298, %dma_wait3A_299] : memref<2x32x1024xf32, #tpu.memory_space<vmem>> -> memref<1x32x1024xf32, #tpu.memory_space<vmem>>
    %dma_wait3A_301 = tpu.memref_squeeze %dma_wait3A_300 : memref<1x32x1024xf32, #tpu.memory_space<vmem>> -> memref<32x1024xf32, #tpu.memory_space<vmem>>
    %dma_wait3A_302 = arith.constant 0 : i32
    %dma_wait3A_303 = tpu.memref_slice %arg3[%dma_wait3A_297, %add3A_94, %dma_wait3A_302] : memref<4x8192x1024xf32, #tpu.memory_space<hbm>> -> memref<1x32x1024xf32, #tpu.memory_space<hbm>>
    %dma_wait3A_304 = tpu.memref_squeeze %dma_wait3A_303 : memref<1x32x1024xf32, #tpu.memory_space<hbm>> -> memref<32x1024xf32, #tpu.memory_space<hbm>>
    %dma_wait3A_305 = arith.constant 0 : i32
    %dma_wait3A_306 = tpu.memref_slice %arg3[%dma_wait3A_297, %add3A_94, %dma_wait3A_305] : memref<4x8192x1024xf32, #tpu.memory_space<hbm>> -> memref<1x32x1024xf32, #tpu.memory_space<hbm>>
    %dma_wait3A_307 = tpu.memref_squeeze %dma_wait3A_306 : memref<1x32x1024xf32, #tpu.memory_space<hbm>> -> memref<32x1024xf32, #tpu.memory_space<hbm>>
    %dma_wait3A_308 = arith.constant 0 : i32
    %dma_wait3A_309 = arith.constant 0 : i32
    %dma_wait3A_310 = tpu.memref_slice %arg4[%dma_wait3A_296, %dma_wait3A_308, %dma_wait3A_309] : memref<2x32x1024xf32, #tpu.memory_space<vmem>> -> memref<1x32x1024xf32, #tpu.memory_space<vmem>>
    %dma_wait3A_311 = tpu.memref_squeeze %dma_wait3A_310 : memref<1x32x1024xf32, #tpu.memory_space<vmem>> -> memref<32x1024xf32, #tpu.memory_space<vmem>>
    tpu.wait_dma2 semaphore(%arg6 : memref<!tpu.dma_semaphore, #tpu.memory_space<semaphore_mem>>) src(%dma_wait3A_311 : memref<32x1024xf32, #tpu.memory_space<vmem>>) dst(%dma_wait3A_307 : memref<32x1024xf32, #tpu.memory_space<hbm>>)
    %dma_wait3A_312 = arith.constant 1 : i32
    %dma_wait3A_313 = arith.constant 3 : i32
    %dma_wait3A_314 = arith.constant 0 : i32
    %dma_wait3A_315 = arith.constant 0 : i32
    %dma_wait3A_316 = tpu.memref_slice %arg4[%dma_wait3A_312, %dma_wait3A_314, %dma_wait3A_315] : memref<2x32x1024xf32, #tpu.memory_space<vmem>> -> memref<1x32x1024xf32, #tpu.memory_space<vmem>>
    %dma_wait3A_317 = tpu.memref_squeeze %dma_wait3A_316 : memref<1x32x1024xf32, #tpu.memory_space<vmem>> -> memref<32x1024xf32, #tpu.memory_space<vmem>>
    %dma_wait3A_318 = arith.constant 0 : i32
    %dma_wait3A_319 = tpu.memref_slice %arg3[%dma_wait3A_313, %add3A_94, %dma_wait3A_318] : memref<4x8192x1024xf32, #tpu.memory_space<hbm>> -> memref<1x32x1024xf32, #tpu.memory_space<hbm>>
    %dma_wait3A_320 = tpu.memref_squeeze %dma_wait3A_319 : memref<1x32x1024xf32, #tpu.memory_space<hbm>> -> memref<32x1024xf32, #tpu.memory_space<hbm>>
    %dma_wait3A_321 = arith.constant 0 : i32
    %dma_wait3A_322 = tpu.memref_slice %arg3[%dma_wait3A_313, %add3A_94, %dma_wait3A_321] : memref<4x8192x1024xf32, #tpu.memory_space<hbm>> -> memref<1x32x1024xf32, #tpu.memory_space<hbm>>
    %dma_wait3A_323 = tpu.memref_squeeze %dma_wait3A_322 : memref<1x32x1024xf32, #tpu.memory_space<hbm>> -> memref<32x1024xf32, #tpu.memory_space<hbm>>
    %dma_wait3A_324 = arith.constant 0 : i32
    %dma_wait3A_325 = arith.constant 0 : i32
    %dma_wait3A_326 = tpu.memref_slice %arg4[%dma_wait3A_312, %dma_wait3A_324, %dma_wait3A_325] : memref<2x32x1024xf32, #tpu.memory_space<vmem>> -> memref<1x32x1024xf32, #tpu.memory_space<vmem>>
    %dma_wait3A_327 = tpu.memref_squeeze %dma_wait3A_326 : memref<1x32x1024xf32, #tpu.memory_space<vmem>> -> memref<32x1024xf32, #tpu.memory_space<vmem>>
    tpu.wait_dma2 semaphore(%arg6 : memref<!tpu.dma_semaphore, #tpu.memory_space<semaphore_mem>>) src(%dma_wait3A_327 : memref<32x1024xf32, #tpu.memory_space<vmem>>) dst(%dma_wait3A_323 : memref<32x1024xf32, #tpu.memory_space<hbm>>)
    %dma_wait3A_328 = arith.constant 0 : i32
    %dma_wait3A_329 = arith.constant 0 : i32
    %dma_wait3A_330 = arith.constant 0 : i32
    %dma_wait3A_331 = tpu.memref_slice %arg4[%dma_wait3A_328, %dma_wait3A_329, %dma_wait3A_330] : memref<2x32x1024xf32, #tpu.memory_space<vmem>> -> memref<1x32x1024xf32, #tpu.memory_space<vmem>>
    %dma_wait3A_332 = tpu.memref_squeeze %dma_wait3A_331 : memref<1x32x1024xf32, #tpu.memory_space<vmem>> -> memref<32x1024xf32, #tpu.memory_space<vmem>>
    %dma_wait3A_333 = arith.constant 0 : i32
    %dma_wait3A_334 = tpu.memref_slice %arg2[%add3A_250, %dma_wait3A_333] : memref<8192x1024xf32, #tpu.memory_space<hbm>> -> memref<32x1024xf32, #tpu.memory_space<hbm>>
    %dma_wait3A_335 = arith.constant 0 : i32
    %dma_wait3A_336 = arith.constant 0 : i32
    %dma_wait3A_337 = tpu.memref_slice %arg4[%dma_wait3A_328, %dma_wait3A_335, %dma_wait3A_336] : memref<2x32x1024xf32, #tpu.memory_space<vmem>> -> memref<1x32x1024xf32, #tpu.memory_space<vmem>>
    %dma_wait3A_338 = tpu.memref_squeeze %dma_wait3A_337 : memref<1x32x1024xf32, #tpu.memory_space<vmem>> -> memref<32x1024xf32, #tpu.memory_space<vmem>>
    %dma_wait3A_339 = arith.constant 0 : i32
    %dma_wait3A_340 = tpu.memref_slice %arg2[%add3A_250, %dma_wait3A_339] : memref<8192x1024xf32, #tpu.memory_space<hbm>> -> memref<32x1024xf32, #tpu.memory_space<hbm>>
    tpu.wait_dma2 semaphore(%arg5 : memref<!tpu.dma_semaphore, #tpu.memory_space<semaphore_mem>>) src(%dma_wait3A_340 : memref<32x1024xf32, #tpu.memory_space<hbm>>) dst(%dma_wait3A_338 : memref<32x1024xf32, #tpu.memory_space<vmem>>)
    %dma_start3A_341 = arith.constant 0 : i32
    %dma_start3A_342 = arith.constant 0 : i32
    %dma_start3A_343 = arith.constant 0 : i32
    %dma_start3A_344 = arith.constant 0 : i32
    %dma_start3A_345 = tpu.memref_slice %arg4[%dma_start3A_341, %dma_start3A_343, %dma_start3A_344] : memref<2x32x1024xf32, #tpu.memory_space<vmem>> -> memref<1x32x1024xf32, #tpu.memory_space<vmem>>
    %dma_start3A_346 = tpu.memref_squeeze %dma_start3A_345 : memref<1x32x1024xf32, #tpu.memory_space<vmem>> -> memref<32x1024xf32, #tpu.memory_space<vmem>>
    %dma_start3A_347 = arith.constant 0 : i32
    %dma_start3A_348 = tpu.memref_slice %arg3[%dma_start3A_342, %add3A_250, %dma_start3A_347] : memref<4x8192x1024xf32, #tpu.memory_space<hbm>> -> memref<1x32x1024xf32, #tpu.memory_space<hbm>>
    %dma_start3A_349 = tpu.memref_squeeze %dma_start3A_348 : memref<1x32x1024xf32, #tpu.memory_space<hbm>> -> memref<32x1024xf32, #tpu.memory_space<hbm>>
    %dma_start3A_350 = arith.constant 0 : i32
    %dma_start3A_351 = tpu.memref_slice %arg3[%dma_start3A_342, %add3A_250, %dma_start3A_350] : memref<4x8192x1024xf32, #tpu.memory_space<hbm>> -> memref<1x32x1024xf32, #tpu.memory_space<hbm>>
    %dma_start3A_352 = tpu.memref_squeeze %dma_start3A_351 : memref<1x32x1024xf32, #tpu.memory_space<hbm>> -> memref<32x1024xf32, #tpu.memory_space<hbm>>
    %dma_start3A_353 = arith.constant 0 : i32
    %dma_start3A_354 = arith.constant 0 : i32
    %dma_start3A_355 = tpu.memref_slice %arg4[%dma_start3A_341, %dma_start3A_353, %dma_start3A_354] : memref<2x32x1024xf32, #tpu.memory_space<vmem>> -> memref<1x32x1024xf32, #tpu.memory_space<vmem>>
    %dma_start3A_356 = tpu.memref_squeeze %dma_start3A_355 : memref<1x32x1024xf32, #tpu.memory_space<vmem>> -> memref<32x1024xf32, #tpu.memory_space<vmem>>
    tpu.enqueue_dma source(%dma_start3A_356 : memref<32x1024xf32, #tpu.memory_space<vmem>>) target(%dma_start3A_352 : memref<32x1024xf32, #tpu.memory_space<hbm>>) target_semaphore(%arg6 : memref<!tpu.dma_semaphore, #tpu.memory_space<semaphore_mem>>)
    %dma_start3A_357 = arith.constant 0 : i32
    %dma_start3A_358 = arith.constant 1 : i32
    %dma_start3A_359 = arith.constant 0 : i32
    %dma_start3A_360 = arith.constant 0 : i32
    %dma_start3A_361 = tpu.memref_slice %arg4[%dma_start3A_357, %dma_start3A_359, %dma_start3A_360] : memref<2x32x1024xf32, #tpu.memory_space<vmem>> -> memref<1x32x1024xf32, #tpu.memory_space<vmem>>
    %dma_start3A_362 = tpu.memref_squeeze %dma_start3A_361 : memref<1x32x1024xf32, #tpu.memory_space<vmem>> -> memref<32x1024xf32, #tpu.memory_space<vmem>>
    %dma_start3A_363 = arith.constant 0 : i32
    %dma_start3A_364 = tpu.memref_slice %arg3[%dma_start3A_358, %add3A_250, %dma_start3A_363] : memref<4x8192x1024xf32, #tpu.memory_space<hbm>> -> memref<1x32x1024xf32, #tpu.memory_space<hbm>>
    %dma_start3A_365 = tpu.memref_squeeze %dma_start3A_364 : memref<1x32x1024xf32, #tpu.memory_space<hbm>> -> memref<32x1024xf32, #tpu.memory_space<hbm>>
    %dma_start3A_366 = arith.constant 0 : i32
    %dma_start3A_367 = tpu.memref_slice %arg3[%dma_start3A_358, %add3A_250, %dma_start3A_366] : memref<4x8192x1024xf32, #tpu.memory_space<hbm>> -> memref<1x32x1024xf32, #tpu.memory_space<hbm>>
    %dma_start3A_368 = tpu.memref_squeeze %dma_start3A_367 : memref<1x32x1024xf32, #tpu.memory_space<hbm>> -> memref<32x1024xf32, #tpu.memory_space<hbm>>
    %dma_start3A_369 = arith.constant 0 : i32
    %dma_start3A_370 = arith.constant 0 : i32
    %dma_start3A_371 = tpu.memref_slice %arg4[%dma_start3A_357, %dma_start3A_369, %dma_start3A_370] : memref<2x32x1024xf32, #tpu.memory_space<vmem>> -> memref<1x32x1024xf32, #tpu.memory_space<vmem>>
    %dma_start3A_372 = tpu.memref_squeeze %dma_start3A_371 : memref<1x32x1024xf32, #tpu.memory_space<vmem>> -> memref<32x1024xf32, #tpu.memory_space<vmem>>
    tpu.enqueue_dma source(%dma_start3A_372 : memref<32x1024xf32, #tpu.memory_space<vmem>>) target(%dma_start3A_368 : memref<32x1024xf32, #tpu.memory_space<hbm>>) target_semaphore(%arg6 : memref<!tpu.dma_semaphore, #tpu.memory_space<semaphore_mem>>)
    %dma_start3A_373 = arith.constant 0 : i32
    %dma_start3A_374 = arith.constant 2 : i32
    %dma_start3A_375 = arith.constant 0 : i32
    %dma_start3A_376 = arith.constant 0 : i32
    %dma_start3A_377 = tpu.memref_slice %arg4[%dma_start3A_373, %dma_start3A_375, %dma_start3A_376] : memref<2x32x1024xf32, #tpu.memory_space<vmem>> -> memref<1x32x1024xf32, #tpu.memory_space<vmem>>
    %dma_start3A_378 = tpu.memref_squeeze %dma_start3A_377 : memref<1x32x1024xf32, #tpu.memory_space<vmem>> -> memref<32x1024xf32, #tpu.memory_space<vmem>>
    %dma_start3A_379 = arith.constant 0 : i32
    %dma_start3A_380 = tpu.memref_slice %arg3[%dma_start3A_374, %add3A_250, %dma_start3A_379] : memref<4x8192x1024xf32, #tpu.memory_space<hbm>> -> memref<1x32x1024xf32, #tpu.memory_space<hbm>>
    %dma_start3A_381 = tpu.memref_squeeze %dma_start3A_380 : memref<1x32x1024xf32, #tpu.memory_space<hbm>> -> memref<32x1024xf32, #tpu.memory_space<hbm>>
    %dma_start3A_382 = arith.constant 0 : i32
    %dma_start3A_383 = tpu.memref_slice %arg3[%dma_start3A_374, %add3A_250, %dma_start3A_382] : memref<4x8192x1024xf32, #tpu.memory_space<hbm>> -> memref<1x32x1024xf32, #tpu.memory_space<hbm>>
    %dma_start3A_384 = tpu.memref_squeeze %dma_start3A_383 : memref<1x32x1024xf32, #tpu.memory_space<hbm>> -> memref<32x1024xf32, #tpu.memory_space<hbm>>
    %dma_start3A_385 = arith.constant 0 : i32
    %dma_start3A_386 = arith.constant 0 : i32
    %dma_start3A_387 = tpu.memref_slice %arg4[%dma_start3A_373, %dma_start3A_385, %dma_start3A_386] : memref<2x32x1024xf32, #tpu.memory_space<vmem>> -> memref<1x32x1024xf32, #tpu.memory_space<vmem>>
    %dma_start3A_388 = tpu.memref_squeeze %dma_start3A_387 : memref<1x32x1024xf32, #tpu.memory_space<vmem>> -> memref<32x1024xf32, #tpu.memory_space<vmem>>
    tpu.enqueue_dma source(%dma_start3A_388 : memref<32x1024xf32, #tpu.memory_space<vmem>>) target(%dma_start3A_384 : memref<32x1024xf32, #tpu.memory_space<hbm>>) target_semaphore(%arg6 : memref<!tpu.dma_semaphore, #tpu.memory_space<semaphore_mem>>)
    %dma_start3A_389 = arith.constant 0 : i32
    %dma_start3A_390 = arith.constant 3 : i32
    %dma_start3A_391 = arith.constant 0 : i32
    %dma_start3A_392 = arith.constant 0 : i32
    %dma_start3A_393 = tpu.memref_slice %arg4[%dma_start3A_389, %dma_start3A_391, %dma_start3A_392] : memref<2x32x1024xf32, #tpu.memory_space<vmem>> -> memref<1x32x1024xf32, #tpu.memory_space<vmem>>
    %dma_start3A_394 = tpu.memref_squeeze %dma_start3A_393 : memref<1x32x1024xf32, #tpu.memory_space<vmem>> -> memref<32x1024xf32, #tpu.memory_space<vmem>>
    %dma_start3A_395 = arith.constant 0 : i32
    %dma_start3A_396 = tpu.memref_slice %arg3[%dma_start3A_390, %add3A_250, %dma_start3A_395] : memref<4x8192x1024xf32, #tpu.memory_space<hbm>> -> memref<1x32x1024xf32, #tpu.memory_space<hbm>>
    %dma_start3A_397 = tpu.memref_squeeze %dma_start3A_396 : memref<1x32x1024xf32, #tpu.memory_space<hbm>> -> memref<32x1024xf32, #tpu.memory_space<hbm>>
    %dma_start3A_398 = arith.constant 0 : i32
    %dma_start3A_399 = tpu.memref_slice %arg3[%dma_start3A_390, %add3A_250, %dma_start3A_398] : memref<4x8192x1024xf32, #tpu.memory_space<hbm>> -> memref<1x32x1024xf32, #tpu.memory_space<hbm>>
    %dma_start3A_400 = tpu.memref_squeeze %dma_start3A_399 : memref<1x32x1024xf32, #tpu.memory_space<hbm>> -> memref<32x1024xf32, #tpu.memory_space<hbm>>
    %dma_start3A_401 = arith.constant 0 : i32
    %dma_start3A_402 = arith.constant 0 : i32
    %dma_start3A_403 = tpu.memref_slice %arg4[%dma_start3A_389, %dma_start3A_401, %dma_start3A_402] : memref<2x32x1024xf32, #tpu.memory_space<vmem>> -> memref<1x32x1024xf32, #tpu.memory_space<vmem>>
    %dma_start3A_404 = tpu.memref_squeeze %dma_start3A_403 : memref<1x32x1024xf32, #tpu.memory_space<vmem>> -> memref<32x1024xf32, #tpu.memory_space<vmem>>
    tpu.enqueue_dma source(%dma_start3A_404 : memref<32x1024xf32, #tpu.memory_space<vmem>>) target(%dma_start3A_400 : memref<32x1024xf32, #tpu.memory_space<hbm>>) target_semaphore(%arg6 : memref<!tpu.dma_semaphore, #tpu.memory_space<semaphore_mem>>)
    %add3A_405 = arith.constant 96 : i32
    %add3A_406 = arith.addi %mul3A_2, %add3A_405 : i32
    %dma_start3A_407 = arith.constant 1 : i32
    %dma_start3A_408 = arith.constant 0 : i32
    %dma_start3A_409 = arith.constant 0 : i32
    %dma_start3A_410 = tpu.memref_slice %arg4[%dma_start3A_407, %dma_start3A_408, %dma_start3A_409] : memref<2x32x1024xf32, #tpu.memory_space<vmem>> -> memref<1x32x1024xf32, #tpu.memory_space<vmem>>
    %dma_start3A_411 = tpu.memref_squeeze %dma_start3A_410 : memref<1x32x1024xf32, #tpu.memory_space<vmem>> -> memref<32x1024xf32, #tpu.memory_space<vmem>>
    %dma_start3A_412 = arith.constant 0 : i32
    %dma_start3A_413 = tpu.memref_slice %arg2[%add3A_406, %dma_start3A_412] : memref<8192x1024xf32, #tpu.memory_space<hbm>> -> memref<32x1024xf32, #tpu.memory_space<hbm>>
    %dma_start3A_414 = arith.constant 0 : i32
    %dma_start3A_415 = arith.constant 0 : i32
    %dma_start3A_416 = tpu.memref_slice %arg4[%dma_start3A_407, %dma_start3A_414, %dma_start3A_415] : memref<2x32x1024xf32, #tpu.memory_space<vmem>> -> memref<1x32x1024xf32, #tpu.memory_space<vmem>>
    %dma_start3A_417 = tpu.memref_squeeze %dma_start3A_416 : memref<1x32x1024xf32, #tpu.memory_space<vmem>> -> memref<32x1024xf32, #tpu.memory_space<vmem>>
    %dma_start3A_418 = arith.constant 0 : i32
    %dma_start3A_419 = tpu.memref_slice %arg2[%add3A_406, %dma_start3A_418] : memref<8192x1024xf32, #tpu.memory_space<hbm>> -> memref<32x1024xf32, #tpu.memory_space<hbm>>
    tpu.enqueue_dma source(%dma_start3A_419 : memref<32x1024xf32, #tpu.memory_space<hbm>>) target(%dma_start3A_417 : memref<32x1024xf32, #tpu.memory_space<vmem>>) target_semaphore(%arg5 : memref<!tpu.dma_semaphore, #tpu.memory_space<semaphore_mem>>)
    %dma_wait3A_420 = arith.constant 0 : i32
    %dma_wait3A_421 = arith.constant 0 : i32
    %dma_wait3A_422 = arith.constant 0 : i32
    %dma_wait3A_423 = arith.constant 0 : i32
    %dma_wait3A_424 = tpu.memref_slice %arg4[%dma_wait3A_420, %dma_wait3A_422, %dma_wait3A_423] : memref<2x32x1024xf32, #tpu.memory_space<vmem>> -> memref<1x32x1024xf32, #tpu.memory_space<vmem>>
    %dma_wait3A_425 = tpu.memref_squeeze %dma_wait3A_424 : memref<1x32x1024xf32, #tpu.memory_space<vmem>> -> memref<32x1024xf32, #tpu.memory_space<vmem>>
    %dma_wait3A_426 = arith.constant 0 : i32
    %dma_wait3A_427 = tpu.memref_slice %arg3[%dma_wait3A_421, %add3A_250, %dma_wait3A_426] : memref<4x8192x1024xf32, #tpu.memory_space<hbm>> -> memref<1x32x1024xf32, #tpu.memory_space<hbm>>
    %dma_wait3A_428 = tpu.memref_squeeze %dma_wait3A_427 : memref<1x32x1024xf32, #tpu.memory_space<hbm>> -> memref<32x1024xf32, #tpu.memory_space<hbm>>
    %dma_wait3A_429 = arith.constant 0 : i32
    %dma_wait3A_430 = tpu.memref_slice %arg3[%dma_wait3A_421, %add3A_250, %dma_wait3A_429] : memref<4x8192x1024xf32, #tpu.memory_space<hbm>> -> memref<1x32x1024xf32, #tpu.memory_space<hbm>>
    %dma_wait3A_431 = tpu.memref_squeeze %dma_wait3A_430 : memref<1x32x1024xf32, #tpu.memory_space<hbm>> -> memref<32x1024xf32, #tpu.memory_space<hbm>>
    %dma_wait3A_432 = arith.constant 0 : i32
    %dma_wait3A_433 = arith.constant 0 : i32
    %dma_wait3A_434 = tpu.memref_slice %arg4[%dma_wait3A_420, %dma_wait3A_432, %dma_wait3A_433] : memref<2x32x1024xf32, #tpu.memory_space<vmem>> -> memref<1x32x1024xf32, #tpu.memory_space<vmem>>
    %dma_wait3A_435 = tpu.memref_squeeze %dma_wait3A_434 : memref<1x32x1024xf32, #tpu.memory_space<vmem>> -> memref<32x1024xf32, #tpu.memory_space<vmem>>
    tpu.wait_dma2 semaphore(%arg6 : memref<!tpu.dma_semaphore, #tpu.memory_space<semaphore_mem>>) src(%dma_wait3A_435 : memref<32x1024xf32, #tpu.memory_space<vmem>>) dst(%dma_wait3A_431 : memref<32x1024xf32, #tpu.memory_space<hbm>>)
    %dma_wait3A_436 = arith.constant 0 : i32
    %dma_wait3A_437 = arith.constant 1 : i32
    %dma_wait3A_438 = arith.constant 0 : i32
    %dma_wait3A_439 = arith.constant 0 : i32
    %dma_wait3A_440 = tpu.memref_slice %arg4[%dma_wait3A_436, %dma_wait3A_438, %dma_wait3A_439] : memref<2x32x1024xf32, #tpu.memory_space<vmem>> -> memref<1x32x1024xf32, #tpu.memory_space<vmem>>
    %dma_wait3A_441 = tpu.memref_squeeze %dma_wait3A_440 : memref<1x32x1024xf32, #tpu.memory_space<vmem>> -> memref<32x1024xf32, #tpu.memory_space<vmem>>
    %dma_wait3A_442 = arith.constant 0 : i32
    %dma_wait3A_443 = tpu.memref_slice %arg3[%dma_wait3A_437, %add3A_250, %dma_wait3A_442] : memref<4x8192x1024xf32, #tpu.memory_space<hbm>> -> memref<1x32x1024xf32, #tpu.memory_space<hbm>>
    %dma_wait3A_444 = tpu.memref_squeeze %dma_wait3A_443 : memref<1x32x1024xf32, #tpu.memory_space<hbm>> -> memref<32x1024xf32, #tpu.memory_space<hbm>>
    %dma_wait3A_445 = arith.constant 0 : i32
    %dma_wait3A_446 = tpu.memref_slice %arg3[%dma_wait3A_437, %add3A_250, %dma_wait3A_445] : memref<4x8192x1024xf32, #tpu.memory_space<hbm>> -> memref<1x32x1024xf32, #tpu.memory_space<hbm>>
    %dma_wait3A_447 = tpu.memref_squeeze %dma_wait3A_446 : memref<1x32x1024xf32, #tpu.memory_space<hbm>> -> memref<32x1024xf32, #tpu.memory_space<hbm>>
    %dma_wait3A_448 = arith.constant 0 : i32
    %dma_wait3A_449 = arith.constant 0 : i32
    %dma_wait3A_450 = tpu.memref_slice %arg4[%dma_wait3A_436, %dma_wait3A_448, %dma_wait3A_449] : memref<2x32x1024xf32, #tpu.memory_space<vmem>> -> memref<1x32x1024xf32, #tpu.memory_space<vmem>>
    %dma_wait3A_451 = tpu.memref_squeeze %dma_wait3A_450 : memref<1x32x1024xf32, #tpu.memory_space<vmem>> -> memref<32x1024xf32, #tpu.memory_space<vmem>>
    tpu.wait_dma2 semaphore(%arg6 : memref<!tpu.dma_semaphore, #tpu.memory_space<semaphore_mem>>) src(%dma_wait3A_451 : memref<32x1024xf32, #tpu.memory_space<vmem>>) dst(%dma_wait3A_447 : memref<32x1024xf32, #tpu.memory_space<hbm>>)
    %dma_wait3A_452 = arith.constant 0 : i32
    %dma_wait3A_453 = arith.constant 2 : i32
    %dma_wait3A_454 = arith.constant 0 : i32
    %dma_wait3A_455 = arith.constant 0 : i32
    %dma_wait3A_456 = tpu.memref_slice %arg4[%dma_wait3A_452, %dma_wait3A_454, %dma_wait3A_455] : memref<2x32x1024xf32, #tpu.memory_space<vmem>> -> memref<1x32x1024xf32, #tpu.memory_space<vmem>>
    %dma_wait3A_457 = tpu.memref_squeeze %dma_wait3A_456 : memref<1x32x1024xf32, #tpu.memory_space<vmem>> -> memref<32x1024xf32, #tpu.memory_space<vmem>>
    %dma_wait3A_458 = arith.constant 0 : i32
    %dma_wait3A_459 = tpu.memref_slice %arg3[%dma_wait3A_453, %add3A_250, %dma_wait3A_458] : memref<4x8192x1024xf32, #tpu.memory_space<hbm>> -> memref<1x32x1024xf32, #tpu.memory_space<hbm>>
    %dma_wait3A_460 = tpu.memref_squeeze %dma_wait3A_459 : memref<1x32x1024xf32, #tpu.memory_space<hbm>> -> memref<32x1024xf32, #tpu.memory_space<hbm>>
    %dma_wait3A_461 = arith.constant 0 : i32
    %dma_wait3A_462 = tpu.memref_slice %arg3[%dma_wait3A_453, %add3A_250, %dma_wait3A_461] : memref<4x8192x1024xf32, #tpu.memory_space<hbm>> -> memref<1x32x1024xf32, #tpu.memory_space<hbm>>
    %dma_wait3A_463 = tpu.memref_squeeze %dma_wait3A_462 : memref<1x32x1024xf32, #tpu.memory_space<hbm>> -> memref<32x1024xf32, #tpu.memory_space<hbm>>
    %dma_wait3A_464 = arith.constant 0 : i32
    %dma_wait3A_465 = arith.constant 0 : i32
    %dma_wait3A_466 = tpu.memref_slice %arg4[%dma_wait3A_452, %dma_wait3A_464, %dma_wait3A_465] : memref<2x32x1024xf32, #tpu.memory_space<vmem>> -> memref<1x32x1024xf32, #tpu.memory_space<vmem>>
    %dma_wait3A_467 = tpu.memref_squeeze %dma_wait3A_466 : memref<1x32x1024xf32, #tpu.memory_space<vmem>> -> memref<32x1024xf32, #tpu.memory_space<vmem>>
    tpu.wait_dma2 semaphore(%arg6 : memref<!tpu.dma_semaphore, #tpu.memory_space<semaphore_mem>>) src(%dma_wait3A_467 : memref<32x1024xf32, #tpu.memory_space<vmem>>) dst(%dma_wait3A_463 : memref<32x1024xf32, #tpu.memory_space<hbm>>)
    %dma_wait3A_468 = arith.constant 0 : i32
    %dma_wait3A_469 = arith.constant 3 : i32
    %dma_wait3A_470 = arith.constant 0 : i32
    %dma_wait3A_471 = arith.constant 0 : i32
    %dma_wait3A_472 = tpu.memref_slice %arg4[%dma_wait3A_468, %dma_wait3A_470, %dma_wait3A_471] : memref<2x32x1024xf32, #tpu.memory_space<vmem>> -> memref<1x32x1024xf32, #tpu.memory_space<vmem>>
    %dma_wait3A_473 = tpu.memref_squeeze %dma_wait3A_472 : memref<1x32x1024xf32, #tpu.memory_space<vmem>> -> memref<32x1024xf32, #tpu.memory_space<vmem>>
    %dma_wait3A_474 = arith.constant 0 : i32
    %dma_wait3A_475 = tpu.memref_slice %arg3[%dma_wait3A_469, %add3A_250, %dma_wait3A_474] : memref<4x8192x1024xf32, #tpu.memory_space<hbm>> -> memref<1x32x1024xf32, #tpu.memory_space<hbm>>
    %dma_wait3A_476 = tpu.memref_squeeze %dma_wait3A_475 : memref<1x32x1024xf32, #tpu.memory_space<hbm>> -> memref<32x1024xf32, #tpu.memory_space<hbm>>
    %dma_wait3A_477 = arith.constant 0 : i32
    %dma_wait3A_478 = tpu.memref_slice %arg3[%dma_wait3A_469, %add3A_250, %dma_wait3A_477] : memref<4x8192x1024xf32, #tpu.memory_space<hbm>> -> memref<1x32x1024xf32, #tpu.memory_space<hbm>>
    %dma_wait3A_479 = tpu.memref_squeeze %dma_wait3A_478 : memref<1x32x1024xf32, #tpu.memory_space<hbm>> -> memref<32x1024xf32, #tpu.memory_space<hbm>>
    %dma_wait3A_480 = arith.constant 0 : i32
    %dma_wait3A_481 = arith.constant 0 : i32
    %dma_wait3A_482 = tpu.memref_slice %arg4[%dma_wait3A_468, %dma_wait3A_480, %dma_wait3A_481] : memref<2x32x1024xf32, #tpu.memory_space<vmem>> -> memref<1x32x1024xf32, #tpu.memory_space<vmem>>
    %dma_wait3A_483 = tpu.memref_squeeze %dma_wait3A_482 : memref<1x32x1024xf32, #tpu.memory_space<vmem>> -> memref<32x1024xf32, #tpu.memory_space<vmem>>
    tpu.wait_dma2 semaphore(%arg6 : memref<!tpu.dma_semaphore, #tpu.memory_space<semaphore_mem>>) src(%dma_wait3A_483 : memref<32x1024xf32, #tpu.memory_space<vmem>>) dst(%dma_wait3A_479 : memref<32x1024xf32, #tpu.memory_space<hbm>>)
    %dma_wait3A_484 = arith.constant 1 : i32
    %dma_wait3A_485 = arith.constant 0 : i32
    %dma_wait3A_486 = arith.constant 0 : i32
    %dma_wait3A_487 = tpu.memref_slice %arg4[%dma_wait3A_484, %dma_wait3A_485, %dma_wait3A_486] : memref<2x32x1024xf32, #tpu.memory_space<vmem>> -> memref<1x32x1024xf32, #tpu.memory_space<vmem>>
    %dma_wait3A_488 = tpu.memref_squeeze %dma_wait3A_487 : memref<1x32x1024xf32, #tpu.memory_space<vmem>> -> memref<32x1024xf32, #tpu.memory_space<vmem>>
    %dma_wait3A_489 = arith.constant 0 : i32
    %dma_wait3A_490 = tpu.memref_slice %arg2[%add3A_406, %dma_wait3A_489] : memref<8192x1024xf32, #tpu.memory_space<hbm>> -> memref<32x1024xf32, #tpu.memory_space<hbm>>
    %dma_wait3A_491 = arith.constant 0 : i32
    %dma_wait3A_492 = arith.constant 0 : i32
    %dma_wait3A_493 = tpu.memref_slice %arg4[%dma_wait3A_484, %dma_wait3A_491, %dma_wait3A_492] : memref<2x32x1024xf32, #tpu.memory_space<vmem>> -> memref<1x32x1024xf32, #tpu.memory_space<vmem>>
    %dma_wait3A_494 = tpu.memref_squeeze %dma_wait3A_493 : memref<1x32x1024xf32, #tpu.memory_space<vmem>> -> memref<32x1024xf32, #tpu.memory_space<vmem>>
    %dma_wait3A_495 = arith.constant 0 : i32
    %dma_wait3A_496 = tpu.memref_slice %arg2[%add3A_406, %dma_wait3A_495] : memref<8192x1024xf32, #tpu.memory_space<hbm>> -> memref<32x1024xf32, #tpu.memory_space<hbm>>
    tpu.wait_dma2 semaphore(%arg5 : memref<!tpu.dma_semaphore, #tpu.memory_space<semaphore_mem>>) src(%dma_wait3A_496 : memref<32x1024xf32, #tpu.memory_space<hbm>>) dst(%dma_wait3A_494 : memref<32x1024xf32, #tpu.memory_space<vmem>>)
    %dma_start3A_497 = arith.constant 1 : i32
    %dma_start3A_498 = arith.constant 0 : i32
    %dma_start3A_499 = arith.constant 0 : i32
    %dma_start3A_500 = arith.constant 0 : i32
    %dma_start3A_501 = tpu.memref_slice %arg4[%dma_start3A_497, %dma_start3A_499, %dma_start3A_500] : memref<2x32x1024xf32, #tpu.memory_space<vmem>> -> memref<1x32x1024xf32, #tpu.memory_space<vmem>>
    %dma_start3A_502 = tpu.memref_squeeze %dma_start3A_501 : memref<1x32x1024xf32, #tpu.memory_space<vmem>> -> memref<32x1024xf32, #tpu.memory_space<vmem>>
    %dma_start3A_503 = arith.constant 0 : i32
    %dma_start3A_504 = tpu.memref_slice %arg3[%dma_start3A_498, %add3A_406, %dma_start3A_503] : memref<4x8192x1024xf32, #tpu.memory_space<hbm>> -> memref<1x32x1024xf32, #tpu.memory_space<hbm>>
    %dma_start3A_505 = tpu.memref_squeeze %dma_start3A_504 : memref<1x32x1024xf32, #tpu.memory_space<hbm>> -> memref<32x1024xf32, #tpu.memory_space<hbm>>
    %dma_start3A_506 = arith.constant 0 : i32
    %dma_start3A_507 = tpu.memref_slice %arg3[%dma_start3A_498, %add3A_406, %dma_start3A_506] : memref<4x8192x1024xf32, #tpu.memory_space<hbm>> -> memref<1x32x1024xf32, #tpu.memory_space<hbm>>
    %dma_start3A_508 = tpu.memref_squeeze %dma_start3A_507 : memref<1x32x1024xf32, #tpu.memory_space<hbm>> -> memref<32x1024xf32, #tpu.memory_space<hbm>>
    %dma_start3A_509 = arith.constant 0 : i32
    %dma_start3A_510 = arith.constant 0 : i32
    %dma_start3A_511 = tpu.memref_slice %arg4[%dma_start3A_497, %dma_start3A_509, %dma_start3A_510] : memref<2x32x1024xf32, #tpu.memory_space<vmem>> -> memref<1x32x1024xf32, #tpu.memory_space<vmem>>
    %dma_start3A_512 = tpu.memref_squeeze %dma_start3A_511 : memref<1x32x1024xf32, #tpu.memory_space<vmem>> -> memref<32x1024xf32, #tpu.memory_space<vmem>>
    tpu.enqueue_dma source(%dma_start3A_512 : memref<32x1024xf32, #tpu.memory_space<vmem>>) target(%dma_start3A_508 : memref<32x1024xf32, #tpu.memory_space<hbm>>) target_semaphore(%arg6 : memref<!tpu.dma_semaphore, #tpu.memory_space<semaphore_mem>>)
    %dma_start3A_513 = arith.constant 1 : i32
    %dma_start3A_514 = arith.constant 1 : i32
    %dma_start3A_515 = arith.constant 0 : i32
    %dma_start3A_516 = arith.constant 0 : i32
    %dma_start3A_517 = tpu.memref_slice %arg4[%dma_start3A_513, %dma_start3A_515, %dma_start3A_516] : memref<2x32x1024xf32, #tpu.memory_space<vmem>> -> memref<1x32x1024xf32, #tpu.memory_space<vmem>>
    %dma_start3A_518 = tpu.memref_squeeze %dma_start3A_517 : memref<1x32x1024xf32, #tpu.memory_space<vmem>> -> memref<32x1024xf32, #tpu.memory_space<vmem>>
    %dma_start3A_519 = arith.constant 0 : i32
    %dma_start3A_520 = tpu.memref_slice %arg3[%dma_start3A_514, %add3A_406, %dma_start3A_519] : memref<4x8192x1024xf32, #tpu.memory_space<hbm>> -> memref<1x32x1024xf32, #tpu.memory_space<hbm>>
    %dma_start3A_521 = tpu.memref_squeeze %dma_start3A_520 : memref<1x32x1024xf32, #tpu.memory_space<hbm>> -> memref<32x1024xf32, #tpu.memory_space<hbm>>
    %dma_start3A_522 = arith.constant 0 : i32
    %dma_start3A_523 = tpu.memref_slice %arg3[%dma_start3A_514, %add3A_406, %dma_start3A_522] : memref<4x8192x1024xf32, #tpu.memory_space<hbm>> -> memref<1x32x1024xf32, #tpu.memory_space<hbm>>
    %dma_start3A_524 = tpu.memref_squeeze %dma_start3A_523 : memref<1x32x1024xf32, #tpu.memory_space<hbm>> -> memref<32x1024xf32, #tpu.memory_space<hbm>>
    %dma_start3A_525 = arith.constant 0 : i32
    %dma_start3A_526 = arith.constant 0 : i32
    %dma_start3A_527 = tpu.memref_slice %arg4[%dma_start3A_513, %dma_start3A_525, %dma_start3A_526] : memref<2x32x1024xf32, #tpu.memory_space<vmem>> -> memref<1x32x1024xf32, #tpu.memory_space<vmem>>
    %dma_start3A_528 = tpu.memref_squeeze %dma_start3A_527 : memref<1x32x1024xf32, #tpu.memory_space<vmem>> -> memref<32x1024xf32, #tpu.memory_space<vmem>>
    tpu.enqueue_dma source(%dma_start3A_528 : memref<32x1024xf32, #tpu.memory_space<vmem>>) target(%dma_start3A_524 : memref<32x1024xf32, #tpu.memory_space<hbm>>) target_semaphore(%arg6 : memref<!tpu.dma_semaphore, #tpu.memory_space<semaphore_mem>>)
    %dma_start3A_529 = arith.constant 1 : i32
    %dma_start3A_530 = arith.constant 2 : i32
    %dma_start3A_531 = arith.constant 0 : i32
    %dma_start3A_532 = arith.constant 0 : i32
    %dma_start3A_533 = tpu.memref_slice %arg4[%dma_start3A_529, %dma_start3A_531, %dma_start3A_532] : memref<2x32x1024xf32, #tpu.memory_space<vmem>> -> memref<1x32x1024xf32, #tpu.memory_space<vmem>>
    %dma_start3A_534 = tpu.memref_squeeze %dma_start3A_533 : memref<1x32x1024xf32, #tpu.memory_space<vmem>> -> memref<32x1024xf32, #tpu.memory_space<vmem>>
    %dma_start3A_535 = arith.constant 0 : i32
    %dma_start3A_536 = tpu.memref_slice %arg3[%dma_start3A_530, %add3A_406, %dma_start3A_535] : memref<4x8192x1024xf32, #tpu.memory_space<hbm>> -> memref<1x32x1024xf32, #tpu.memory_space<hbm>>
    %dma_start3A_537 = tpu.memref_squeeze %dma_start3A_536 : memref<1x32x1024xf32, #tpu.memory_space<hbm>> -> memref<32x1024xf32, #tpu.memory_space<hbm>>
    %dma_start3A_538 = arith.constant 0 : i32
    %dma_start3A_539 = tpu.memref_slice %arg3[%dma_start3A_530, %add3A_406, %dma_start3A_538] : memref<4x8192x1024xf32, #tpu.memory_space<hbm>> -> memref<1x32x1024xf32, #tpu.memory_space<hbm>>
    %dma_start3A_540 = tpu.memref_squeeze %dma_start3A_539 : memref<1x32x1024xf32, #tpu.memory_space<hbm>> -> memref<32x1024xf32, #tpu.memory_space<hbm>>
    %dma_start3A_541 = arith.constant 0 : i32
    %dma_start3A_542 = arith.constant 0 : i32
    %dma_start3A_543 = tpu.memref_slice %arg4[%dma_start3A_529, %dma_start3A_541, %dma_start3A_542] : memref<2x32x1024xf32, #tpu.memory_space<vmem>> -> memref<1x32x1024xf32, #tpu.memory_space<vmem>>
    %dma_start3A_544 = tpu.memref_squeeze %dma_start3A_543 : memref<1x32x1024xf32, #tpu.memory_space<vmem>> -> memref<32x1024xf32, #tpu.memory_space<vmem>>
    tpu.enqueue_dma source(%dma_start3A_544 : memref<32x1024xf32, #tpu.memory_space<vmem>>) target(%dma_start3A_540 : memref<32x1024xf32, #tpu.memory_space<hbm>>) target_semaphore(%arg6 : memref<!tpu.dma_semaphore, #tpu.memory_space<semaphore_mem>>)
    %dma_start3A_545 = arith.constant 1 : i32
    %dma_start3A_546 = arith.constant 3 : i32
    %dma_start3A_547 = arith.constant 0 : i32
    %dma_start3A_548 = arith.constant 0 : i32
    %dma_start3A_549 = tpu.memref_slice %arg4[%dma_start3A_545, %dma_start3A_547, %dma_start3A_548] : memref<2x32x1024xf32, #tpu.memory_space<vmem>> -> memref<1x32x1024xf32, #tpu.memory_space<vmem>>
    %dma_start3A_550 = tpu.memref_squeeze %dma_start3A_549 : memref<1x32x1024xf32, #tpu.memory_space<vmem>> -> memref<32x1024xf32, #tpu.memory_space<vmem>>
    %dma_start3A_551 = arith.constant 0 : i32
    %dma_start3A_552 = tpu.memref_slice %arg3[%dma_start3A_546, %add3A_406, %dma_start3A_551] : memref<4x8192x1024xf32, #tpu.memory_space<hbm>> -> memref<1x32x1024xf32, #tpu.memory_space<hbm>>
    %dma_start3A_553 = tpu.memref_squeeze %dma_start3A_552 : memref<1x32x1024xf32, #tpu.memory_space<hbm>> -> memref<32x1024xf32, #tpu.memory_space<hbm>>
    %dma_start3A_554 = arith.constant 0 : i32
    %dma_start3A_555 = tpu.memref_slice %arg3[%dma_start3A_546, %add3A_406, %dma_start3A_554] : memref<4x8192x1024xf32, #tpu.memory_space<hbm>> -> memref<1x32x1024xf32, #tpu.memory_space<hbm>>
    %dma_start3A_556 = tpu.memref_squeeze %dma_start3A_555 : memref<1x32x1024xf32, #tpu.memory_space<hbm>> -> memref<32x1024xf32, #tpu.memory_space<hbm>>
    %dma_start3A_557 = arith.constant 0 : i32
    %dma_start3A_558 = arith.constant 0 : i32
    %dma_start3A_559 = tpu.memref_slice %arg4[%dma_start3A_545, %dma_start3A_557, %dma_start3A_558] : memref<2x32x1024xf32, #tpu.memory_space<vmem>> -> memref<1x32x1024xf32, #tpu.memory_space<vmem>>
    %dma_start3A_560 = tpu.memref_squeeze %dma_start3A_559 : memref<1x32x1024xf32, #tpu.memory_space<vmem>> -> memref<32x1024xf32, #tpu.memory_space<vmem>>
    tpu.enqueue_dma source(%dma_start3A_560 : memref<32x1024xf32, #tpu.memory_space<vmem>>) target(%dma_start3A_556 : memref<32x1024xf32, #tpu.memory_space<hbm>>) target_semaphore(%arg6 : memref<!tpu.dma_semaphore, #tpu.memory_space<semaphore_mem>>)
    %add3A_561 = arith.constant 128 : i32
    %add3A_562 = arith.addi %mul3A_2, %add3A_561 : i32
    %dma_start3A_563 = arith.constant 0 : i32
    %dma_start3A_564 = arith.constant 0 : i32
    %dma_start3A_565 = arith.constant 0 : i32
    %dma_start3A_566 = tpu.memref_slice %arg4[%dma_start3A_563, %dma_start3A_564, %dma_start3A_565] : memref<2x32x1024xf32, #tpu.memory_space<vmem>> -> memref<1x32x1024xf32, #tpu.memory_space<vmem>>
    %dma_start3A_567 = tpu.memref_squeeze %dma_start3A_566 : memref<1x32x1024xf32, #tpu.memory_space<vmem>> -> memref<32x1024xf32, #tpu.memory_space<vmem>>
    %dma_start3A_568 = arith.constant 0 : i32
    %dma_start3A_569 = tpu.memref_slice %arg2[%add3A_562, %dma_start3A_568] : memref<8192x1024xf32, #tpu.memory_space<hbm>> -> memref<32x1024xf32, #tpu.memory_space<hbm>>
    %dma_start3A_570 = arith.constant 0 : i32
    %dma_start3A_571 = arith.constant 0 : i32
    %dma_start3A_572 = tpu.memref_slice %arg4[%dma_start3A_563, %dma_start3A_570, %dma_start3A_571] : memref<2x32x1024xf32, #tpu.memory_space<vmem>> -> memref<1x32x1024xf32, #tpu.memory_space<vmem>>
    %dma_start3A_573 = tpu.memref_squeeze %dma_start3A_572 : memref<1x32x1024xf32, #tpu.memory_space<vmem>> -> memref<32x1024xf32, #tpu.memory_space<vmem>>
    %dma_start3A_574 = arith.constant 0 : i32
    %dma_start3A_575 = tpu.memref_slice %arg2[%add3A_562, %dma_start3A_574] : memref<8192x1024xf32, #tpu.memory_space<hbm>> -> memref<32x1024xf32, #tpu.memory_space<hbm>>
    tpu.enqueue_dma source(%dma_start3A_575 : memref<32x1024xf32, #tpu.memory_space<hbm>>) target(%dma_start3A_573 : memref<32x1024xf32, #tpu.memory_space<vmem>>) target_semaphore(%arg5 : memref<!tpu.dma_semaphore, #tpu.memory_space<semaphore_mem>>)
    %dma_wait3A_576 = arith.constant 1 : i32
    %dma_wait3A_577 = arith.constant 0 : i32
    %dma_wait3A_578 = arith.constant 0 : i32
    %dma_wait3A_579 = arith.constant 0 : i32
    %dma_wait3A_580 = tpu.memref_slice %arg4[%dma_wait3A_576, %dma_wait3A_578, %dma_wait3A_579] : memref<2x32x1024xf32, #tpu.memory_space<vmem>> -> memref<1x32x1024xf32, #tpu.memory_space<vmem>>
    %dma_wait3A_581 = tpu.memref_squeeze %dma_wait3A_580 : memref<1x32x1024xf32, #tpu.memory_space<vmem>> -> memref<32x1024xf32, #tpu.memory_space<vmem>>
    %dma_wait3A_582 = arith.constant 0 : i32
    %dma_wait3A_583 = tpu.memref_slice %arg3[%dma_wait3A_577, %add3A_406, %dma_wait3A_582] : memref<4x8192x1024xf32, #tpu.memory_space<hbm>> -> memref<1x32x1024xf32, #tpu.memory_space<hbm>>
    %dma_wait3A_584 = tpu.memref_squeeze %dma_wait3A_583 : memref<1x32x1024xf32, #tpu.memory_space<hbm>> -> memref<32x1024xf32, #tpu.memory_space<hbm>>
    %dma_wait3A_585 = arith.constant 0 : i32
    %dma_wait3A_586 = tpu.memref_slice %arg3[%dma_wait3A_577, %add3A_406, %dma_wait3A_585] : memref<4x8192x1024xf32, #tpu.memory_space<hbm>> -> memref<1x32x1024xf32, #tpu.memory_space<hbm>>
    %dma_wait3A_587 = tpu.memref_squeeze %dma_wait3A_586 : memref<1x32x1024xf32, #tpu.memory_space<hbm>> -> memref<32x1024xf32, #tpu.memory_space<hbm>>
    %dma_wait3A_588 = arith.constant 0 : i32
    %dma_wait3A_589 = arith.constant 0 : i32
    %dma_wait3A_590 = tpu.memref_slice %arg4[%dma_wait3A_576, %dma_wait3A_588, %dma_wait3A_589] : memref<2x32x1024xf32, #tpu.memory_space<vmem>> -> memref<1x32x1024xf32, #tpu.memory_space<vmem>>
    %dma_wait3A_591 = tpu.memref_squeeze %dma_wait3A_590 : memref<1x32x1024xf32, #tpu.memory_space<vmem>> -> memref<32x1024xf32, #tpu.memory_space<vmem>>
    tpu.wait_dma2 semaphore(%arg6 : memref<!tpu.dma_semaphore, #tpu.memory_space<semaphore_mem>>) src(%dma_wait3A_591 : memref<32x1024xf32, #tpu.memory_space<vmem>>) dst(%dma_wait3A_587 : memref<32x1024xf32, #tpu.memory_space<hbm>>)
    %dma_wait3A_592 = arith.constant 1 : i32
    %dma_wait3A_593 = arith.constant 1 : i32
    %dma_wait3A_594 = arith.constant 0 : i32
    %dma_wait3A_595 = arith.constant 0 : i32
    %dma_wait3A_596 = tpu.memref_slice %arg4[%dma_wait3A_592, %dma_wait3A_594, %dma_wait3A_595] : memref<2x32x1024xf32, #tpu.memory_space<vmem>> -> memref<1x32x1024xf32, #tpu.memory_space<vmem>>
    %dma_wait3A_597 = tpu.memref_squeeze %dma_wait3A_596 : memref<1x32x1024xf32, #tpu.memory_space<vmem>> -> memref<32x1024xf32, #tpu.memory_space<vmem>>
    %dma_wait3A_598 = arith.constant 0 : i32
    %dma_wait3A_599 = tpu.memref_slice %arg3[%dma_wait3A_593, %add3A_406, %dma_wait3A_598] : memref<4x8192x1024xf32, #tpu.memory_space<hbm>> -> memref<1x32x1024xf32, #tpu.memory_space<hbm>>
    %dma_wait3A_600 = tpu.memref_squeeze %dma_wait3A_599 : memref<1x32x1024xf32, #tpu.memory_space<hbm>> -> memref<32x1024xf32, #tpu.memory_space<hbm>>
    %dma_wait3A_601 = arith.constant 0 : i32
    %dma_wait3A_602 = tpu.memref_slice %arg3[%dma_wait3A_593, %add3A_406, %dma_wait3A_601] : memref<4x8192x1024xf32, #tpu.memory_space<hbm>> -> memref<1x32x1024xf32, #tpu.memory_space<hbm>>
    %dma_wait3A_603 = tpu.memref_squeeze %dma_wait3A_602 : memref<1x32x1024xf32, #tpu.memory_space<hbm>> -> memref<32x1024xf32, #tpu.memory_space<hbm>>
    %dma_wait3A_604 = arith.constant 0 : i32
    %dma_wait3A_605 = arith.constant 0 : i32
    %dma_wait3A_606 = tpu.memref_slice %arg4[%dma_wait3A_592, %dma_wait3A_604, %dma_wait3A_605] : memref<2x32x1024xf32, #tpu.memory_space<vmem>> -> memref<1x32x1024xf32, #tpu.memory_space<vmem>>
    %dma_wait3A_607 = tpu.memref_squeeze %dma_wait3A_606 : memref<1x32x1024xf32, #tpu.memory_space<vmem>> -> memref<32x1024xf32, #tpu.memory_space<vmem>>
    tpu.wait_dma2 semaphore(%arg6 : memref<!tpu.dma_semaphore, #tpu.memory_space<semaphore_mem>>) src(%dma_wait3A_607 : memref<32x1024xf32, #tpu.memory_space<vmem>>) dst(%dma_wait3A_603 : memref<32x1024xf32, #tpu.memory_space<hbm>>)
    %dma_wait3A_608 = arith.constant 1 : i32
    %dma_wait3A_609 = arith.constant 2 : i32
    %dma_wait3A_610 = arith.constant 0 : i32
    %dma_wait3A_611 = arith.constant 0 : i32
    %dma_wait3A_612 = tpu.memref_slice %arg4[%dma_wait3A_608, %dma_wait3A_610, %dma_wait3A_611] : memref<2x32x1024xf32, #tpu.memory_space<vmem>> -> memref<1x32x1024xf32, #tpu.memory_space<vmem>>
    %dma_wait3A_613 = tpu.memref_squeeze %dma_wait3A_612 : memref<1x32x1024xf32, #tpu.memory_space<vmem>> -> memref<32x1024xf32, #tpu.memory_space<vmem>>
    %dma_wait3A_614 = arith.constant 0 : i32
    %dma_wait3A_615 = tpu.memref_slice %arg3[%dma_wait3A_609, %add3A_406, %dma_wait3A_614] : memref<4x8192x1024xf32, #tpu.memory_space<hbm>> -> memref<1x32x1024xf32, #tpu.memory_space<hbm>>
    %dma_wait3A_616 = tpu.memref_squeeze %dma_wait3A_615 : memref<1x32x1024xf32, #tpu.memory_space<hbm>> -> memref<32x1024xf32, #tpu.memory_space<hbm>>
    %dma_wait3A_617 = arith.constant 0 : i32
    %dma_wait3A_618 = tpu.memref_slice %arg3[%dma_wait3A_609, %add3A_406, %dma_wait3A_617] : memref<4x8192x1024xf32, #tpu.memory_space<hbm>> -> memref<1x32x1024xf32, #tpu.memory_space<hbm>>
    %dma_wait3A_619 = tpu.memref_squeeze %dma_wait3A_618 : memref<1x32x1024xf32, #tpu.memory_space<hbm>> -> memref<32x1024xf32, #tpu.memory_space<hbm>>
    %dma_wait3A_620 = arith.constant 0 : i32
    %dma_wait3A_621 = arith.constant 0 : i32
    %dma_wait3A_622 = tpu.memref_slice %arg4[%dma_wait3A_608, %dma_wait3A_620, %dma_wait3A_621] : memref<2x32x1024xf32, #tpu.memory_space<vmem>> -> memref<1x32x1024xf32, #tpu.memory_space<vmem>>
    %dma_wait3A_623 = tpu.memref_squeeze %dma_wait3A_622 : memref<1x32x1024xf32, #tpu.memory_space<vmem>> -> memref<32x1024xf32, #tpu.memory_space<vmem>>
    tpu.wait_dma2 semaphore(%arg6 : memref<!tpu.dma_semaphore, #tpu.memory_space<semaphore_mem>>) src(%dma_wait3A_623 : memref<32x1024xf32, #tpu.memory_space<vmem>>) dst(%dma_wait3A_619 : memref<32x1024xf32, #tpu.memory_space<hbm>>)
    %dma_wait3A_624 = arith.constant 1 : i32
    %dma_wait3A_625 = arith.constant 3 : i32
    %dma_wait3A_626 = arith.constant 0 : i32
    %dma_wait3A_627 = arith.constant 0 : i32
    %dma_wait3A_628 = tpu.memref_slice %arg4[%dma_wait3A_624, %dma_wait3A_626, %dma_wait3A_627] : memref<2x32x1024xf32, #tpu.memory_space<vmem>> -> memref<1x32x1024xf32, #tpu.memory_space<vmem>>
    %dma_wait3A_629 = tpu.memref_squeeze %dma_wait3A_628 : memref<1x32x1024xf32, #tpu.memory_space<vmem>> -> memref<32x1024xf32, #tpu.memory_space<vmem>>
    %dma_wait3A_630 = arith.constant 0 : i32
    %dma_wait3A_631 = tpu.memref_slice %arg3[%dma_wait3A_625, %add3A_406, %dma_wait3A_630] : memref<4x8192x1024xf32, #tpu.memory_space<hbm>> -> memref<1x32x1024xf32, #tpu.memory_space<hbm>>
    %dma_wait3A_632 = tpu.memref_squeeze %dma_wait3A_631 : memref<1x32x1024xf32, #tpu.memory_space<hbm>> -> memref<32x1024xf32, #tpu.memory_space<hbm>>
    %dma_wait3A_633 = arith.constant 0 : i32
    %dma_wait3A_634 = tpu.memref_slice %arg3[%dma_wait3A_625, %add3A_406, %dma_wait3A_633] : memref<4x8192x1024xf32, #tpu.memory_space<hbm>> -> memref<1x32x1024xf32, #tpu.memory_space<hbm>>
    %dma_wait3A_635 = tpu.memref_squeeze %dma_wait3A_634 : memref<1x32x1024xf32, #tpu.memory_space<hbm>> -> memref<32x1024xf32, #tpu.memory_space<hbm>>
    %dma_wait3A_636 = arith.constant 0 : i32
    %dma_wait3A_637 = arith.constant 0 : i32
    %dma_wait3A_638 = tpu.memref_slice %arg4[%dma_wait3A_624, %dma_wait3A_636, %dma_wait3A_637] : memref<2x32x1024xf32, #tpu.memory_space<vmem>> -> memref<1x32x1024xf32, #tpu.memory_space<vmem>>
    %dma_wait3A_639 = tpu.memref_squeeze %dma_wait3A_638 : memref<1x32x1024xf32, #tpu.memory_space<vmem>> -> memref<32x1024xf32, #tpu.memory_space<vmem>>
    tpu.wait_dma2 semaphore(%arg6 : memref<!tpu.dma_semaphore, #tpu.memory_space<semaphore_mem>>) src(%dma_wait3A_639 : memref<32x1024xf32, #tpu.memory_space<vmem>>) dst(%dma_wait3A_635 : memref<32x1024xf32, #tpu.memory_space<hbm>>)
    %dma_wait3A_640 = arith.constant 0 : i32
    %dma_wait3A_641 = arith.constant 0 : i32
    %dma_wait3A_642 = arith.constant 0 : i32
    %dma_wait3A_643 = tpu.memref_slice %arg4[%dma_wait3A_640, %dma_wait3A_641, %dma_wait3A_642] : memref<2x32x1024xf32, #tpu.memory_space<vmem>> -> memref<1x32x1024xf32, #tpu.memory_space<vmem>>
    %dma_wait3A_644 = tpu.memref_squeeze %dma_wait3A_643 : memref<1x32x1024xf32, #tpu.memory_space<vmem>> -> memref<32x1024xf32, #tpu.memory_space<vmem>>
    %dma_wait3A_645 = arith.constant 0 : i32
    %dma_wait3A_646 = tpu.memref_slice %arg2[%add3A_562, %dma_wait3A_645] : memref<8192x1024xf32, #tpu.memory_space<hbm>> -> memref<32x1024xf32, #tpu.memory_space<hbm>>
    %dma_wait3A_647 = arith.constant 0 : i32
    %dma_wait3A_648 = arith.constant 0 : i32
    %dma_wait3A_649 = tpu.memref_slice %arg4[%dma_wait3A_640, %dma_wait3A_647, %dma_wait3A_648] : memref<2x32x1024xf32, #tpu.memory_space<vmem>> -> memref<1x32x1024xf32, #tpu.memory_space<vmem>>
    %dma_wait3A_650 = tpu.memref_squeeze %dma_wait3A_649 : memref<1x32x1024xf32, #tpu.memory_space<vmem>> -> memref<32x1024xf32, #tpu.memory_space<vmem>>
    %dma_wait3A_651 = arith.constant 0 : i32
    %dma_wait3A_652 = tpu.memref_slice %arg2[%add3A_562, %dma_wait3A_651] : memref<8192x1024xf32, #tpu.memory_space<hbm>> -> memref<32x1024xf32, #tpu.memory_space<hbm>>
    tpu.wait_dma2 semaphore(%arg5 : memref<!tpu.dma_semaphore, #tpu.memory_space<semaphore_mem>>) src(%dma_wait3A_652 : memref<32x1024xf32, #tpu.memory_space<hbm>>) dst(%dma_wait3A_650 : memref<32x1024xf32, #tpu.memory_space<vmem>>)
    %dma_start3A_653 = arith.constant 0 : i32
    %dma_start3A_654 = arith.constant 0 : i32
    %dma_start3A_655 = arith.constant 0 : i32
    %dma_start3A_656 = arith.constant 0 : i32
    %dma_start3A_657 = tpu.memref_slice %arg4[%dma_start3A_653, %dma_start3A_655, %dma_start3A_656] : memref<2x32x1024xf32, #tpu.memory_space<vmem>> -> memref<1x32x1024xf32, #tpu.memory_space<vmem>>
    %dma_start3A_658 = tpu.memref_squeeze %dma_start3A_657 : memref<1x32x1024xf32, #tpu.memory_space<vmem>> -> memref<32x1024xf32, #tpu.memory_space<vmem>>
    %dma_start3A_659 = arith.constant 0 : i32
    %dma_start3A_660 = tpu.memref_slice %arg3[%dma_start3A_654, %add3A_562, %dma_start3A_659] : memref<4x8192x1024xf32, #tpu.memory_space<hbm>> -> memref<1x32x1024xf32, #tpu.memory_space<hbm>>
    %dma_start3A_661 = tpu.memref_squeeze %dma_start3A_660 : memref<1x32x1024xf32, #tpu.memory_space<hbm>> -> memref<32x1024xf32, #tpu.memory_space<hbm>>
    %dma_start3A_662 = arith.constant 0 : i32
    %dma_start3A_663 = tpu.memref_slice %arg3[%dma_start3A_654, %add3A_562, %dma_start3A_662] : memref<4x8192x1024xf32, #tpu.memory_space<hbm>> -> memref<1x32x1024xf32, #tpu.memory_space<hbm>>
    %dma_start3A_664 = tpu.memref_squeeze %dma_start3A_663 : memref<1x32x1024xf32, #tpu.memory_space<hbm>> -> memref<32x1024xf32, #tpu.memory_space<hbm>>
    %dma_start3A_665 = arith.constant 0 : i32
    %dma_start3A_666 = arith.constant 0 : i32
    %dma_start3A_667 = tpu.memref_slice %arg4[%dma_start3A_653, %dma_start3A_665, %dma_start3A_666] : memref<2x32x1024xf32, #tpu.memory_space<vmem>> -> memref<1x32x1024xf32, #tpu.memory_space<vmem>>
    %dma_start3A_668 = tpu.memref_squeeze %dma_start3A_667 : memref<1x32x1024xf32, #tpu.memory_space<vmem>> -> memref<32x1024xf32, #tpu.memory_space<vmem>>
    tpu.enqueue_dma source(%dma_start3A_668 : memref<32x1024xf32, #tpu.memory_space<vmem>>) target(%dma_start3A_664 : memref<32x1024xf32, #tpu.memory_space<hbm>>) target_semaphore(%arg6 : memref<!tpu.dma_semaphore, #tpu.memory_space<semaphore_mem>>)
    %dma_start3A_669 = arith.constant 0 : i32
    %dma_start3A_670 = arith.constant 1 : i32
    %dma_start3A_671 = arith.constant 0 : i32
    %dma_start3A_672 = arith.constant 0 : i32
    %dma_start3A_673 = tpu.memref_slice %arg4[%dma_start3A_669, %dma_start3A_671, %dma_start3A_672] : memref<2x32x1024xf32, #tpu.memory_space<vmem>> -> memref<1x32x1024xf32, #tpu.memory_space<vmem>>
    %dma_start3A_674 = tpu.memref_squeeze %dma_start3A_673 : memref<1x32x1024xf32, #tpu.memory_space<vmem>> -> memref<32x1024xf32, #tpu.memory_space<vmem>>
    %dma_start3A_675 = arith.constant 0 : i32
    %dma_start3A_676 = tpu.memref_slice %arg3[%dma_start3A_670, %add3A_562, %dma_start3A_675] : memref<4x8192x1024xf32, #tpu.memory_space<hbm>> -> memref<1x32x1024xf32, #tpu.memory_space<hbm>>
    %dma_start3A_677 = tpu.memref_squeeze %dma_start3A_676 : memref<1x32x1024xf32, #tpu.memory_space<hbm>> -> memref<32x1024xf32, #tpu.memory_space<hbm>>
    %dma_start3A_678 = arith.constant 0 : i32
    %dma_start3A_679 = tpu.memref_slice %arg3[%dma_start3A_670, %add3A_562, %dma_start3A_678] : memref<4x8192x1024xf32, #tpu.memory_space<hbm>> -> memref<1x32x1024xf32, #tpu.memory_space<hbm>>
    %dma_start3A_680 = tpu.memref_squeeze %dma_start3A_679 : memref<1x32x1024xf32, #tpu.memory_space<hbm>> -> memref<32x1024xf32, #tpu.memory_space<hbm>>
    %dma_start3A_681 = arith.constant 0 : i32
    %dma_start3A_682 = arith.constant 0 : i32
    %dma_start3A_683 = tpu.memref_slice %arg4[%dma_start3A_669, %dma_start3A_681, %dma_start3A_682] : memref<2x32x1024xf32, #tpu.memory_space<vmem>> -> memref<1x32x1024xf32, #tpu.memory_space<vmem>>
    %dma_start3A_684 = tpu.memref_squeeze %dma_start3A_683 : memref<1x32x1024xf32, #tpu.memory_space<vmem>> -> memref<32x1024xf32, #tpu.memory_space<vmem>>
    tpu.enqueue_dma source(%dma_start3A_684 : memref<32x1024xf32, #tpu.memory_space<vmem>>) target(%dma_start3A_680 : memref<32x1024xf32, #tpu.memory_space<hbm>>) target_semaphore(%arg6 : memref<!tpu.dma_semaphore, #tpu.memory_space<semaphore_mem>>)
    %dma_start3A_685 = arith.constant 0 : i32
    %dma_start3A_686 = arith.constant 2 : i32
    %dma_start3A_687 = arith.constant 0 : i32
    %dma_start3A_688 = arith.constant 0 : i32
    %dma_start3A_689 = tpu.memref_slice %arg4[%dma_start3A_685, %dma_start3A_687, %dma_start3A_688] : memref<2x32x1024xf32, #tpu.memory_space<vmem>> -> memref<1x32x1024xf32, #tpu.memory_space<vmem>>
    %dma_start3A_690 = tpu.memref_squeeze %dma_start3A_689 : memref<1x32x1024xf32, #tpu.memory_space<vmem>> -> memref<32x1024xf32, #tpu.memory_space<vmem>>
    %dma_start3A_691 = arith.constant 0 : i32
    %dma_start3A_692 = tpu.memref_slice %arg3[%dma_start3A_686, %add3A_562, %dma_start3A_691] : memref<4x8192x1024xf32, #tpu.memory_space<hbm>> -> memref<1x32x1024xf32, #tpu.memory_space<hbm>>
    %dma_start3A_693 = tpu.memref_squeeze %dma_start3A_692 : memref<1x32x1024xf32, #tpu.memory_space<hbm>> -> memref<32x1024xf32, #tpu.memory_space<hbm>>
    %dma_start3A_694 = arith.constant 0 : i32
    %dma_start3A_695 = tpu.memref_slice %arg3[%dma_start3A_686, %add3A_562, %dma_start3A_694] : memref<4x8192x1024xf32, #tpu.memory_space<hbm>> -> memref<1x32x1024xf32, #tpu.memory_space<hbm>>
    %dma_start3A_696 = tpu.memref_squeeze %dma_start3A_695 : memref<1x32x1024xf32, #tpu.memory_space<hbm>> -> memref<32x1024xf32, #tpu.memory_space<hbm>>
    %dma_start3A_697 = arith.constant 0 : i32
    %dma_start3A_698 = arith.constant 0 : i32
    %dma_start3A_699 = tpu.memref_slice %arg4[%dma_start3A_685, %dma_start3A_697, %dma_start3A_698] : memref<2x32x1024xf32, #tpu.memory_space<vmem>> -> memref<1x32x1024xf32, #tpu.memory_space<vmem>>
    %dma_start3A_700 = tpu.memref_squeeze %dma_start3A_699 : memref<1x32x1024xf32, #tpu.memory_space<vmem>> -> memref<32x1024xf32, #tpu.memory_space<vmem>>
    tpu.enqueue_dma source(%dma_start3A_700 : memref<32x1024xf32, #tpu.memory_space<vmem>>) target(%dma_start3A_696 : memref<32x1024xf32, #tpu.memory_space<hbm>>) target_semaphore(%arg6 : memref<!tpu.dma_semaphore, #tpu.memory_space<semaphore_mem>>)
    %dma_start3A_701 = arith.constant 0 : i32
    %dma_start3A_702 = arith.constant 3 : i32
    %dma_start3A_703 = arith.constant 0 : i32
    %dma_start3A_704 = arith.constant 0 : i32
    %dma_start3A_705 = tpu.memref_slice %arg4[%dma_start3A_701, %dma_start3A_703, %dma_start3A_704] : memref<2x32x1024xf32, #tpu.memory_space<vmem>> -> memref<1x32x1024xf32, #tpu.memory_space<vmem>>
    %dma_start3A_706 = tpu.memref_squeeze %dma_start3A_705 : memref<1x32x1024xf32, #tpu.memory_space<vmem>> -> memref<32x1024xf32, #tpu.memory_space<vmem>>
    %dma_start3A_707 = arith.constant 0 : i32
    %dma_start3A_708 = tpu.memref_slice %arg3[%dma_start3A_702, %add3A_562, %dma_start3A_707] : memref<4x8192x1024xf32, #tpu.memory_space<hbm>> -> memref<1x32x1024xf32, #tpu.memory_space<hbm>>
    %dma_start3A_709 = tpu.memref_squeeze %dma_start3A_708 : memref<1x32x1024xf32, #tpu.memory_space<hbm>> -> memref<32x1024xf32, #tpu.memory_space<hbm>>
    %dma_start3A_710 = arith.constant 0 : i32
    %dma_start3A_711 = tpu.memref_slice %arg3[%dma_start3A_702, %add3A_562, %dma_start3A_710] : memref<4x8192x1024xf32, #tpu.memory_space<hbm>> -> memref<1x32x1024xf32, #tpu.memory_space<hbm>>
    %dma_start3A_712 = tpu.memref_squeeze %dma_start3A_711 : memref<1x32x1024xf32, #tpu.memory_space<hbm>> -> memref<32x1024xf32, #tpu.memory_space<hbm>>
    %dma_start3A_713 = arith.constant 0 : i32
    %dma_start3A_714 = arith.constant 0 : i32
    %dma_start3A_715 = tpu.memref_slice %arg4[%dma_start3A_701, %dma_start3A_713, %dma_start3A_714] : memref<2x32x1024xf32, #tpu.memory_space<vmem>> -> memref<1x32x1024xf32, #tpu.memory_space<vmem>>
    %dma_start3A_716 = tpu.memref_squeeze %dma_start3A_715 : memref<1x32x1024xf32, #tpu.memory_space<vmem>> -> memref<32x1024xf32, #tpu.memory_space<vmem>>
    tpu.enqueue_dma source(%dma_start3A_716 : memref<32x1024xf32, #tpu.memory_space<vmem>>) target(%dma_start3A_712 : memref<32x1024xf32, #tpu.memory_space<hbm>>) target_semaphore(%arg6 : memref<!tpu.dma_semaphore, #tpu.memory_space<semaphore_mem>>)
    %add3A_717 = arith.constant 160 : i32
    %add3A_718 = arith.addi %mul3A_2, %add3A_717 : i32
    %dma_start3A_719 = arith.constant 1 : i32
    %dma_start3A_720 = arith.constant 0 : i32
    %dma_start3A_721 = arith.constant 0 : i32
    %dma_start3A_722 = tpu.memref_slice %arg4[%dma_start3A_719, %dma_start3A_720, %dma_start3A_721] : memref<2x32x1024xf32, #tpu.memory_space<vmem>> -> memref<1x32x1024xf32, #tpu.memory_space<vmem>>
    %dma_start3A_723 = tpu.memref_squeeze %dma_start3A_722 : memref<1x32x1024xf32, #tpu.memory_space<vmem>> -> memref<32x1024xf32, #tpu.memory_space<vmem>>
    %dma_start3A_724 = arith.constant 0 : i32
    %dma_start3A_725 = tpu.memref_slice %arg2[%add3A_718, %dma_start3A_724] : memref<8192x1024xf32, #tpu.memory_space<hbm>> -> memref<32x1024xf32, #tpu.memory_space<hbm>>
    %dma_start3A_726 = arith.constant 0 : i32
    %dma_start3A_727 = arith.constant 0 : i32
    %dma_start3A_728 = tpu.memref_slice %arg4[%dma_start3A_719, %dma_start3A_726, %dma_start3A_727] : memref<2x32x1024xf32, #tpu.memory_space<vmem>> -> memref<1x32x1024xf32, #tpu.memory_space<vmem>>
    %dma_start3A_729 = tpu.memref_squeeze %dma_start3A_728 : memref<1x32x1024xf32, #tpu.memory_space<vmem>> -> memref<32x1024xf32, #tpu.memory_space<vmem>>
    %dma_start3A_730 = arith.constant 0 : i32
    %dma_start3A_731 = tpu.memref_slice %arg2[%add3A_718, %dma_start3A_730] : memref<8192x1024xf32, #tpu.memory_space<hbm>> -> memref<32x1024xf32, #tpu.memory_space<hbm>>
    tpu.enqueue_dma source(%dma_start3A_731 : memref<32x1024xf32, #tpu.memory_space<hbm>>) target(%dma_start3A_729 : memref<32x1024xf32, #tpu.memory_space<vmem>>) target_semaphore(%arg5 : memref<!tpu.dma_semaphore, #tpu.memory_space<semaphore_mem>>)
    %dma_wait3A_732 = arith.constant 0 : i32
    %dma_wait3A_733 = arith.constant 0 : i32
    %dma_wait3A_734 = arith.constant 0 : i32
    %dma_wait3A_735 = arith.constant 0 : i32
    %dma_wait3A_736 = tpu.memref_slice %arg4[%dma_wait3A_732, %dma_wait3A_734, %dma_wait3A_735] : memref<2x32x1024xf32, #tpu.memory_space<vmem>> -> memref<1x32x1024xf32, #tpu.memory_space<vmem>>
    %dma_wait3A_737 = tpu.memref_squeeze %dma_wait3A_736 : memref<1x32x1024xf32, #tpu.memory_space<vmem>> -> memref<32x1024xf32, #tpu.memory_space<vmem>>
    %dma_wait3A_738 = arith.constant 0 : i32
    %dma_wait3A_739 = tpu.memref_slice %arg3[%dma_wait3A_733, %add3A_562, %dma_wait3A_738] : memref<4x8192x1024xf32, #tpu.memory_space<hbm>> -> memref<1x32x1024xf32, #tpu.memory_space<hbm>>
    %dma_wait3A_740 = tpu.memref_squeeze %dma_wait3A_739 : memref<1x32x1024xf32, #tpu.memory_space<hbm>> -> memref<32x1024xf32, #tpu.memory_space<hbm>>
    %dma_wait3A_741 = arith.constant 0 : i32
    %dma_wait3A_742 = tpu.memref_slice %arg3[%dma_wait3A_733, %add3A_562, %dma_wait3A_741] : memref<4x8192x1024xf32, #tpu.memory_space<hbm>> -> memref<1x32x1024xf32, #tpu.memory_space<hbm>>
    %dma_wait3A_743 = tpu.memref_squeeze %dma_wait3A_742 : memref<1x32x1024xf32, #tpu.memory_space<hbm>> -> memref<32x1024xf32, #tpu.memory_space<hbm>>
    %dma_wait3A_744 = arith.constant 0 : i32
    %dma_wait3A_745 = arith.constant 0 : i32
    %dma_wait3A_746 = tpu.memref_slice %arg4[%dma_wait3A_732, %dma_wait3A_744, %dma_wait3A_745] : memref<2x32x1024xf32, #tpu.memory_space<vmem>> -> memref<1x32x1024xf32, #tpu.memory_space<vmem>>
    %dma_wait3A_747 = tpu.memref_squeeze %dma_wait3A_746 : memref<1x32x1024xf32, #tpu.memory_space<vmem>> -> memref<32x1024xf32, #tpu.memory_space<vmem>>
    tpu.wait_dma2 semaphore(%arg6 : memref<!tpu.dma_semaphore, #tpu.memory_space<semaphore_mem>>) src(%dma_wait3A_747 : memref<32x1024xf32, #tpu.memory_space<vmem>>) dst(%dma_wait3A_743 : memref<32x1024xf32, #tpu.memory_space<hbm>>)
    %dma_wait3A_748 = arith.constant 0 : i32
    %dma_wait3A_749 = arith.constant 1 : i32
    %dma_wait3A_750 = arith.constant 0 : i32
    %dma_wait3A_751 = arith.constant 0 : i32
    %dma_wait3A_752 = tpu.memref_slice %arg4[%dma_wait3A_748, %dma_wait3A_750, %dma_wait3A_751] : memref<2x32x1024xf32, #tpu.memory_space<vmem>> -> memref<1x32x1024xf32, #tpu.memory_space<vmem>>
    %dma_wait3A_753 = tpu.memref_squeeze %dma_wait3A_752 : memref<1x32x1024xf32, #tpu.memory_space<vmem>> -> memref<32x1024xf32, #tpu.memory_space<vmem>>
    %dma_wait3A_754 = arith.constant 0 : i32
    %dma_wait3A_755 = tpu.memref_slice %arg3[%dma_wait3A_749, %add3A_562, %dma_wait3A_754] : memref<4x8192x1024xf32, #tpu.memory_space<hbm>> -> memref<1x32x1024xf32, #tpu.memory_space<hbm>>
    %dma_wait3A_756 = tpu.memref_squeeze %dma_wait3A_755 : memref<1x32x1024xf32, #tpu.memory_space<hbm>> -> memref<32x1024xf32, #tpu.memory_space<hbm>>
    %dma_wait3A_757 = arith.constant 0 : i32
    %dma_wait3A_758 = tpu.memref_slice %arg3[%dma_wait3A_749, %add3A_562, %dma_wait3A_757] : memref<4x8192x1024xf32, #tpu.memory_space<hbm>> -> memref<1x32x1024xf32, #tpu.memory_space<hbm>>
    %dma_wait3A_759 = tpu.memref_squeeze %dma_wait3A_758 : memref<1x32x1024xf32, #tpu.memory_space<hbm>> -> memref<32x1024xf32, #tpu.memory_space<hbm>>
    %dma_wait3A_760 = arith.constant 0 : i32
    %dma_wait3A_761 = arith.constant 0 : i32
    %dma_wait3A_762 = tpu.memref_slice %arg4[%dma_wait3A_748, %dma_wait3A_760, %dma_wait3A_761] : memref<2x32x1024xf32, #tpu.memory_space<vmem>> -> memref<1x32x1024xf32, #tpu.memory_space<vmem>>
    %dma_wait3A_763 = tpu.memref_squeeze %dma_wait3A_762 : memref<1x32x1024xf32, #tpu.memory_space<vmem>> -> memref<32x1024xf32, #tpu.memory_space<vmem>>
    tpu.wait_dma2 semaphore(%arg6 : memref<!tpu.dma_semaphore, #tpu.memory_space<semaphore_mem>>) src(%dma_wait3A_763 : memref<32x1024xf32, #tpu.memory_space<vmem>>) dst(%dma_wait3A_759 : memref<32x1024xf32, #tpu.memory_space<hbm>>)
    %dma_wait3A_764 = arith.constant 0 : i32
    %dma_wait3A_765 = arith.constant 2 : i32
    %dma_wait3A_766 = arith.constant 0 : i32
    %dma_wait3A_767 = arith.constant 0 : i32
    %dma_wait3A_768 = tpu.memref_slice %arg4[%dma_wait3A_764, %dma_wait3A_766, %dma_wait3A_767] : memref<2x32x1024xf32, #tpu.memory_space<vmem>> -> memref<1x32x1024xf32, #tpu.memory_space<vmem>>
    %dma_wait3A_769 = tpu.memref_squeeze %dma_wait3A_768 : memref<1x32x1024xf32, #tpu.memory_space<vmem>> -> memref<32x1024xf32, #tpu.memory_space<vmem>>
    %dma_wait3A_770 = arith.constant 0 : i32
    %dma_wait3A_771 = tpu.memref_slice %arg3[%dma_wait3A_765, %add3A_562, %dma_wait3A_770] : memref<4x8192x1024xf32, #tpu.memory_space<hbm>> -> memref<1x32x1024xf32, #tpu.memory_space<hbm>>
    %dma_wait3A_772 = tpu.memref_squeeze %dma_wait3A_771 : memref<1x32x1024xf32, #tpu.memory_space<hbm>> -> memref<32x1024xf32, #tpu.memory_space<hbm>>
    %dma_wait3A_773 = arith.constant 0 : i32
    %dma_wait3A_774 = tpu.memref_slice %arg3[%dma_wait3A_765, %add3A_562, %dma_wait3A_773] : memref<4x8192x1024xf32, #tpu.memory_space<hbm>> -> memref<1x32x1024xf32, #tpu.memory_space<hbm>>
    %dma_wait3A_775 = tpu.memref_squeeze %dma_wait3A_774 : memref<1x32x1024xf32, #tpu.memory_space<hbm>> -> memref<32x1024xf32, #tpu.memory_space<hbm>>
    %dma_wait3A_776 = arith.constant 0 : i32
    %dma_wait3A_777 = arith.constant 0 : i32
    %dma_wait3A_778 = tpu.memref_slice %arg4[%dma_wait3A_764, %dma_wait3A_776, %dma_wait3A_777] : memref<2x32x1024xf32, #tpu.memory_space<vmem>> -> memref<1x32x1024xf32, #tpu.memory_space<vmem>>
    %dma_wait3A_779 = tpu.memref_squeeze %dma_wait3A_778 : memref<1x32x1024xf32, #tpu.memory_space<vmem>> -> memref<32x1024xf32, #tpu.memory_space<vmem>>
    tpu.wait_dma2 semaphore(%arg6 : memref<!tpu.dma_semaphore, #tpu.memory_space<semaphore_mem>>) src(%dma_wait3A_779 : memref<32x1024xf32, #tpu.memory_space<vmem>>) dst(%dma_wait3A_775 : memref<32x1024xf32, #tpu.memory_space<hbm>>)
    %dma_wait3A_780 = arith.constant 0 : i32
    %dma_wait3A_781 = arith.constant 3 : i32
    %dma_wait3A_782 = arith.constant 0 : i32
    %dma_wait3A_783 = arith.constant 0 : i32
    %dma_wait3A_784 = tpu.memref_slice %arg4[%dma_wait3A_780, %dma_wait3A_782, %dma_wait3A_783] : memref<2x32x1024xf32, #tpu.memory_space<vmem>> -> memref<1x32x1024xf32, #tpu.memory_space<vmem>>
    %dma_wait3A_785 = tpu.memref_squeeze %dma_wait3A_784 : memref<1x32x1024xf32, #tpu.memory_space<vmem>> -> memref<32x1024xf32, #tpu.memory_space<vmem>>
    %dma_wait3A_786 = arith.constant 0 : i32
    %dma_wait3A_787 = tpu.memref_slice %arg3[%dma_wait3A_781, %add3A_562, %dma_wait3A_786] : memref<4x8192x1024xf32, #tpu.memory_space<hbm>> -> memref<1x32x1024xf32, #tpu.memory_space<hbm>>
    %dma_wait3A_788 = tpu.memref_squeeze %dma_wait3A_787 : memref<1x32x1024xf32, #tpu.memory_space<hbm>> -> memref<32x1024xf32, #tpu.memory_space<hbm>>
    %dma_wait3A_789 = arith.constant 0 : i32
    %dma_wait3A_790 = tpu.memref_slice %arg3[%dma_wait3A_781, %add3A_562, %dma_wait3A_789] : memref<4x8192x1024xf32, #tpu.memory_space<hbm>> -> memref<1x32x1024xf32, #tpu.memory_space<hbm>>
    %dma_wait3A_791 = tpu.memref_squeeze %dma_wait3A_790 : memref<1x32x1024xf32, #tpu.memory_space<hbm>> -> memref<32x1024xf32, #tpu.memory_space<hbm>>
    %dma_wait3A_792 = arith.constant 0 : i32
    %dma_wait3A_793 = arith.constant 0 : i32
    %dma_wait3A_794 = tpu.memref_slice %arg4[%dma_wait3A_780, %dma_wait3A_792, %dma_wait3A_793] : memref<2x32x1024xf32, #tpu.memory_space<vmem>> -> memref<1x32x1024xf32, #tpu.memory_space<vmem>>
    %dma_wait3A_795 = tpu.memref_squeeze %dma_wait3A_794 : memref<1x32x1024xf32, #tpu.memory_space<vmem>> -> memref<32x1024xf32, #tpu.memory_space<vmem>>
    tpu.wait_dma2 semaphore(%arg6 : memref<!tpu.dma_semaphore, #tpu.memory_space<semaphore_mem>>) src(%dma_wait3A_795 : memref<32x1024xf32, #tpu.memory_space<vmem>>) dst(%dma_wait3A_791 : memref<32x1024xf32, #tpu.memory_space<hbm>>)
    %dma_wait3A_796 = arith.constant 1 : i32
    %dma_wait3A_797 = arith.constant 0 : i32
    %dma_wait3A_798 = arith.constant 0 : i32
    %dma_wait3A_799 = tpu.memref_slice %arg4[%dma_wait3A_796, %dma_wait3A_797, %dma_wait3A_798] : memref<2x32x1024xf32, #tpu.memory_space<vmem>> -> memref<1x32x1024xf32, #tpu.memory_space<vmem>>
    %dma_wait3A_800 = tpu.memref_squeeze %dma_wait3A_799 : memref<1x32x1024xf32, #tpu.memory_space<vmem>> -> memref<32x1024xf32, #tpu.memory_space<vmem>>
    %dma_wait3A_801 = arith.constant 0 : i32
    %dma_wait3A_802 = tpu.memref_slice %arg2[%add3A_718, %dma_wait3A_801] : memref<8192x1024xf32, #tpu.memory_space<hbm>> -> memref<32x1024xf32, #tpu.memory_space<hbm>>
    %dma_wait3A_803 = arith.constant 0 : i32
    %dma_wait3A_804 = arith.constant 0 : i32
    %dma_wait3A_805 = tpu.memref_slice %arg4[%dma_wait3A_796, %dma_wait3A_803, %dma_wait3A_804] : memref<2x32x1024xf32, #tpu.memory_space<vmem>> -> memref<1x32x1024xf32, #tpu.memory_space<vmem>>
    %dma_wait3A_806 = tpu.memref_squeeze %dma_wait3A_805 : memref<1x32x1024xf32, #tpu.memory_space<vmem>> -> memref<32x1024xf32, #tpu.memory_space<vmem>>
    %dma_wait3A_807 = arith.constant 0 : i32
    %dma_wait3A_808 = tpu.memref_slice %arg2[%add3A_718, %dma_wait3A_807] : memref<8192x1024xf32, #tpu.memory_space<hbm>> -> memref<32x1024xf32, #tpu.memory_space<hbm>>
    tpu.wait_dma2 semaphore(%arg5 : memref<!tpu.dma_semaphore, #tpu.memory_space<semaphore_mem>>) src(%dma_wait3A_808 : memref<32x1024xf32, #tpu.memory_space<hbm>>) dst(%dma_wait3A_806 : memref<32x1024xf32, #tpu.memory_space<vmem>>)
    %dma_start3A_809 = arith.constant 1 : i32
    %dma_start3A_810 = arith.constant 0 : i32
    %dma_start3A_811 = arith.constant 0 : i32
    %dma_start3A_812 = arith.constant 0 : i32
    %dma_start3A_813 = tpu.memref_slice %arg4[%dma_start3A_809, %dma_start3A_811, %dma_start3A_812] : memref<2x32x1024xf32, #tpu.memory_space<vmem>> -> memref<1x32x1024xf32, #tpu.memory_space<vmem>>
    %dma_start3A_814 = tpu.memref_squeeze %dma_start3A_813 : memref<1x32x1024xf32, #tpu.memory_space<vmem>> -> memref<32x1024xf32, #tpu.memory_space<vmem>>
    %dma_start3A_815 = arith.constant 0 : i32
    %dma_start3A_816 = tpu.memref_slice %arg3[%dma_start3A_810, %add3A_718, %dma_start3A_815] : memref<4x8192x1024xf32, #tpu.memory_space<hbm>> -> memref<1x32x1024xf32, #tpu.memory_space<hbm>>
    %dma_start3A_817 = tpu.memref_squeeze %dma_start3A_816 : memref<1x32x1024xf32, #tpu.memory_space<hbm>> -> memref<32x1024xf32, #tpu.memory_space<hbm>>
    %dma_start3A_818 = arith.constant 0 : i32
    %dma_start3A_819 = tpu.memref_slice %arg3[%dma_start3A_810, %add3A_718, %dma_start3A_818] : memref<4x8192x1024xf32, #tpu.memory_space<hbm>> -> memref<1x32x1024xf32, #tpu.memory_space<hbm>>
    %dma_start3A_820 = tpu.memref_squeeze %dma_start3A_819 : memref<1x32x1024xf32, #tpu.memory_space<hbm>> -> memref<32x1024xf32, #tpu.memory_space<hbm>>
    %dma_start3A_821 = arith.constant 0 : i32
    %dma_start3A_822 = arith.constant 0 : i32
    %dma_start3A_823 = tpu.memref_slice %arg4[%dma_start3A_809, %dma_start3A_821, %dma_start3A_822] : memref<2x32x1024xf32, #tpu.memory_space<vmem>> -> memref<1x32x1024xf32, #tpu.memory_space<vmem>>
    %dma_start3A_824 = tpu.memref_squeeze %dma_start3A_823 : memref<1x32x1024xf32, #tpu.memory_space<vmem>> -> memref<32x1024xf32, #tpu.memory_space<vmem>>
    tpu.enqueue_dma source(%dma_start3A_824 : memref<32x1024xf32, #tpu.memory_space<vmem>>) target(%dma_start3A_820 : memref<32x1024xf32, #tpu.memory_space<hbm>>) target_semaphore(%arg6 : memref<!tpu.dma_semaphore, #tpu.memory_space<semaphore_mem>>)
    %dma_start3A_825 = arith.constant 1 : i32
    %dma_start3A_826 = arith.constant 1 : i32
    %dma_start3A_827 = arith.constant 0 : i32
    %dma_start3A_828 = arith.constant 0 : i32
    %dma_start3A_829 = tpu.memref_slice %arg4[%dma_start3A_825, %dma_start3A_827, %dma_start3A_828] : memref<2x32x1024xf32, #tpu.memory_space<vmem>> -> memref<1x32x1024xf32, #tpu.memory_space<vmem>>
    %dma_start3A_830 = tpu.memref_squeeze %dma_start3A_829 : memref<1x32x1024xf32, #tpu.memory_space<vmem>> -> memref<32x1024xf32, #tpu.memory_space<vmem>>
    %dma_start3A_831 = arith.constant 0 : i32
    %dma_start3A_832 = tpu.memref_slice %arg3[%dma_start3A_826, %add3A_718, %dma_start3A_831] : memref<4x8192x1024xf32, #tpu.memory_space<hbm>> -> memref<1x32x1024xf32, #tpu.memory_space<hbm>>
    %dma_start3A_833 = tpu.memref_squeeze %dma_start3A_832 : memref<1x32x1024xf32, #tpu.memory_space<hbm>> -> memref<32x1024xf32, #tpu.memory_space<hbm>>
    %dma_start3A_834 = arith.constant 0 : i32
    %dma_start3A_835 = tpu.memref_slice %arg3[%dma_start3A_826, %add3A_718, %dma_start3A_834] : memref<4x8192x1024xf32, #tpu.memory_space<hbm>> -> memref<1x32x1024xf32, #tpu.memory_space<hbm>>
    %dma_start3A_836 = tpu.memref_squeeze %dma_start3A_835 : memref<1x32x1024xf32, #tpu.memory_space<hbm>> -> memref<32x1024xf32, #tpu.memory_space<hbm>>
    %dma_start3A_837 = arith.constant 0 : i32
    %dma_start3A_838 = arith.constant 0 : i32
    %dma_start3A_839 = tpu.memref_slice %arg4[%dma_start3A_825, %dma_start3A_837, %dma_start3A_838] : memref<2x32x1024xf32, #tpu.memory_space<vmem>> -> memref<1x32x1024xf32, #tpu.memory_space<vmem>>
    %dma_start3A_840 = tpu.memref_squeeze %dma_start3A_839 : memref<1x32x1024xf32, #tpu.memory_space<vmem>> -> memref<32x1024xf32, #tpu.memory_space<vmem>>
    tpu.enqueue_dma source(%dma_start3A_840 : memref<32x1024xf32, #tpu.memory_space<vmem>>) target(%dma_start3A_836 : memref<32x1024xf32, #tpu.memory_space<hbm>>) target_semaphore(%arg6 : memref<!tpu.dma_semaphore, #tpu.memory_space<semaphore_mem>>)
    %dma_start3A_841 = arith.constant 1 : i32
    %dma_start3A_842 = arith.constant 2 : i32
    %dma_start3A_843 = arith.constant 0 : i32
    %dma_start3A_844 = arith.constant 0 : i32
    %dma_start3A_845 = tpu.memref_slice %arg4[%dma_start3A_841, %dma_start3A_843, %dma_start3A_844] : memref<2x32x1024xf32, #tpu.memory_space<vmem>> -> memref<1x32x1024xf32, #tpu.memory_space<vmem>>
    %dma_start3A_846 = tpu.memref_squeeze %dma_start3A_845 : memref<1x32x1024xf32, #tpu.memory_space<vmem>> -> memref<32x1024xf32, #tpu.memory_space<vmem>>
    %dma_start3A_847 = arith.constant 0 : i32
    %dma_start3A_848 = tpu.memref_slice %arg3[%dma_start3A_842, %add3A_718, %dma_start3A_847] : memref<4x8192x1024xf32, #tpu.memory_space<hbm>> -> memref<1x32x1024xf32, #tpu.memory_space<hbm>>
    %dma_start3A_849 = tpu.memref_squeeze %dma_start3A_848 : memref<1x32x1024xf32, #tpu.memory_space<hbm>> -> memref<32x1024xf32, #tpu.memory_space<hbm>>
    %dma_start3A_850 = arith.constant 0 : i32
    %dma_start3A_851 = tpu.memref_slice %arg3[%dma_start3A_842, %add3A_718, %dma_start3A_850] : memref<4x8192x1024xf32, #tpu.memory_space<hbm>> -> memref<1x32x1024xf32, #tpu.memory_space<hbm>>
    %dma_start3A_852 = tpu.memref_squeeze %dma_start3A_851 : memref<1x32x1024xf32, #tpu.memory_space<hbm>> -> memref<32x1024xf32, #tpu.memory_space<hbm>>
    %dma_start3A_853 = arith.constant 0 : i32
    %dma_start3A_854 = arith.constant 0 : i32
    %dma_start3A_855 = tpu.memref_slice %arg4[%dma_start3A_841, %dma_start3A_853, %dma_start3A_854] : memref<2x32x1024xf32, #tpu.memory_space<vmem>> -> memref<1x32x1024xf32, #tpu.memory_space<vmem>>
    %dma_start3A_856 = tpu.memref_squeeze %dma_start3A_855 : memref<1x32x1024xf32, #tpu.memory_space<vmem>> -> memref<32x1024xf32, #tpu.memory_space<vmem>>
    tpu.enqueue_dma source(%dma_start3A_856 : memref<32x1024xf32, #tpu.memory_space<vmem>>) target(%dma_start3A_852 : memref<32x1024xf32, #tpu.memory_space<hbm>>) target_semaphore(%arg6 : memref<!tpu.dma_semaphore, #tpu.memory_space<semaphore_mem>>)
    %dma_start3A_857 = arith.constant 1 : i32
    %dma_start3A_858 = arith.constant 3 : i32
    %dma_start3A_859 = arith.constant 0 : i32
    %dma_start3A_860 = arith.constant 0 : i32
    %dma_start3A_861 = tpu.memref_slice %arg4[%dma_start3A_857, %dma_start3A_859, %dma_start3A_860] : memref<2x32x1024xf32, #tpu.memory_space<vmem>> -> memref<1x32x1024xf32, #tpu.memory_space<vmem>>
    %dma_start3A_862 = tpu.memref_squeeze %dma_start3A_861 : memref<1x32x1024xf32, #tpu.memory_space<vmem>> -> memref<32x1024xf32, #tpu.memory_space<vmem>>
    %dma_start3A_863 = arith.constant 0 : i32
    %dma_start3A_864 = tpu.memref_slice %arg3[%dma_start3A_858, %add3A_718, %dma_start3A_863] : memref<4x8192x1024xf32, #tpu.memory_space<hbm>> -> memref<1x32x1024xf32, #tpu.memory_space<hbm>>
    %dma_start3A_865 = tpu.memref_squeeze %dma_start3A_864 : memref<1x32x1024xf32, #tpu.memory_space<hbm>> -> memref<32x1024xf32, #tpu.memory_space<hbm>>
    %dma_start3A_866 = arith.constant 0 : i32
    %dma_start3A_867 = tpu.memref_slice %arg3[%dma_start3A_858, %add3A_718, %dma_start3A_866] : memref<4x8192x1024xf32, #tpu.memory_space<hbm>> -> memref<1x32x1024xf32, #tpu.memory_space<hbm>>
    %dma_start3A_868 = tpu.memref_squeeze %dma_start3A_867 : memref<1x32x1024xf32, #tpu.memory_space<hbm>> -> memref<32x1024xf32, #tpu.memory_space<hbm>>
    %dma_start3A_869 = arith.constant 0 : i32
    %dma_start3A_870 = arith.constant 0 : i32
    %dma_start3A_871 = tpu.memref_slice %arg4[%dma_start3A_857, %dma_start3A_869, %dma_start3A_870] : memref<2x32x1024xf32, #tpu.memory_space<vmem>> -> memref<1x32x1024xf32, #tpu.memory_space<vmem>>
    %dma_start3A_872 = tpu.memref_squeeze %dma_start3A_871 : memref<1x32x1024xf32, #tpu.memory_space<vmem>> -> memref<32x1024xf32, #tpu.memory_space<vmem>>
    tpu.enqueue_dma source(%dma_start3A_872 : memref<32x1024xf32, #tpu.memory_space<vmem>>) target(%dma_start3A_868 : memref<32x1024xf32, #tpu.memory_space<hbm>>) target_semaphore(%arg6 : memref<!tpu.dma_semaphore, #tpu.memory_space<semaphore_mem>>)
    %add3A_873 = arith.constant 192 : i32
    %add3A_874 = arith.addi %mul3A_2, %add3A_873 : i32
    %dma_start3A_875 = arith.constant 0 : i32
    %dma_start3A_876 = arith.constant 0 : i32
    %dma_start3A_877 = arith.constant 0 : i32
    %dma_start3A_878 = tpu.memref_slice %arg4[%dma_start3A_875, %dma_start3A_876, %dma_start3A_877] : memref<2x32x1024xf32, #tpu.memory_space<vmem>> -> memref<1x32x1024xf32, #tpu.memory_space<vmem>>
    %dma_start3A_879 = tpu.memref_squeeze %dma_start3A_878 : memref<1x32x1024xf32, #tpu.memory_space<vmem>> -> memref<32x1024xf32, #tpu.memory_space<vmem>>
    %dma_start3A_880 = arith.constant 0 : i32
    %dma_start3A_881 = tpu.memref_slice %arg2[%add3A_874, %dma_start3A_880] : memref<8192x1024xf32, #tpu.memory_space<hbm>> -> memref<32x1024xf32, #tpu.memory_space<hbm>>
    %dma_start3A_882 = arith.constant 0 : i32
    %dma_start3A_883 = arith.constant 0 : i32
    %dma_start3A_884 = tpu.memref_slice %arg4[%dma_start3A_875, %dma_start3A_882, %dma_start3A_883] : memref<2x32x1024xf32, #tpu.memory_space<vmem>> -> memref<1x32x1024xf32, #tpu.memory_space<vmem>>
    %dma_start3A_885 = tpu.memref_squeeze %dma_start3A_884 : memref<1x32x1024xf32, #tpu.memory_space<vmem>> -> memref<32x1024xf32, #tpu.memory_space<vmem>>
    %dma_start3A_886 = arith.constant 0 : i32
    %dma_start3A_887 = tpu.memref_slice %arg2[%add3A_874, %dma_start3A_886] : memref<8192x1024xf32, #tpu.memory_space<hbm>> -> memref<32x1024xf32, #tpu.memory_space<hbm>>
    tpu.enqueue_dma source(%dma_start3A_887 : memref<32x1024xf32, #tpu.memory_space<hbm>>) target(%dma_start3A_885 : memref<32x1024xf32, #tpu.memory_space<vmem>>) target_semaphore(%arg5 : memref<!tpu.dma_semaphore, #tpu.memory_space<semaphore_mem>>)
    %dma_wait3A_888 = arith.constant 1 : i32
    %dma_wait3A_889 = arith.constant 0 : i32
    %dma_wait3A_890 = arith.constant 0 : i32
    %dma_wait3A_891 = arith.constant 0 : i32
    %dma_wait3A_892 = tpu.memref_slice %arg4[%dma_wait3A_888, %dma_wait3A_890, %dma_wait3A_891] : memref<2x32x1024xf32, #tpu.memory_space<vmem>> -> memref<1x32x1024xf32, #tpu.memory_space<vmem>>
    %dma_wait3A_893 = tpu.memref_squeeze %dma_wait3A_892 : memref<1x32x1024xf32, #tpu.memory_space<vmem>> -> memref<32x1024xf32, #tpu.memory_space<vmem>>
    %dma_wait3A_894 = arith.constant 0 : i32
    %dma_wait3A_895 = tpu.memref_slice %arg3[%dma_wait3A_889, %add3A_718, %dma_wait3A_894] : memref<4x8192x1024xf32, #tpu.memory_space<hbm>> -> memref<1x32x1024xf32, #tpu.memory_space<hbm>>
    %dma_wait3A_896 = tpu.memref_squeeze %dma_wait3A_895 : memref<1x32x1024xf32, #tpu.memory_space<hbm>> -> memref<32x1024xf32, #tpu.memory_space<hbm>>
    %dma_wait3A_897 = arith.constant 0 : i32
    %dma_wait3A_898 = tpu.memref_slice %arg3[%dma_wait3A_889, %add3A_718, %dma_wait3A_897] : memref<4x8192x1024xf32, #tpu.memory_space<hbm>> -> memref<1x32x1024xf32, #tpu.memory_space<hbm>>
    %dma_wait3A_899 = tpu.memref_squeeze %dma_wait3A_898 : memref<1x32x1024xf32, #tpu.memory_space<hbm>> -> memref<32x1024xf32, #tpu.memory_space<hbm>>
    %dma_wait3A_900 = arith.constant 0 : i32
    %dma_wait3A_901 = arith.constant 0 : i32
    %dma_wait3A_902 = tpu.memref_slice %arg4[%dma_wait3A_888, %dma_wait3A_900, %dma_wait3A_901] : memref<2x32x1024xf32, #tpu.memory_space<vmem>> -> memref<1x32x1024xf32, #tpu.memory_space<vmem>>
    %dma_wait3A_903 = tpu.memref_squeeze %dma_wait3A_902 : memref<1x32x1024xf32, #tpu.memory_space<vmem>> -> memref<32x1024xf32, #tpu.memory_space<vmem>>
    tpu.wait_dma2 semaphore(%arg6 : memref<!tpu.dma_semaphore, #tpu.memory_space<semaphore_mem>>) src(%dma_wait3A_903 : memref<32x1024xf32, #tpu.memory_space<vmem>>) dst(%dma_wait3A_899 : memref<32x1024xf32, #tpu.memory_space<hbm>>)
    %dma_wait3A_904 = arith.constant 1 : i32
    %dma_wait3A_905 = arith.constant 1 : i32
    %dma_wait3A_906 = arith.constant 0 : i32
    %dma_wait3A_907 = arith.constant 0 : i32
    %dma_wait3A_908 = tpu.memref_slice %arg4[%dma_wait3A_904, %dma_wait3A_906, %dma_wait3A_907] : memref<2x32x1024xf32, #tpu.memory_space<vmem>> -> memref<1x32x1024xf32, #tpu.memory_space<vmem>>
    %dma_wait3A_909 = tpu.memref_squeeze %dma_wait3A_908 : memref<1x32x1024xf32, #tpu.memory_space<vmem>> -> memref<32x1024xf32, #tpu.memory_space<vmem>>
    %dma_wait3A_910 = arith.constant 0 : i32
    %dma_wait3A_911 = tpu.memref_slice %arg3[%dma_wait3A_905, %add3A_718, %dma_wait3A_910] : memref<4x8192x1024xf32, #tpu.memory_space<hbm>> -> memref<1x32x1024xf32, #tpu.memory_space<hbm>>
    %dma_wait3A_912 = tpu.memref_squeeze %dma_wait3A_911 : memref<1x32x1024xf32, #tpu.memory_space<hbm>> -> memref<32x1024xf32, #tpu.memory_space<hbm>>
    %dma_wait3A_913 = arith.constant 0 : i32
    %dma_wait3A_914 = tpu.memref_slice %arg3[%dma_wait3A_905, %add3A_718, %dma_wait3A_913] : memref<4x8192x1024xf32, #tpu.memory_space<hbm>> -> memref<1x32x1024xf32, #tpu.memory_space<hbm>>
    %dma_wait3A_915 = tpu.memref_squeeze %dma_wait3A_914 : memref<1x32x1024xf32, #tpu.memory_space<hbm>> -> memref<32x1024xf32, #tpu.memory_space<hbm>>
    %dma_wait3A_916 = arith.constant 0 : i32
    %dma_wait3A_917 = arith.constant 0 : i32
    %dma_wait3A_918 = tpu.memref_slice %arg4[%dma_wait3A_904, %dma_wait3A_916, %dma_wait3A_917] : memref<2x32x1024xf32, #tpu.memory_space<vmem>> -> memref<1x32x1024xf32, #tpu.memory_space<vmem>>
    %dma_wait3A_919 = tpu.memref_squeeze %dma_wait3A_918 : memref<1x32x1024xf32, #tpu.memory_space<vmem>> -> memref<32x1024xf32, #tpu.memory_space<vmem>>
    tpu.wait_dma2 semaphore(%arg6 : memref<!tpu.dma_semaphore, #tpu.memory_space<semaphore_mem>>) src(%dma_wait3A_919 : memref<32x1024xf32, #tpu.memory_space<vmem>>) dst(%dma_wait3A_915 : memref<32x1024xf32, #tpu.memory_space<hbm>>)
    %dma_wait3A_920 = arith.constant 1 : i32
    %dma_wait3A_921 = arith.constant 2 : i32
    %dma_wait3A_922 = arith.constant 0 : i32
    %dma_wait3A_923 = arith.constant 0 : i32
    %dma_wait3A_924 = tpu.memref_slice %arg4[%dma_wait3A_920, %dma_wait3A_922, %dma_wait3A_923] : memref<2x32x1024xf32, #tpu.memory_space<vmem>> -> memref<1x32x1024xf32, #tpu.memory_space<vmem>>
    %dma_wait3A_925 = tpu.memref_squeeze %dma_wait3A_924 : memref<1x32x1024xf32, #tpu.memory_space<vmem>> -> memref<32x1024xf32, #tpu.memory_space<vmem>>
    %dma_wait3A_926 = arith.constant 0 : i32
    %dma_wait3A_927 = tpu.memref_slice %arg3[%dma_wait3A_921, %add3A_718, %dma_wait3A_926] : memref<4x8192x1024xf32, #tpu.memory_space<hbm>> -> memref<1x32x1024xf32, #tpu.memory_space<hbm>>
    %dma_wait3A_928 = tpu.memref_squeeze %dma_wait3A_927 : memref<1x32x1024xf32, #tpu.memory_space<hbm>> -> memref<32x1024xf32, #tpu.memory_space<hbm>>
    %dma_wait3A_929 = arith.constant 0 : i32
    %dma_wait3A_930 = tpu.memref_slice %arg3[%dma_wait3A_921, %add3A_718, %dma_wait3A_929] : memref<4x8192x1024xf32, #tpu.memory_space<hbm>> -> memref<1x32x1024xf32, #tpu.memory_space<hbm>>
    %dma_wait3A_931 = tpu.memref_squeeze %dma_wait3A_930 : memref<1x32x1024xf32, #tpu.memory_space<hbm>> -> memref<32x1024xf32, #tpu.memory_space<hbm>>
    %dma_wait3A_932 = arith.constant 0 : i32
    %dma_wait3A_933 = arith.constant 0 : i32
    %dma_wait3A_934 = tpu.memref_slice %arg4[%dma_wait3A_920, %dma_wait3A_932, %dma_wait3A_933] : memref<2x32x1024xf32, #tpu.memory_space<vmem>> -> memref<1x32x1024xf32, #tpu.memory_space<vmem>>
    %dma_wait3A_935 = tpu.memref_squeeze %dma_wait3A_934 : memref<1x32x1024xf32, #tpu.memory_space<vmem>> -> memref<32x1024xf32, #tpu.memory_space<vmem>>
    tpu.wait_dma2 semaphore(%arg6 : memref<!tpu.dma_semaphore, #tpu.memory_space<semaphore_mem>>) src(%dma_wait3A_935 : memref<32x1024xf32, #tpu.memory_space<vmem>>) dst(%dma_wait3A_931 : memref<32x1024xf32, #tpu.memory_space<hbm>>)
    %dma_wait3A_936 = arith.constant 1 : i32
    %dma_wait3A_937 = arith.constant 3 : i32
    %dma_wait3A_938 = arith.constant 0 : i32
    %dma_wait3A_939 = arith.constant 0 : i32
    %dma_wait3A_940 = tpu.memref_slice %arg4[%dma_wait3A_936, %dma_wait3A_938, %dma_wait3A_939] : memref<2x32x1024xf32, #tpu.memory_space<vmem>> -> memref<1x32x1024xf32, #tpu.memory_space<vmem>>
    %dma_wait3A_941 = tpu.memref_squeeze %dma_wait3A_940 : memref<1x32x1024xf32, #tpu.memory_space<vmem>> -> memref<32x1024xf32, #tpu.memory_space<vmem>>
    %dma_wait3A_942 = arith.constant 0 : i32
    %dma_wait3A_943 = tpu.memref_slice %arg3[%dma_wait3A_937, %add3A_718, %dma_wait3A_942] : memref<4x8192x1024xf32, #tpu.memory_space<hbm>> -> memref<1x32x1024xf32, #tpu.memory_space<hbm>>
    %dma_wait3A_944 = tpu.memref_squeeze %dma_wait3A_943 : memref<1x32x1024xf32, #tpu.memory_space<hbm>> -> memref<32x1024xf32, #tpu.memory_space<hbm>>
    %dma_wait3A_945 = arith.constant 0 : i32
    %dma_wait3A_946 = tpu.memref_slice %arg3[%dma_wait3A_937, %add3A_718, %dma_wait3A_945] : memref<4x8192x1024xf32, #tpu.memory_space<hbm>> -> memref<1x32x1024xf32, #tpu.memory_space<hbm>>
    %dma_wait3A_947 = tpu.memref_squeeze %dma_wait3A_946 : memref<1x32x1024xf32, #tpu.memory_space<hbm>> -> memref<32x1024xf32, #tpu.memory_space<hbm>>
    %dma_wait3A_948 = arith.constant 0 : i32
    %dma_wait3A_949 = arith.constant 0 : i32
    %dma_wait3A_950 = tpu.memref_slice %arg4[%dma_wait3A_936, %dma_wait3A_948, %dma_wait3A_949] : memref<2x32x1024xf32, #tpu.memory_space<vmem>> -> memref<1x32x1024xf32, #tpu.memory_space<vmem>>
    %dma_wait3A_951 = tpu.memref_squeeze %dma_wait3A_950 : memref<1x32x1024xf32, #tpu.memory_space<vmem>> -> memref<32x1024xf32, #tpu.memory_space<vmem>>
    tpu.wait_dma2 semaphore(%arg6 : memref<!tpu.dma_semaphore, #tpu.memory_space<semaphore_mem>>) src(%dma_wait3A_951 : memref<32x1024xf32, #tpu.memory_space<vmem>>) dst(%dma_wait3A_947 : memref<32x1024xf32, #tpu.memory_space<hbm>>)
    %dma_wait3A_952 = arith.constant 0 : i32
    %dma_wait3A_953 = arith.constant 0 : i32
    %dma_wait3A_954 = arith.constant 0 : i32
    %dma_wait3A_955 = tpu.memref_slice %arg4[%dma_wait3A_952, %dma_wait3A_953, %dma_wait3A_954] : memref<2x32x1024xf32, #tpu.memory_space<vmem>> -> memref<1x32x1024xf32, #tpu.memory_space<vmem>>
    %dma_wait3A_956 = tpu.memref_squeeze %dma_wait3A_955 : memref<1x32x1024xf32, #tpu.memory_space<vmem>> -> memref<32x1024xf32, #tpu.memory_space<vmem>>
    %dma_wait3A_957 = arith.constant 0 : i32
    %dma_wait3A_958 = tpu.memref_slice %arg2[%add3A_874, %dma_wait3A_957] : memref<8192x1024xf32, #tpu.memory_space<hbm>> -> memref<32x1024xf32, #tpu.memory_space<hbm>>
    %dma_wait3A_959 = arith.constant 0 : i32
    %dma_wait3A_960 = arith.constant 0 : i32
    %dma_wait3A_961 = tpu.memref_slice %arg4[%dma_wait3A_952, %dma_wait3A_959, %dma_wait3A_960] : memref<2x32x1024xf32, #tpu.memory_space<vmem>> -> memref<1x32x1024xf32, #tpu.memory_space<vmem>>
    %dma_wait3A_962 = tpu.memref_squeeze %dma_wait3A_961 : memref<1x32x1024xf32, #tpu.memory_space<vmem>> -> memref<32x1024xf32, #tpu.memory_space<vmem>>
    %dma_wait3A_963 = arith.constant 0 : i32
    %dma_wait3A_964 = tpu.memref_slice %arg2[%add3A_874, %dma_wait3A_963] : memref<8192x1024xf32, #tpu.memory_space<hbm>> -> memref<32x1024xf32, #tpu.memory_space<hbm>>
    tpu.wait_dma2 semaphore(%arg5 : memref<!tpu.dma_semaphore, #tpu.memory_space<semaphore_mem>>) src(%dma_wait3A_964 : memref<32x1024xf32, #tpu.memory_space<hbm>>) dst(%dma_wait3A_962 : memref<32x1024xf32, #tpu.memory_space<vmem>>)
    %dma_start3A_965 = arith.constant 0 : i32
    %dma_start3A_966 = arith.constant 0 : i32
    %dma_start3A_967 = arith.constant 0 : i32
    %dma_start3A_968 = arith.constant 0 : i32
    %dma_start3A_969 = tpu.memref_slice %arg4[%dma_start3A_965, %dma_start3A_967, %dma_start3A_968] : memref<2x32x1024xf32, #tpu.memory_space<vmem>> -> memref<1x32x1024xf32, #tpu.memory_space<vmem>>
    %dma_start3A_970 = tpu.memref_squeeze %dma_start3A_969 : memref<1x32x1024xf32, #tpu.memory_space<vmem>> -> memref<32x1024xf32, #tpu.memory_space<vmem>>
    %dma_start3A_971 = arith.constant 0 : i32
    %dma_start3A_972 = tpu.memref_slice %arg3[%dma_start3A_966, %add3A_874, %dma_start3A_971] : memref<4x8192x1024xf32, #tpu.memory_space<hbm>> -> memref<1x32x1024xf32, #tpu.memory_space<hbm>>
    %dma_start3A_973 = tpu.memref_squeeze %dma_start3A_972 : memref<1x32x1024xf32, #tpu.memory_space<hbm>> -> memref<32x1024xf32, #tpu.memory_space<hbm>>
    %dma_start3A_974 = arith.constant 0 : i32
    %dma_start3A_975 = tpu.memref_slice %arg3[%dma_start3A_966, %add3A_874, %dma_start3A_974] : memref<4x8192x1024xf32, #tpu.memory_space<hbm>> -> memref<1x32x1024xf32, #tpu.memory_space<hbm>>
    %dma_start3A_976 = tpu.memref_squeeze %dma_start3A_975 : memref<1x32x1024xf32, #tpu.memory_space<hbm>> -> memref<32x1024xf32, #tpu.memory_space<hbm>>
    %dma_start3A_977 = arith.constant 0 : i32
    %dma_start3A_978 = arith.constant 0 : i32
    %dma_start3A_979 = tpu.memref_slice %arg4[%dma_start3A_965, %dma_start3A_977, %dma_start3A_978] : memref<2x32x1024xf32, #tpu.memory_space<vmem>> -> memref<1x32x1024xf32, #tpu.memory_space<vmem>>
    %dma_start3A_980 = tpu.memref_squeeze %dma_start3A_979 : memref<1x32x1024xf32, #tpu.memory_space<vmem>> -> memref<32x1024xf32, #tpu.memory_space<vmem>>
    tpu.enqueue_dma source(%dma_start3A_980 : memref<32x1024xf32, #tpu.memory_space<vmem>>) target(%dma_start3A_976 : memref<32x1024xf32, #tpu.memory_space<hbm>>) target_semaphore(%arg6 : memref<!tpu.dma_semaphore, #tpu.memory_space<semaphore_mem>>)
    %dma_start3A_981 = arith.constant 0 : i32
    %dma_start3A_982 = arith.constant 1 : i32
    %dma_start3A_983 = arith.constant 0 : i32
    %dma_start3A_984 = arith.constant 0 : i32
    %dma_start3A_985 = tpu.memref_slice %arg4[%dma_start3A_981, %dma_start3A_983, %dma_start3A_984] : memref<2x32x1024xf32, #tpu.memory_space<vmem>> -> memref<1x32x1024xf32, #tpu.memory_space<vmem>>
    %dma_start3A_986 = tpu.memref_squeeze %dma_start3A_985 : memref<1x32x1024xf32, #tpu.memory_space<vmem>> -> memref<32x1024xf32, #tpu.memory_space<vmem>>
    %dma_start3A_987 = arith.constant 0 : i32
    %dma_start3A_988 = tpu.memref_slice %arg3[%dma_start3A_982, %add3A_874, %dma_start3A_987] : memref<4x8192x1024xf32, #tpu.memory_space<hbm>> -> memref<1x32x1024xf32, #tpu.memory_space<hbm>>
    %dma_start3A_989 = tpu.memref_squeeze %dma_start3A_988 : memref<1x32x1024xf32, #tpu.memory_space<hbm>> -> memref<32x1024xf32, #tpu.memory_space<hbm>>
    %dma_start3A_990 = arith.constant 0 : i32
    %dma_start3A_991 = tpu.memref_slice %arg3[%dma_start3A_982, %add3A_874, %dma_start3A_990] : memref<4x8192x1024xf32, #tpu.memory_space<hbm>> -> memref<1x32x1024xf32, #tpu.memory_space<hbm>>
    %dma_start3A_992 = tpu.memref_squeeze %dma_start3A_991 : memref<1x32x1024xf32, #tpu.memory_space<hbm>> -> memref<32x1024xf32, #tpu.memory_space<hbm>>
    %dma_start3A_993 = arith.constant 0 : i32
    %dma_start3A_994 = arith.constant 0 : i32
    %dma_start3A_995 = tpu.memref_slice %arg4[%dma_start3A_981, %dma_start3A_993, %dma_start3A_994] : memref<2x32x1024xf32, #tpu.memory_space<vmem>> -> memref<1x32x1024xf32, #tpu.memory_space<vmem>>
    %dma_start3A_996 = tpu.memref_squeeze %dma_start3A_995 : memref<1x32x1024xf32, #tpu.memory_space<vmem>> -> memref<32x1024xf32, #tpu.memory_space<vmem>>
    tpu.enqueue_dma source(%dma_start3A_996 : memref<32x1024xf32, #tpu.memory_space<vmem>>) target(%dma_start3A_992 : memref<32x1024xf32, #tpu.memory_space<hbm>>) target_semaphore(%arg6 : memref<!tpu.dma_semaphore, #tpu.memory_space<semaphore_mem>>)
    %dma_start3A_997 = arith.constant 0 : i32
    %dma_start3A_998 = arith.constant 2 : i32
    %dma_start3A_999 = arith.constant 0 : i32
    %dma_start3A_1000 = arith.constant 0 : i32
    %dma_start3A_1001 = tpu.memref_slice %arg4[%dma_start3A_997, %dma_start3A_999, %dma_start3A_1000] : memref<2x32x1024xf32, #tpu.memory_space<vmem>> -> memref<1x32x1024xf32, #tpu.memory_space<vmem>>
    %dma_start3A_1002 = tpu.memref_squeeze %dma_start3A_1001 : memref<1x32x1024xf32, #tpu.memory_space<vmem>> -> memref<32x1024xf32, #tpu.memory_space<vmem>>
    %dma_start3A_1003 = arith.constant 0 : i32
    %dma_start3A_1004 = tpu.memref_slice %arg3[%dma_start3A_998, %add3A_874, %dma_start3A_1003] : memref<4x8192x1024xf32, #tpu.memory_space<hbm>> -> memref<1x32x1024xf32, #tpu.memory_space<hbm>>
    %dma_start3A_1005 = tpu.memref_squeeze %dma_start3A_1004 : memref<1x32x1024xf32, #tpu.memory_space<hbm>> -> memref<32x1024xf32, #tpu.memory_space<hbm>>
    %dma_start3A_1006 = arith.constant 0 : i32
    %dma_start3A_1007 = tpu.memref_slice %arg3[%dma_start3A_998, %add3A_874, %dma_start3A_1006] : memref<4x8192x1024xf32, #tpu.memory_space<hbm>> -> memref<1x32x1024xf32, #tpu.memory_space<hbm>>
    %dma_start3A_1008 = tpu.memref_squeeze %dma_start3A_1007 : memref<1x32x1024xf32, #tpu.memory_space<hbm>> -> memref<32x1024xf32, #tpu.memory_space<hbm>>
    %dma_start3A_1009 = arith.constant 0 : i32
    %dma_start3A_1010 = arith.constant 0 : i32
    %dma_start3A_1011 = tpu.memref_slice %arg4[%dma_start3A_997, %dma_start3A_1009, %dma_start3A_1010] : memref<2x32x1024xf32, #tpu.memory_space<vmem>> -> memref<1x32x1024xf32, #tpu.memory_space<vmem>>
    %dma_start3A_1012 = tpu.memref_squeeze %dma_start3A_1011 : memref<1x32x1024xf32, #tpu.memory_space<vmem>> -> memref<32x1024xf32, #tpu.memory_space<vmem>>
    tpu.enqueue_dma source(%dma_start3A_1012 : memref<32x1024xf32, #tpu.memory_space<vmem>>) target(%dma_start3A_1008 : memref<32x1024xf32, #tpu.memory_space<hbm>>) target_semaphore(%arg6 : memref<!tpu.dma_semaphore, #tpu.memory_space<semaphore_mem>>)
    %dma_start3A_1013 = arith.constant 0 : i32
    %dma_start3A_1014 = arith.constant 3 : i32
    %dma_start3A_1015 = arith.constant 0 : i32
    %dma_start3A_1016 = arith.constant 0 : i32
    %dma_start3A_1017 = tpu.memref_slice %arg4[%dma_start3A_1013, %dma_start3A_1015, %dma_start3A_1016] : memref<2x32x1024xf32, #tpu.memory_space<vmem>> -> memref<1x32x1024xf32, #tpu.memory_space<vmem>>
    %dma_start3A_1018 = tpu.memref_squeeze %dma_start3A_1017 : memref<1x32x1024xf32, #tpu.memory_space<vmem>> -> memref<32x1024xf32, #tpu.memory_space<vmem>>
    %dma_start3A_1019 = arith.constant 0 : i32
    %dma_start3A_1020 = tpu.memref_slice %arg3[%dma_start3A_1014, %add3A_874, %dma_start3A_1019] : memref<4x8192x1024xf32, #tpu.memory_space<hbm>> -> memref<1x32x1024xf32, #tpu.memory_space<hbm>>
    %dma_start3A_1021 = tpu.memref_squeeze %dma_start3A_1020 : memref<1x32x1024xf32, #tpu.memory_space<hbm>> -> memref<32x1024xf32, #tpu.memory_space<hbm>>
    %dma_start3A_1022 = arith.constant 0 : i32
    %dma_start3A_1023 = tpu.memref_slice %arg3[%dma_start3A_1014, %add3A_874, %dma_start3A_1022] : memref<4x8192x1024xf32, #tpu.memory_space<hbm>> -> memref<1x32x1024xf32, #tpu.memory_space<hbm>>
    %dma_start3A_1024 = tpu.memref_squeeze %dma_start3A_1023 : memref<1x32x1024xf32, #tpu.memory_space<hbm>> -> memref<32x1024xf32, #tpu.memory_space<hbm>>
    %dma_start3A_1025 = arith.constant 0 : i32
    %dma_start3A_1026 = arith.constant 0 : i32
    %dma_start3A_1027 = tpu.memref_slice %arg4[%dma_start3A_1013, %dma_start3A_1025, %dma_start3A_1026] : memref<2x32x1024xf32, #tpu.memory_space<vmem>> -> memref<1x32x1024xf32, #tpu.memory_space<vmem>>
    %dma_start3A_1028 = tpu.memref_squeeze %dma_start3A_1027 : memref<1x32x1024xf32, #tpu.memory_space<vmem>> -> memref<32x1024xf32, #tpu.memory_space<vmem>>
    tpu.enqueue_dma source(%dma_start3A_1028 : memref<32x1024xf32, #tpu.memory_space<vmem>>) target(%dma_start3A_1024 : memref<32x1024xf32, #tpu.memory_space<hbm>>) target_semaphore(%arg6 : memref<!tpu.dma_semaphore, #tpu.memory_space<semaphore_mem>>)
    %add3A_1029 = arith.constant 224 : i32
    %add3A_1030 = arith.addi %mul3A_2, %add3A_1029 : i32
    %dma_start3A_1031 = arith.constant 1 : i32
    %dma_start3A_1032 = arith.constant 0 : i32
    %dma_start3A_1033 = arith.constant 0 : i32
    %dma_start3A_1034 = tpu.memref_slice %arg4[%dma_start3A_1031, %dma_start3A_1032, %dma_start3A_1033] : memref<2x32x1024xf32, #tpu.memory_space<vmem>> -> memref<1x32x1024xf32, #tpu.memory_space<vmem>>
    %dma_start3A_1035 = tpu.memref_squeeze %dma_start3A_1034 : memref<1x32x1024xf32, #tpu.memory_space<vmem>> -> memref<32x1024xf32, #tpu.memory_space<vmem>>
    %dma_start3A_1036 = arith.constant 0 : i32
    %dma_start3A_1037 = tpu.memref_slice %arg2[%add3A_1030, %dma_start3A_1036] : memref<8192x1024xf32, #tpu.memory_space<hbm>> -> memref<32x1024xf32, #tpu.memory_space<hbm>>
    %dma_start3A_1038 = arith.constant 0 : i32
    %dma_start3A_1039 = arith.constant 0 : i32
    %dma_start3A_1040 = tpu.memref_slice %arg4[%dma_start3A_1031, %dma_start3A_1038, %dma_start3A_1039] : memref<2x32x1024xf32, #tpu.memory_space<vmem>> -> memref<1x32x1024xf32, #tpu.memory_space<vmem>>
    %dma_start3A_1041 = tpu.memref_squeeze %dma_start3A_1040 : memref<1x32x1024xf32, #tpu.memory_space<vmem>> -> memref<32x1024xf32, #tpu.memory_space<vmem>>
    %dma_start3A_1042 = arith.constant 0 : i32
    %dma_start3A_1043 = tpu.memref_slice %arg2[%add3A_1030, %dma_start3A_1042] : memref<8192x1024xf32, #tpu.memory_space<hbm>> -> memref<32x1024xf32, #tpu.memory_space<hbm>>
    tpu.enqueue_dma source(%dma_start3A_1043 : memref<32x1024xf32, #tpu.memory_space<hbm>>) target(%dma_start3A_1041 : memref<32x1024xf32, #tpu.memory_space<vmem>>) target_semaphore(%arg5 : memref<!tpu.dma_semaphore, #tpu.memory_space<semaphore_mem>>)
    %dma_wait3A_1044 = arith.constant 0 : i32
    %dma_wait3A_1045 = arith.constant 0 : i32
    %dma_wait3A_1046 = arith.constant 0 : i32
    %dma_wait3A_1047 = arith.constant 0 : i32
    %dma_wait3A_1048 = tpu.memref_slice %arg4[%dma_wait3A_1044, %dma_wait3A_1046, %dma_wait3A_1047] : memref<2x32x1024xf32, #tpu.memory_space<vmem>> -> memref<1x32x1024xf32, #tpu.memory_space<vmem>>
    %dma_wait3A_1049 = tpu.memref_squeeze %dma_wait3A_1048 : memref<1x32x1024xf32, #tpu.memory_space<vmem>> -> memref<32x1024xf32, #tpu.memory_space<vmem>>
    %dma_wait3A_1050 = arith.constant 0 : i32
    %dma_wait3A_1051 = tpu.memref_slice %arg3[%dma_wait3A_1045, %add3A_874, %dma_wait3A_1050] : memref<4x8192x1024xf32, #tpu.memory_space<hbm>> -> memref<1x32x1024xf32, #tpu.memory_space<hbm>>
    %dma_wait3A_1052 = tpu.memref_squeeze %dma_wait3A_1051 : memref<1x32x1024xf32, #tpu.memory_space<hbm>> -> memref<32x1024xf32, #tpu.memory_space<hbm>>
    %dma_wait3A_1053 = arith.constant 0 : i32
    %dma_wait3A_1054 = tpu.memref_slice %arg3[%dma_wait3A_1045, %add3A_874, %dma_wait3A_1053] : memref<4x8192x1024xf32, #tpu.memory_space<hbm>> -> memref<1x32x1024xf32, #tpu.memory_space<hbm>>
    %dma_wait3A_1055 = tpu.memref_squeeze %dma_wait3A_1054 : memref<1x32x1024xf32, #tpu.memory_space<hbm>> -> memref<32x1024xf32, #tpu.memory_space<hbm>>
    %dma_wait3A_1056 = arith.constant 0 : i32
    %dma_wait3A_1057 = arith.constant 0 : i32
    %dma_wait3A_1058 = tpu.memref_slice %arg4[%dma_wait3A_1044, %dma_wait3A_1056, %dma_wait3A_1057] : memref<2x32x1024xf32, #tpu.memory_space<vmem>> -> memref<1x32x1024xf32, #tpu.memory_space<vmem>>
    %dma_wait3A_1059 = tpu.memref_squeeze %dma_wait3A_1058 : memref<1x32x1024xf32, #tpu.memory_space<vmem>> -> memref<32x1024xf32, #tpu.memory_space<vmem>>
    tpu.wait_dma2 semaphore(%arg6 : memref<!tpu.dma_semaphore, #tpu.memory_space<semaphore_mem>>) src(%dma_wait3A_1059 : memref<32x1024xf32, #tpu.memory_space<vmem>>) dst(%dma_wait3A_1055 : memref<32x1024xf32, #tpu.memory_space<hbm>>)
    %dma_wait3A_1060 = arith.constant 0 : i32
    %dma_wait3A_1061 = arith.constant 1 : i32
    %dma_wait3A_1062 = arith.constant 0 : i32
    %dma_wait3A_1063 = arith.constant 0 : i32
    %dma_wait3A_1064 = tpu.memref_slice %arg4[%dma_wait3A_1060, %dma_wait3A_1062, %dma_wait3A_1063] : memref<2x32x1024xf32, #tpu.memory_space<vmem>> -> memref<1x32x1024xf32, #tpu.memory_space<vmem>>
    %dma_wait3A_1065 = tpu.memref_squeeze %dma_wait3A_1064 : memref<1x32x1024xf32, #tpu.memory_space<vmem>> -> memref<32x1024xf32, #tpu.memory_space<vmem>>
    %dma_wait3A_1066 = arith.constant 0 : i32
    %dma_wait3A_1067 = tpu.memref_slice %arg3[%dma_wait3A_1061, %add3A_874, %dma_wait3A_1066] : memref<4x8192x1024xf32, #tpu.memory_space<hbm>> -> memref<1x32x1024xf32, #tpu.memory_space<hbm>>
    %dma_wait3A_1068 = tpu.memref_squeeze %dma_wait3A_1067 : memref<1x32x1024xf32, #tpu.memory_space<hbm>> -> memref<32x1024xf32, #tpu.memory_space<hbm>>
    %dma_wait3A_1069 = arith.constant 0 : i32
    %dma_wait3A_1070 = tpu.memref_slice %arg3[%dma_wait3A_1061, %add3A_874, %dma_wait3A_1069] : memref<4x8192x1024xf32, #tpu.memory_space<hbm>> -> memref<1x32x1024xf32, #tpu.memory_space<hbm>>
    %dma_wait3A_1071 = tpu.memref_squeeze %dma_wait3A_1070 : memref<1x32x1024xf32, #tpu.memory_space<hbm>> -> memref<32x1024xf32, #tpu.memory_space<hbm>>
    %dma_wait3A_1072 = arith.constant 0 : i32
    %dma_wait3A_1073 = arith.constant 0 : i32
    %dma_wait3A_1074 = tpu.memref_slice %arg4[%dma_wait3A_1060, %dma_wait3A_1072, %dma_wait3A_1073] : memref<2x32x1024xf32, #tpu.memory_space<vmem>> -> memref<1x32x1024xf32, #tpu.memory_space<vmem>>
    %dma_wait3A_1075 = tpu.memref_squeeze %dma_wait3A_1074 : memref<1x32x1024xf32, #tpu.memory_space<vmem>> -> memref<32x1024xf32, #tpu.memory_space<vmem>>
    tpu.wait_dma2 semaphore(%arg6 : memref<!tpu.dma_semaphore, #tpu.memory_space<semaphore_mem>>) src(%dma_wait3A_1075 : memref<32x1024xf32, #tpu.memory_space<vmem>>) dst(%dma_wait3A_1071 : memref<32x1024xf32, #tpu.memory_space<hbm>>)
    %dma_wait3A_1076 = arith.constant 0 : i32
    %dma_wait3A_1077 = arith.constant 2 : i32
    %dma_wait3A_1078 = arith.constant 0 : i32
    %dma_wait3A_1079 = arith.constant 0 : i32
    %dma_wait3A_1080 = tpu.memref_slice %arg4[%dma_wait3A_1076, %dma_wait3A_1078, %dma_wait3A_1079] : memref<2x32x1024xf32, #tpu.memory_space<vmem>> -> memref<1x32x1024xf32, #tpu.memory_space<vmem>>
    %dma_wait3A_1081 = tpu.memref_squeeze %dma_wait3A_1080 : memref<1x32x1024xf32, #tpu.memory_space<vmem>> -> memref<32x1024xf32, #tpu.memory_space<vmem>>
    %dma_wait3A_1082 = arith.constant 0 : i32
    %dma_wait3A_1083 = tpu.memref_slice %arg3[%dma_wait3A_1077, %add3A_874, %dma_wait3A_1082] : memref<4x8192x1024xf32, #tpu.memory_space<hbm>> -> memref<1x32x1024xf32, #tpu.memory_space<hbm>>
    %dma_wait3A_1084 = tpu.memref_squeeze %dma_wait3A_1083 : memref<1x32x1024xf32, #tpu.memory_space<hbm>> -> memref<32x1024xf32, #tpu.memory_space<hbm>>
    %dma_wait3A_1085 = arith.constant 0 : i32
    %dma_wait3A_1086 = tpu.memref_slice %arg3[%dma_wait3A_1077, %add3A_874, %dma_wait3A_1085] : memref<4x8192x1024xf32, #tpu.memory_space<hbm>> -> memref<1x32x1024xf32, #tpu.memory_space<hbm>>
    %dma_wait3A_1087 = tpu.memref_squeeze %dma_wait3A_1086 : memref<1x32x1024xf32, #tpu.memory_space<hbm>> -> memref<32x1024xf32, #tpu.memory_space<hbm>>
    %dma_wait3A_1088 = arith.constant 0 : i32
    %dma_wait3A_1089 = arith.constant 0 : i32
    %dma_wait3A_1090 = tpu.memref_slice %arg4[%dma_wait3A_1076, %dma_wait3A_1088, %dma_wait3A_1089] : memref<2x32x1024xf32, #tpu.memory_space<vmem>> -> memref<1x32x1024xf32, #tpu.memory_space<vmem>>
    %dma_wait3A_1091 = tpu.memref_squeeze %dma_wait3A_1090 : memref<1x32x1024xf32, #tpu.memory_space<vmem>> -> memref<32x1024xf32, #tpu.memory_space<vmem>>
    tpu.wait_dma2 semaphore(%arg6 : memref<!tpu.dma_semaphore, #tpu.memory_space<semaphore_mem>>) src(%dma_wait3A_1091 : memref<32x1024xf32, #tpu.memory_space<vmem>>) dst(%dma_wait3A_1087 : memref<32x1024xf32, #tpu.memory_space<hbm>>)
    %dma_wait3A_1092 = arith.constant 0 : i32
    %dma_wait3A_1093 = arith.constant 3 : i32
    %dma_wait3A_1094 = arith.constant 0 : i32
    %dma_wait3A_1095 = arith.constant 0 : i32
    %dma_wait3A_1096 = tpu.memref_slice %arg4[%dma_wait3A_1092, %dma_wait3A_1094, %dma_wait3A_1095] : memref<2x32x1024xf32, #tpu.memory_space<vmem>> -> memref<1x32x1024xf32, #tpu.memory_space<vmem>>
    %dma_wait3A_1097 = tpu.memref_squeeze %dma_wait3A_1096 : memref<1x32x1024xf32, #tpu.memory_space<vmem>> -> memref<32x1024xf32, #tpu.memory_space<vmem>>
    %dma_wait3A_1098 = arith.constant 0 : i32
    %dma_wait3A_1099 = tpu.memref_slice %arg3[%dma_wait3A_1093, %add3A_874, %dma_wait3A_1098] : memref<4x8192x1024xf32, #tpu.memory_space<hbm>> -> memref<1x32x1024xf32, #tpu.memory_space<hbm>>
    %dma_wait3A_1100 = tpu.memref_squeeze %dma_wait3A_1099 : memref<1x32x1024xf32, #tpu.memory_space<hbm>> -> memref<32x1024xf32, #tpu.memory_space<hbm>>
    %dma_wait3A_1101 = arith.constant 0 : i32
    %dma_wait3A_1102 = tpu.memref_slice %arg3[%dma_wait3A_1093, %add3A_874, %dma_wait3A_1101] : memref<4x8192x1024xf32, #tpu.memory_space<hbm>> -> memref<1x32x1024xf32, #tpu.memory_space<hbm>>
    %dma_wait3A_1103 = tpu.memref_squeeze %dma_wait3A_1102 : memref<1x32x1024xf32, #tpu.memory_space<hbm>> -> memref<32x1024xf32, #tpu.memory_space<hbm>>
    %dma_wait3A_1104 = arith.constant 0 : i32
    %dma_wait3A_1105 = arith.constant 0 : i32
    %dma_wait3A_1106 = tpu.memref_slice %arg4[%dma_wait3A_1092, %dma_wait3A_1104, %dma_wait3A_1105] : memref<2x32x1024xf32, #tpu.memory_space<vmem>> -> memref<1x32x1024xf32, #tpu.memory_space<vmem>>
    %dma_wait3A_1107 = tpu.memref_squeeze %dma_wait3A_1106 : memref<1x32x1024xf32, #tpu.memory_space<vmem>> -> memref<32x1024xf32, #tpu.memory_space<vmem>>
    tpu.wait_dma2 semaphore(%arg6 : memref<!tpu.dma_semaphore, #tpu.memory_space<semaphore_mem>>) src(%dma_wait3A_1107 : memref<32x1024xf32, #tpu.memory_space<vmem>>) dst(%dma_wait3A_1103 : memref<32x1024xf32, #tpu.memory_space<hbm>>)
    %dma_wait3A_1108 = arith.constant 1 : i32
    %dma_wait3A_1109 = arith.constant 0 : i32
    %dma_wait3A_1110 = arith.constant 0 : i32
    %dma_wait3A_1111 = tpu.memref_slice %arg4[%dma_wait3A_1108, %dma_wait3A_1109, %dma_wait3A_1110] : memref<2x32x1024xf32, #tpu.memory_space<vmem>> -> memref<1x32x1024xf32, #tpu.memory_space<vmem>>
    %dma_wait3A_1112 = tpu.memref_squeeze %dma_wait3A_1111 : memref<1x32x1024xf32, #tpu.memory_space<vmem>> -> memref<32x1024xf32, #tpu.memory_space<vmem>>
    %dma_wait3A_1113 = arith.constant 0 : i32
    %dma_wait3A_1114 = tpu.memref_slice %arg2[%add3A_1030, %dma_wait3A_1113] : memref<8192x1024xf32, #tpu.memory_space<hbm>> -> memref<32x1024xf32, #tpu.memory_space<hbm>>
    %dma_wait3A_1115 = arith.constant 0 : i32
    %dma_wait3A_1116 = arith.constant 0 : i32
    %dma_wait3A_1117 = tpu.memref_slice %arg4[%dma_wait3A_1108, %dma_wait3A_1115, %dma_wait3A_1116] : memref<2x32x1024xf32, #tpu.memory_space<vmem>> -> memref<1x32x1024xf32, #tpu.memory_space<vmem>>
    %dma_wait3A_1118 = tpu.memref_squeeze %dma_wait3A_1117 : memref<1x32x1024xf32, #tpu.memory_space<vmem>> -> memref<32x1024xf32, #tpu.memory_space<vmem>>
    %dma_wait3A_1119 = arith.constant 0 : i32
    %dma_wait3A_1120 = tpu.memref_slice %arg2[%add3A_1030, %dma_wait3A_1119] : memref<8192x1024xf32, #tpu.memory_space<hbm>> -> memref<32x1024xf32, #tpu.memory_space<hbm>>
    tpu.wait_dma2 semaphore(%arg5 : memref<!tpu.dma_semaphore, #tpu.memory_space<semaphore_mem>>) src(%dma_wait3A_1120 : memref<32x1024xf32, #tpu.memory_space<hbm>>) dst(%dma_wait3A_1118 : memref<32x1024xf32, #tpu.memory_space<vmem>>)
    %dma_start3A_1121 = arith.constant 1 : i32
    %dma_start3A_1122 = arith.constant 0 : i32
    %dma_start3A_1123 = arith.constant 0 : i32
    %dma_start3A_1124 = arith.constant 0 : i32
    %dma_start3A_1125 = tpu.memref_slice %arg4[%dma_start3A_1121, %dma_start3A_1123, %dma_start3A_1124] : memref<2x32x1024xf32, #tpu.memory_space<vmem>> -> memref<1x32x1024xf32, #tpu.memory_space<vmem>>
    %dma_start3A_1126 = tpu.memref_squeeze %dma_start3A_1125 : memref<1x32x1024xf32, #tpu.memory_space<vmem>> -> memref<32x1024xf32, #tpu.memory_space<vmem>>
    %dma_start3A_1127 = arith.constant 0 : i32
    %dma_start3A_1128 = tpu.memref_slice %arg3[%dma_start3A_1122, %add3A_1030, %dma_start3A_1127] : memref<4x8192x1024xf32, #tpu.memory_space<hbm>> -> memref<1x32x1024xf32, #tpu.memory_space<hbm>>
    %dma_start3A_1129 = tpu.memref_squeeze %dma_start3A_1128 : memref<1x32x1024xf32, #tpu.memory_space<hbm>> -> memref<32x1024xf32, #tpu.memory_space<hbm>>
    %dma_start3A_1130 = arith.constant 0 : i32
    %dma_start3A_1131 = tpu.memref_slice %arg3[%dma_start3A_1122, %add3A_1030, %dma_start3A_1130] : memref<4x8192x1024xf32, #tpu.memory_space<hbm>> -> memref<1x32x1024xf32, #tpu.memory_space<hbm>>
    %dma_start3A_1132 = tpu.memref_squeeze %dma_start3A_1131 : memref<1x32x1024xf32, #tpu.memory_space<hbm>> -> memref<32x1024xf32, #tpu.memory_space<hbm>>
    %dma_start3A_1133 = arith.constant 0 : i32
    %dma_start3A_1134 = arith.constant 0 : i32
    %dma_start3A_1135 = tpu.memref_slice %arg4[%dma_start3A_1121, %dma_start3A_1133, %dma_start3A_1134] : memref<2x32x1024xf32, #tpu.memory_space<vmem>> -> memref<1x32x1024xf32, #tpu.memory_space<vmem>>
    %dma_start3A_1136 = tpu.memref_squeeze %dma_start3A_1135 : memref<1x32x1024xf32, #tpu.memory_space<vmem>> -> memref<32x1024xf32, #tpu.memory_space<vmem>>
    tpu.enqueue_dma source(%dma_start3A_1136 : memref<32x1024xf32, #tpu.memory_space<vmem>>) target(%dma_start3A_1132 : memref<32x1024xf32, #tpu.memory_space<hbm>>) target_semaphore(%arg6 : memref<!tpu.dma_semaphore, #tpu.memory_space<semaphore_mem>>)
    %dma_start3A_1137 = arith.constant 1 : i32
    %dma_start3A_1138 = arith.constant 1 : i32
    %dma_start3A_1139 = arith.constant 0 : i32
    %dma_start3A_1140 = arith.constant 0 : i32
    %dma_start3A_1141 = tpu.memref_slice %arg4[%dma_start3A_1137, %dma_start3A_1139, %dma_start3A_1140] : memref<2x32x1024xf32, #tpu.memory_space<vmem>> -> memref<1x32x1024xf32, #tpu.memory_space<vmem>>
    %dma_start3A_1142 = tpu.memref_squeeze %dma_start3A_1141 : memref<1x32x1024xf32, #tpu.memory_space<vmem>> -> memref<32x1024xf32, #tpu.memory_space<vmem>>
    %dma_start3A_1143 = arith.constant 0 : i32
    %dma_start3A_1144 = tpu.memref_slice %arg3[%dma_start3A_1138, %add3A_1030, %dma_start3A_1143] : memref<4x8192x1024xf32, #tpu.memory_space<hbm>> -> memref<1x32x1024xf32, #tpu.memory_space<hbm>>
    %dma_start3A_1145 = tpu.memref_squeeze %dma_start3A_1144 : memref<1x32x1024xf32, #tpu.memory_space<hbm>> -> memref<32x1024xf32, #tpu.memory_space<hbm>>
    %dma_start3A_1146 = arith.constant 0 : i32
    %dma_start3A_1147 = tpu.memref_slice %arg3[%dma_start3A_1138, %add3A_1030, %dma_start3A_1146] : memref<4x8192x1024xf32, #tpu.memory_space<hbm>> -> memref<1x32x1024xf32, #tpu.memory_space<hbm>>
    %dma_start3A_1148 = tpu.memref_squeeze %dma_start3A_1147 : memref<1x32x1024xf32, #tpu.memory_space<hbm>> -> memref<32x1024xf32, #tpu.memory_space<hbm>>
    %dma_start3A_1149 = arith.constant 0 : i32
    %dma_start3A_1150 = arith.constant 0 : i32
    %dma_start3A_1151 = tpu.memref_slice %arg4[%dma_start3A_1137, %dma_start3A_1149, %dma_start3A_1150] : memref<2x32x1024xf32, #tpu.memory_space<vmem>> -> memref<1x32x1024xf32, #tpu.memory_space<vmem>>
    %dma_start3A_1152 = tpu.memref_squeeze %dma_start3A_1151 : memref<1x32x1024xf32, #tpu.memory_space<vmem>> -> memref<32x1024xf32, #tpu.memory_space<vmem>>
    tpu.enqueue_dma source(%dma_start3A_1152 : memref<32x1024xf32, #tpu.memory_space<vmem>>) target(%dma_start3A_1148 : memref<32x1024xf32, #tpu.memory_space<hbm>>) target_semaphore(%arg6 : memref<!tpu.dma_semaphore, #tpu.memory_space<semaphore_mem>>)
    %dma_start3A_1153 = arith.constant 1 : i32
    %dma_start3A_1154 = arith.constant 2 : i32
    %dma_start3A_1155 = arith.constant 0 : i32
    %dma_start3A_1156 = arith.constant 0 : i32
    %dma_start3A_1157 = tpu.memref_slice %arg4[%dma_start3A_1153, %dma_start3A_1155, %dma_start3A_1156] : memref<2x32x1024xf32, #tpu.memory_space<vmem>> -> memref<1x32x1024xf32, #tpu.memory_space<vmem>>
    %dma_start3A_1158 = tpu.memref_squeeze %dma_start3A_1157 : memref<1x32x1024xf32, #tpu.memory_space<vmem>> -> memref<32x1024xf32, #tpu.memory_space<vmem>>
    %dma_start3A_1159 = arith.constant 0 : i32
    %dma_start3A_1160 = tpu.memref_slice %arg3[%dma_start3A_1154, %add3A_1030, %dma_start3A_1159] : memref<4x8192x1024xf32, #tpu.memory_space<hbm>> -> memref<1x32x1024xf32, #tpu.memory_space<hbm>>
    %dma_start3A_1161 = tpu.memref_squeeze %dma_start3A_1160 : memref<1x32x1024xf32, #tpu.memory_space<hbm>> -> memref<32x1024xf32, #tpu.memory_space<hbm>>
    %dma_start3A_1162 = arith.constant 0 : i32
    %dma_start3A_1163 = tpu.memref_slice %arg3[%dma_start3A_1154, %add3A_1030, %dma_start3A_1162] : memref<4x8192x1024xf32, #tpu.memory_space<hbm>> -> memref<1x32x1024xf32, #tpu.memory_space<hbm>>
    %dma_start3A_1164 = tpu.memref_squeeze %dma_start3A_1163 : memref<1x32x1024xf32, #tpu.memory_space<hbm>> -> memref<32x1024xf32, #tpu.memory_space<hbm>>
    %dma_start3A_1165 = arith.constant 0 : i32
    %dma_start3A_1166 = arith.constant 0 : i32
    %dma_start3A_1167 = tpu.memref_slice %arg4[%dma_start3A_1153, %dma_start3A_1165, %dma_start3A_1166] : memref<2x32x1024xf32, #tpu.memory_space<vmem>> -> memref<1x32x1024xf32, #tpu.memory_space<vmem>>
    %dma_start3A_1168 = tpu.memref_squeeze %dma_start3A_1167 : memref<1x32x1024xf32, #tpu.memory_space<vmem>> -> memref<32x1024xf32, #tpu.memory_space<vmem>>
    tpu.enqueue_dma source(%dma_start3A_1168 : memref<32x1024xf32, #tpu.memory_space<vmem>>) target(%dma_start3A_1164 : memref<32x1024xf32, #tpu.memory_space<hbm>>) target_semaphore(%arg6 : memref<!tpu.dma_semaphore, #tpu.memory_space<semaphore_mem>>)
    %dma_start3A_1169 = arith.constant 1 : i32
    %dma_start3A_1170 = arith.constant 3 : i32
    %dma_start3A_1171 = arith.constant 0 : i32
    %dma_start3A_1172 = arith.constant 0 : i32
    %dma_start3A_1173 = tpu.memref_slice %arg4[%dma_start3A_1169, %dma_start3A_1171, %dma_start3A_1172] : memref<2x32x1024xf32, #tpu.memory_space<vmem>> -> memref<1x32x1024xf32, #tpu.memory_space<vmem>>
    %dma_start3A_1174 = tpu.memref_squeeze %dma_start3A_1173 : memref<1x32x1024xf32, #tpu.memory_space<vmem>> -> memref<32x1024xf32, #tpu.memory_space<vmem>>
    %dma_start3A_1175 = arith.constant 0 : i32
    %dma_start3A_1176 = tpu.memref_slice %arg3[%dma_start3A_1170, %add3A_1030, %dma_start3A_1175] : memref<4x8192x1024xf32, #tpu.memory_space<hbm>> -> memref<1x32x1024xf32, #tpu.memory_space<hbm>>
    %dma_start3A_1177 = tpu.memref_squeeze %dma_start3A_1176 : memref<1x32x1024xf32, #tpu.memory_space<hbm>> -> memref<32x1024xf32, #tpu.memory_space<hbm>>
    %dma_start3A_1178 = arith.constant 0 : i32
    %dma_start3A_1179 = tpu.memref_slice %arg3[%dma_start3A_1170, %add3A_1030, %dma_start3A_1178] : memref<4x8192x1024xf32, #tpu.memory_space<hbm>> -> memref<1x32x1024xf32, #tpu.memory_space<hbm>>
    %dma_start3A_1180 = tpu.memref_squeeze %dma_start3A_1179 : memref<1x32x1024xf32, #tpu.memory_space<hbm>> -> memref<32x1024xf32, #tpu.memory_space<hbm>>
    %dma_start3A_1181 = arith.constant 0 : i32
    %dma_start3A_1182 = arith.constant 0 : i32
    %dma_start3A_1183 = tpu.memref_slice %arg4[%dma_start3A_1169, %dma_start3A_1181, %dma_start3A_1182] : memref<2x32x1024xf32, #tpu.memory_space<vmem>> -> memref<1x32x1024xf32, #tpu.memory_space<vmem>>
    %dma_start3A_1184 = tpu.memref_squeeze %dma_start3A_1183 : memref<1x32x1024xf32, #tpu.memory_space<vmem>> -> memref<32x1024xf32, #tpu.memory_space<vmem>>
    tpu.enqueue_dma source(%dma_start3A_1184 : memref<32x1024xf32, #tpu.memory_space<vmem>>) target(%dma_start3A_1180 : memref<32x1024xf32, #tpu.memory_space<hbm>>) target_semaphore(%arg6 : memref<!tpu.dma_semaphore, #tpu.memory_space<semaphore_mem>>)
    %dma_wait3A_1185 = arith.constant 1 : i32
    %dma_wait3A_1186 = arith.constant 0 : i32
    %dma_wait3A_1187 = arith.constant 0 : i32
    %dma_wait3A_1188 = arith.constant 0 : i32
    %dma_wait3A_1189 = tpu.memref_slice %arg4[%dma_wait3A_1185, %dma_wait3A_1187, %dma_wait3A_1188] : memref<2x32x1024xf32, #tpu.memory_space<vmem>> -> memref<1x32x1024xf32, #tpu.memory_space<vmem>>
    %dma_wait3A_1190 = tpu.memref_squeeze %dma_wait3A_1189 : memref<1x32x1024xf32, #tpu.memory_space<vmem>> -> memref<32x1024xf32, #tpu.memory_space<vmem>>
    %dma_wait3A_1191 = arith.constant 0 : i32
    %dma_wait3A_1192 = tpu.memref_slice %arg3[%dma_wait3A_1186, %add3A_1030, %dma_wait3A_1191] : memref<4x8192x1024xf32, #tpu.memory_space<hbm>> -> memref<1x32x1024xf32, #tpu.memory_space<hbm>>
    %dma_wait3A_1193 = tpu.memref_squeeze %dma_wait3A_1192 : memref<1x32x1024xf32, #tpu.memory_space<hbm>> -> memref<32x1024xf32, #tpu.memory_space<hbm>>
    %dma_wait3A_1194 = arith.constant 0 : i32
    %dma_wait3A_1195 = tpu.memref_slice %arg3[%dma_wait3A_1186, %add3A_1030, %dma_wait3A_1194] : memref<4x8192x1024xf32, #tpu.memory_space<hbm>> -> memref<1x32x1024xf32, #tpu.memory_space<hbm>>
    %dma_wait3A_1196 = tpu.memref_squeeze %dma_wait3A_1195 : memref<1x32x1024xf32, #tpu.memory_space<hbm>> -> memref<32x1024xf32, #tpu.memory_space<hbm>>
    %dma_wait3A_1197 = arith.constant 0 : i32
    %dma_wait3A_1198 = arith.constant 0 : i32
    %dma_wait3A_1199 = tpu.memref_slice %arg4[%dma_wait3A_1185, %dma_wait3A_1197, %dma_wait3A_1198] : memref<2x32x1024xf32, #tpu.memory_space<vmem>> -> memref<1x32x1024xf32, #tpu.memory_space<vmem>>
    %dma_wait3A_1200 = tpu.memref_squeeze %dma_wait3A_1199 : memref<1x32x1024xf32, #tpu.memory_space<vmem>> -> memref<32x1024xf32, #tpu.memory_space<vmem>>
    tpu.wait_dma2 semaphore(%arg6 : memref<!tpu.dma_semaphore, #tpu.memory_space<semaphore_mem>>) src(%dma_wait3A_1200 : memref<32x1024xf32, #tpu.memory_space<vmem>>) dst(%dma_wait3A_1196 : memref<32x1024xf32, #tpu.memory_space<hbm>>)
    %dma_wait3A_1201 = arith.constant 1 : i32
    %dma_wait3A_1202 = arith.constant 1 : i32
    %dma_wait3A_1203 = arith.constant 0 : i32
    %dma_wait3A_1204 = arith.constant 0 : i32
    %dma_wait3A_1205 = tpu.memref_slice %arg4[%dma_wait3A_1201, %dma_wait3A_1203, %dma_wait3A_1204] : memref<2x32x1024xf32, #tpu.memory_space<vmem>> -> memref<1x32x1024xf32, #tpu.memory_space<vmem>>
    %dma_wait3A_1206 = tpu.memref_squeeze %dma_wait3A_1205 : memref<1x32x1024xf32, #tpu.memory_space<vmem>> -> memref<32x1024xf32, #tpu.memory_space<vmem>>
    %dma_wait3A_1207 = arith.constant 0 : i32
    %dma_wait3A_1208 = tpu.memref_slice %arg3[%dma_wait3A_1202, %add3A_1030, %dma_wait3A_1207] : memref<4x8192x1024xf32, #tpu.memory_space<hbm>> -> memref<1x32x1024xf32, #tpu.memory_space<hbm>>
    %dma_wait3A_1209 = tpu.memref_squeeze %dma_wait3A_1208 : memref<1x32x1024xf32, #tpu.memory_space<hbm>> -> memref<32x1024xf32, #tpu.memory_space<hbm>>
    %dma_wait3A_1210 = arith.constant 0 : i32
    %dma_wait3A_1211 = tpu.memref_slice %arg3[%dma_wait3A_1202, %add3A_1030, %dma_wait3A_1210] : memref<4x8192x1024xf32, #tpu.memory_space<hbm>> -> memref<1x32x1024xf32, #tpu.memory_space<hbm>>
    %dma_wait3A_1212 = tpu.memref_squeeze %dma_wait3A_1211 : memref<1x32x1024xf32, #tpu.memory_space<hbm>> -> memref<32x1024xf32, #tpu.memory_space<hbm>>
    %dma_wait3A_1213 = arith.constant 0 : i32
    %dma_wait3A_1214 = arith.constant 0 : i32
    %dma_wait3A_1215 = tpu.memref_slice %arg4[%dma_wait3A_1201, %dma_wait3A_1213, %dma_wait3A_1214] : memref<2x32x1024xf32, #tpu.memory_space<vmem>> -> memref<1x32x1024xf32, #tpu.memory_space<vmem>>
    %dma_wait3A_1216 = tpu.memref_squeeze %dma_wait3A_1215 : memref<1x32x1024xf32, #tpu.memory_space<vmem>> -> memref<32x1024xf32, #tpu.memory_space<vmem>>
    tpu.wait_dma2 semaphore(%arg6 : memref<!tpu.dma_semaphore, #tpu.memory_space<semaphore_mem>>) src(%dma_wait3A_1216 : memref<32x1024xf32, #tpu.memory_space<vmem>>) dst(%dma_wait3A_1212 : memref<32x1024xf32, #tpu.memory_space<hbm>>)
    %dma_wait3A_1217 = arith.constant 1 : i32
    %dma_wait3A_1218 = arith.constant 2 : i32
    %dma_wait3A_1219 = arith.constant 0 : i32
    %dma_wait3A_1220 = arith.constant 0 : i32
    %dma_wait3A_1221 = tpu.memref_slice %arg4[%dma_wait3A_1217, %dma_wait3A_1219, %dma_wait3A_1220] : memref<2x32x1024xf32, #tpu.memory_space<vmem>> -> memref<1x32x1024xf32, #tpu.memory_space<vmem>>
    %dma_wait3A_1222 = tpu.memref_squeeze %dma_wait3A_1221 : memref<1x32x1024xf32, #tpu.memory_space<vmem>> -> memref<32x1024xf32, #tpu.memory_space<vmem>>
    %dma_wait3A_1223 = arith.constant 0 : i32
    %dma_wait3A_1224 = tpu.memref_slice %arg3[%dma_wait3A_1218, %add3A_1030, %dma_wait3A_1223] : memref<4x8192x1024xf32, #tpu.memory_space<hbm>> -> memref<1x32x1024xf32, #tpu.memory_space<hbm>>
    %dma_wait3A_1225 = tpu.memref_squeeze %dma_wait3A_1224 : memref<1x32x1024xf32, #tpu.memory_space<hbm>> -> memref<32x1024xf32, #tpu.memory_space<hbm>>
    %dma_wait3A_1226 = arith.constant 0 : i32
    %dma_wait3A_1227 = tpu.memref_slice %arg3[%dma_wait3A_1218, %add3A_1030, %dma_wait3A_1226] : memref<4x8192x1024xf32, #tpu.memory_space<hbm>> -> memref<1x32x1024xf32, #tpu.memory_space<hbm>>
    %dma_wait3A_1228 = tpu.memref_squeeze %dma_wait3A_1227 : memref<1x32x1024xf32, #tpu.memory_space<hbm>> -> memref<32x1024xf32, #tpu.memory_space<hbm>>
    %dma_wait3A_1229 = arith.constant 0 : i32
    %dma_wait3A_1230 = arith.constant 0 : i32
    %dma_wait3A_1231 = tpu.memref_slice %arg4[%dma_wait3A_1217, %dma_wait3A_1229, %dma_wait3A_1230] : memref<2x32x1024xf32, #tpu.memory_space<vmem>> -> memref<1x32x1024xf32, #tpu.memory_space<vmem>>
    %dma_wait3A_1232 = tpu.memref_squeeze %dma_wait3A_1231 : memref<1x32x1024xf32, #tpu.memory_space<vmem>> -> memref<32x1024xf32, #tpu.memory_space<vmem>>
    tpu.wait_dma2 semaphore(%arg6 : memref<!tpu.dma_semaphore, #tpu.memory_space<semaphore_mem>>) src(%dma_wait3A_1232 : memref<32x1024xf32, #tpu.memory_space<vmem>>) dst(%dma_wait3A_1228 : memref<32x1024xf32, #tpu.memory_space<hbm>>)
    %dma_wait3A_1233 = arith.constant 1 : i32
    %dma_wait3A_1234 = arith.constant 3 : i32
    %dma_wait3A_1235 = arith.constant 0 : i32
    %dma_wait3A_1236 = arith.constant 0 : i32
    %dma_wait3A_1237 = tpu.memref_slice %arg4[%dma_wait3A_1233, %dma_wait3A_1235, %dma_wait3A_1236] : memref<2x32x1024xf32, #tpu.memory_space<vmem>> -> memref<1x32x1024xf32, #tpu.memory_space<vmem>>
    %dma_wait3A_1238 = tpu.memref_squeeze %dma_wait3A_1237 : memref<1x32x1024xf32, #tpu.memory_space<vmem>> -> memref<32x1024xf32, #tpu.memory_space<vmem>>
    %dma_wait3A_1239 = arith.constant 0 : i32
    %dma_wait3A_1240 = tpu.memref_slice %arg3[%dma_wait3A_1234, %add3A_1030, %dma_wait3A_1239] : memref<4x8192x1024xf32, #tpu.memory_space<hbm>> -> memref<1x32x1024xf32, #tpu.memory_space<hbm>>
    %dma_wait3A_1241 = tpu.memref_squeeze %dma_wait3A_1240 : memref<1x32x1024xf32, #tpu.memory_space<hbm>> -> memref<32x1024xf32, #tpu.memory_space<hbm>>
    %dma_wait3A_1242 = arith.constant 0 : i32
    %dma_wait3A_1243 = tpu.memref_slice %arg3[%dma_wait3A_1234, %add3A_1030, %dma_wait3A_1242] : memref<4x8192x1024xf32, #tpu.memory_space<hbm>> -> memref<1x32x1024xf32, #tpu.memory_space<hbm>>
    %dma_wait3A_1244 = tpu.memref_squeeze %dma_wait3A_1243 : memref<1x32x1024xf32, #tpu.memory_space<hbm>> -> memref<32x1024xf32, #tpu.memory_space<hbm>>
    %dma_wait3A_1245 = arith.constant 0 : i32
    %dma_wait3A_1246 = arith.constant 0 : i32
    %dma_wait3A_1247 = tpu.memref_slice %arg4[%dma_wait3A_1233, %dma_wait3A_1245, %dma_wait3A_1246] : memref<2x32x1024xf32, #tpu.memory_space<vmem>> -> memref<1x32x1024xf32, #tpu.memory_space<vmem>>
    %dma_wait3A_1248 = tpu.memref_squeeze %dma_wait3A_1247 : memref<1x32x1024xf32, #tpu.memory_space<vmem>> -> memref<32x1024xf32, #tpu.memory_space<vmem>>
    tpu.wait_dma2 semaphore(%arg6 : memref<!tpu.dma_semaphore, #tpu.memory_space<semaphore_mem>>) src(%dma_wait3A_1248 : memref<32x1024xf32, #tpu.memory_space<vmem>>) dst(%dma_wait3A_1244 : memref<32x1024xf32, #tpu.memory_space<hbm>>)
    return
  }
}

</mosaic_0001>

<sc_bundles>
// kernel: kernel.3.cloned.1.call-start
scs
__scs_entry_jumppad:
0x0: {  	(pc) =	sbr.rel $0x88, $3  }
0x1: {  	(tag) =	ssettag $0x0;
	lr =	simm.s32 $0x1  }
0x2: {  	[smem:$0x3FA0] =	sst lr;
	_ =	strace $0xD0000000  }
0x3: {  	_ = 	snop  }
0x4: {  	_ = 	snop  }
0x5: {  	_ = 	snop  }
0x6: {  	_ = 	snop  }
0x7: {  	_ = 	snop  }
__scs_overlays_trampoline_lowered:
0x8: {  	[smem:$0x3FAF] =	sst s0  }
0x9: {  	[smem:$0x3FB0] =	sst s1  }
0xa: {  	[smem:$0x3FB1] =	sst s2  }
0xb: {  	[smem:$0x3FB2] =	sst s3  }
0xc: {  	[smem:$0x3FB3] =	sst s4  }
0xd: {  	[smem:$0x3FB4] =	sst s5  }
0xe: {  	[smem:$0x3FB5] =	sst s6  }
0xf: {  	[smem:$0x3FB6] =	sst s7  }
0x10: {  	[smem:$0x3FB7] =	sst s8  }
0x11: {  	[smem:$0x3FB8] =	sst s9;
	s0 =	simm.s32 @!p0 $0x0  }
0x12: {  	s1 =	sld [smem:$0x3F9E];
	s0 =	simm.s32 @p0 $0x1  }
0x13: {  	[smem:$0x3FB9] =	sst s0;
	s0 =	simm.s32 @!p1 $0x0  }
0x14: {  	s2 =	sld [smem:$0x3F9D];
	s0 =	simm.s32 @p1 $0x1  }
0x15: {  	[smem:$0x3FBA] =	sst s0;
	s0 =	simm.s32 @!p2 $0x0  }
0x16: {  	s3 =	sld [smem:$0x3FDB];
	s0 =	simm.s32 @p2 $0x1  }
0x17: {  	s4 =	simm.s32 $0x1BF5;
	[smem:$0x3FBC] =	sst s0  }
0x18: {  	s0 =	sld [smem:$0x3F9F];
	_ =	swait.ge [sflag:s4], $0x0  }
0x19: {  	s7 =	sld [smem:$0x3FA0]  }
0x1a: {  	s8 =	sadd.s32 $0xFFFFE003, lr  }
0x1b: {  	s9 =	sadd.s32 $0xFFFFFEF7, lr;
	s5 =	simm.s32 $0xFFFFFFFF;
	p2 =	slt.u32 s8, $0xFFFFF086  }
0x1c: {  	p1 =	slt.u32 s9, $0xF7A;
	s5 =	simm.s32 @!p2 $0x0  }
0x1d: {  	s5 =	simm.s32 @p1 $0x1;
	p0 =	seq.s32 s7, s2  }
0x1e: {  	s7 =	smul.u32 @!p0 $0xF7A, s2;
	p2 =	seq.s32 @!p0 s5, $0x0  }
0x1f: {  	s9 =	smul.u32 $0xF7A, s1;
	s8 =	simm.s32 @!p0 $0x1BF5;
	p2 =	por !p2, p0  }
0x20: {  	[sflag:s8] =	ssyncset.s32 @!p0 $0xFFFFF086;
	s6 =	sadd.s32 @!p0 s3, s7;
	s7 =	simm.s32 @!p0 $0x108  }
0x21: {  	s3 =	sadd.s32 s3, s9;
	s6 =	sadd.s32 @!p0 $0x88, s6;
	s7 =	simm.s32 @p2 $0x1082  }
0x22: {  	[simem:s7], [sflag:s8] =	dma.local @!p0 [hbm:s6], $0xF7A  }
0x23: {  	s9 =	sor.u32 $0xD0000000, s2;
	s6 =	simm.s32 $0x108;
	_ =	swait.ge @!p0 [sflag:s8], $0x0  }
0x24: {  	s3 =	sadd.s32 $0x88, s3;
	s6 =	simm.s32 @!p1 $0x1082;
	[sflag:s4] =	ssyncset.s32 $0xFFFFF086  }
0x25: {  	[simem:s6], [sflag:s4] =	dma.local [hbm:s3], $0xF7A  }
0x26: {  	[smem:$0x3FA0] =	sst s1;
	(tag) =	ssettag s2;
	_ =	strace s9  }
0x27: {  	s1 =	sld [smem:$0x3FB0]  }
0x28: {  	s2 =	sld [smem:$0x3FB1]  }
0x29: {  	s4 =	sld [smem:$0x3FB3]  }
0x2a: {  	p0 =	seq.s32 s5, $0x0;
	s5 =	sld [smem:$0x3FB4]  }
0x2b: {  	s6 =	sld [smem:$0x3FB5]  }
0x2c: {  	s7 =	sld [smem:$0x3FB6]  }
0x2d: {  	s3 =	simm.s32 $0x108;
	s8 =	sld [smem:$0x3FB7]  }
0x2e: {  	s3 =	simm.s32 @!p0 $0x1082;
	s9 =	sld [smem:$0x3FB8]  }
0x2f: {  	lr =	sadd.s32 s0, s3;
	s0 =	sld [smem:$0x3FAF]  }
0x30: {  	s3 =	sld [smem:$0x3FB2]  }
0x31: {  	[smem:$0x3FBB] =	sst s10  }
0x32: {  	s10 =	sld [smem:$0x3FB9];
	_ =	sdelay $0x3  }
0x33: {  	p0 =	seq.s32 s10, $0x1;
	s10 =	sld [smem:$0x3FBB];
	_ =	sdelay $0x3  }
0x34: {  	[smem:$0x3FBB] =	sst s10  }
0x35: {  	s10 =	sld [smem:$0x3FBA];
	_ =	sdelay $0x3  }
0x36: {  	p1 =	seq.s32 s10, $0x1;
	s10 =	sld [smem:$0x3FBB];
	_ =	sdelay $0x3  }
0x37: {  	[smem:$0x3FBB] =	sst s10  }
0x38: {  	s10 =	sld [smem:$0x3FBC]  }
0x39: {  	_ = 	snop;
	(pc) =	sbr.ind lr, $3  }
0x3a: {  	_ = 	snop  }
0x3b: {  	_ = 	snop  }
0x3c: {  	p2 =	seq.s32 s10, $0x1;
	s10 =	sld [smem:$0x3FBB]  }
0x3d: {  	_ =	shalt  }
0x3e: {  	_ =	shalt  }
0x3f: {  	_ =	shalt  }
0x40: {  	_ =	shalt  }
0x41: {  	_ =	shalt  }
0x42: {  	_ =	shalt  }
0x43: {  	_ =	shalt  }
0x44: {  	_ =	shalt  }
0x45: {  	_ =	shalt  }
0x46: {  	_ =	shalt  }
0x47: {  	_ =	shalt  }
0x48: {  	_ =	shalt  }
0x49: {  	_ =	shalt  }
0x4a: {  	_ =	shalt  }
0x4b: {  	_ =	shalt  }
0x4c: {  	_ =	shalt  }
0x4d: {  	_ =	shalt  }
0x4e: {  	_ =	shalt  }
0x4f: {  	_ =	shalt  }
0x50: {  	_ =	shalt  }
0x51: {  	_ =	shalt  }
0x52: {  	_ =	shalt  }
0x53: {  	_ =	shalt  }
0x54: {  	_ =	shalt  }
0x55: {  	_ =	shalt  }
0x56: {  	_ =	shalt  }
0x57: {  	_ =	shalt  }
0x58: {  	_ =	shalt  }
0x59: {  	_ =	shalt  }
0x5a: {  	_ =	shalt  }
0x5b: {  	_ =	shalt  }
0x5c: {  	_ =	shalt  }
0x5d: {  	_ =	shalt  }
0x5e: {  	_ =	shalt  }
0x5f: {  	_ =	shalt  }
0x60: {  	_ =	shalt  }
0x61: {  	_ =	shalt  }
0x62: {  	_ =	shalt  }
0x63: {  	_ =	shalt  }
0x64: {  	_ =	shalt  }
0x65: {  	_ =	shalt  }
0x66: {  	_ =	shalt  }
0x67: {  	_ =	shalt  }
0x68: {  	_ =	shalt  }
0x69: {  	_ =	shalt  }
0x6a: {  	_ =	shalt  }
0x6b: {  	_ =	shalt  }
0x6c: {  	_ =	shalt  }
0x6d: {  	_ =	shalt  }
0x6e: {  	_ =	shalt  }
0x6f: {  	_ =	shalt  }
0x70: {  	_ =	shalt  }
0x71: {  	_ =	shalt  }
0x72: {  	_ =	shalt  }
0x73: {  	_ =	shalt  }
0x74: {  	_ =	shalt  }
0x75: {  	_ =	shalt  }
0x76: {  	_ =	shalt  }
0x77: {  	_ =	shalt  }
0x78: {  	_ =	shalt  }
0x79: {  	_ =	shalt  }
0x7a: {  	_ =	shalt  }
0x7b: {  	_ =	shalt  }
0x7c: {  	_ =	shalt  }
0x7d: {  	_ =	shalt  }
0x7e: {  	_ =	shalt  }
0x7f: {  	_ =	shalt  }
0x80: {  	_ =	shalt  }
0x81: {  	_ =	shalt  }
0x82: {  	_ =	shalt  }
0x83: {  	_ =	shalt  }
0x84: {  	_ =	shalt  }
0x85: {  	_ =	shalt  }
0x86: {  	_ =	shalt  }
0x87: {  	_ =	shalt  }
.Lfunc_end0:
.L_simem_size_0:
called_computation_lowered:
.L_overlay_start_0:
0x88: {  	s2 =	sld [smem:$0x3FD9]  }
0x89: {  	s3 =	sld [smem:$0x3FFE];
	_ =	sdelay $0x1  }
0x8a: {  	s1 =	srdreg.scid  }
0x8b: {  	s0 =	sand.u32 $0x1, s1  }
0x8c: {  	s18 =	sshll.u32 s0, $0xA;
	s2 =	sadd.s32 s3, s2  }
0x8d: {  	s2 =	sadd.s32 s2, s18  }
0x8e: {  	[smem:$0x3FC7] =	sst s2  }
0x8f: {  	_ = 	snop  }
0x90: {  	s2 =	sld [smem:$0x3FC9]  }
0x91: {  	s19 =	sld [smem:$0x3FD0];
	(tm) =	ssettm $0x1  }
0x92: {  	s4 =	sld [smem:$0x3FFB];
	_ =	sdelay $0x3  }
0x93: {  	_ =	strace s4  }
0x94: {  	s4 =	sld [smem:$0x3FFC];
	_ =	sdelay $0x3  }
0x95: {  	_ =	strace s4  }
0x96: {  	s4 =	sld [smem:$0x3FFD];
	_ =	sdelay $0x3  }
0x97: {  	_ =	strace s4  }
0x98: {  	_ =	strace $0x8FFFFFFF  }
0x99: {  	s20 =	sld [smem:$0x3FDB];
	_ =	sdelay $0x1  }
0x9a: {  	s5 =	simm.s32 $_scs_section_size  }
0x9b: {  	s6 =	simm.s32 $_size__tile_overlayer_lowered;
	s7 =	simm.s32 $_tile_overlayer_lowered  }
0x9c: {  	s23 =	simm.s32 $0x1BFF;
	s22 =	sshll.u32 s7, $0x1;
	s4 =	sadd.s32 s5, s20  }
0x9d: {  	s8 =	simm.s32 $0x0;
	s21 =	sshll.u32 s6, $0x1;
	s6 =	sadd.s32 s22, s4  }
0x9e: {  	[timem:s8], [sflag:s23] =	dma.local [hbm:s6], s21  }
0x9f: {  	_ =	swait.ge [sflag:s23], s21  }
0xa0: {  	s5 =	ssub.s32 $0x0, s21;
	[sflag:s23] =	ssyncset.done $0x0  }
0xa1: {  	[sflag:s23] =	ssyncadd.s32 s5;
	_ =	sdelay $0x1  }
0xa2: {  	s24 =	simm.s32 $0x1B8B  }
0xa3: {  	_ =	swait.ge [sflag:s24], $0x1  }
0xa4: {  	[sflag:s24] =	ssyncset.done $0x0  }
0xa5: {  	s25 =	simm.s32 $0x1B8E;
	[sflag:s24] =	ssyncadd.s32 $0xFFFFFFFF  }
0xa6: {  	s26 =	simm.s32 $execute0_lowered;
	[smem:$0x3FD2] =	sst s25  }
0xa7: {  	s5 =	sshll.u32 s26, $0x1;
	_ =	strace $0x80000046;
	[dreg:$0x1] =	wrdreg $0xFFFFFFFF  }
0xa8: {  	s28 =	simm.s32 $_size_execute0_lowered;
	s4 =	sadd.s32 s4, s5;
	[dreg:$0x0] =	wrdreg $0x0  }
0xa9: {  	s5 =	sshll.u32 s28, $0x1;
	[dreg:$0x2] =	wrdreg s4  }
0xaa: {  	[dreg:$0x3] =	wrdreg s5  }
0xab: {  	[dreg:$0x4] =	wrdreg $0xC0  }
0xac: {  	_ =	task [dreg:s8], $0x5FFFF  }
0xad: {  	[dreg:$0x1] =	wrdreg $0xFFFFFFFF  }
0xae: {  	[dreg:$0x0] =	wrdreg $0x60  }
0xaf: {  	[dreg:$0x2] =	wrdreg s2  }
0xb0: {  	[dreg:$0x3] =	wrdreg s19  }
0xb1: {  	[dreg:$0x4] =	wrdreg $0x9  }
0xb2: {  	_ =	task.clear_ibuf [dreg:s8], $0x5FFFF;
	_ =	strace $0x90000046  }
0xb3: {  	s29 =	simm.s32 $0x9;
	_ =	strace $0x80000048  }
0xb4: {  	_ =	swait.ge [sflag:s29], $0x1  }
0xb5: {  	[sflag:s29] =	ssyncadd.s32 $0xFFFFFFFF  }
0xb6: {  	_ =	strace $0x90000048  }
0xb7: {  	_ =	sfence  }
0xb8: {  	s30 =	sld [smem:$0x0];
	_ =	sdelay $0x2  }
0xb9: {  	s31 =	sshll.u32 s1, $0xD;
	s1 =	sshrl.u32 s1, $0x2  }
0xba: {  	s3 =	sand.u32 $0x4000, s31;
	s1 =	sadd.s32 s1, s30  }
0xbb: {  	s0 =	sor.u32 s3, s0;
	s1 =	sshll.u32 s1, $0x11  }
0xbc: {  	s0 =	sor.u32 s1, s0  }
0xbd: {  	s0 =	sadd.s32 $0x8F2B, s0  }
0xbe: {  	[sflag:s0] =	ssyncadd.remote.s32 $0x1  }
0xbf: {  	_ =	sfence.sel $0xFFFF  }
0xc0: {  	[dreg:$0x0] =	wrdreg $0xFFFFFFFF;
	(pc) =	sbr.abs _section_cstart, $3  }
0xc1: {  	[dreg:$0x1] =	wrdreg $0xFFFFFFFF  }
0xc2: {  	_ =	task.clear_ibuf [dreg:s8], $0x2FFFF;
	_ =	strace $0x9FFFFFFF  }
0xc3: {  	(tm) =	ssettm $0x7FFFFFFF  }
tec
execute0_lowered:
.L_overlay_start_1:
0x0: {  	(tag) =	ssettag $0x1  }
0x1: {  	s3 =	rddreg [dreg:$0x0];
	s1 =	srdreg.scid  }
0x2: {  	s0 =	rddreg [dreg:$0x1];
	s4 =	stileid.u32;
	s1 =	sand.u32 $0x1, s1  }
0x3: {  	s2 =	simm.s32 $0x0;
	s4 =	sshll.u32 s4, $0x10;
	s5 =	sshll.u32 s1, $0xF  }
0x4: {  	p0 =	por $0x0, $0x0;
	s31 =	simm.s32 $0x1;
	s8 =	sor.u32 s5, s4  }
0x5: {  	[smem:$0x7FF] =	sst s2;
	s5 =	sadd.s32 s3, s8;
	s4 =	sadd.s32 s0, s8  }
0x6: {  	_ =	strace $0x80000047;
	[dreg:$0x3] =	wrdreg s5;
	s16 =	sadd.s32 $0x100000, s4  }
0x7: {  	s1 =	ssub.s32 $0x2, s1;
	s17 =	sadd.s32 $0x200000, s4;
	[dreg:$0x4] =	wrdreg s16  }
0x8: {  	s6 =	sor.u32 $0x1000, s8;
	s18 =	sadd.s32 $0x300000, s4;
	[dreg:$0x5] =	wrdreg s17  }
0x9: {  	s24 =	sor.u32 $0x2000, s8;
	s19 =	sadd.s32 s3, s6;
	[dreg:$0x6] =	wrdreg s18  }
0xa: {  	s10 =	sor.u32 $0x3000, s8;
	s20 =	sadd.s32 s0, s6;
	[dreg:$0x7] =	wrdreg s19  }
0xb: {  	s12 =	sor.u32 $0x4000, s8;
	s21 =	sadd.s32 $0x101000, s4;
	[dreg:$0x8] =	wrdreg s20  }
0xc: {  	s13 =	sor.u32 $0x5000, s8;
	s22 =	sadd.s32 $0x201000, s4;
	[dreg:$0x9] =	wrdreg s21  }
0xd: {  	s15 =	sor.u32 $0x6000, s8;
	s23 =	sadd.s32 $0x301000, s4;
	[dreg:$0xa] =	wrdreg s22  }
0xe: {  	s25 =	sadd.s32 s3, s24;
	s26 =	sadd.s32 s0, s24;
	[dreg:$0xb] =	wrdreg s23  }
0xf: {  	s6 =	sadd.s32 $0x102000, s4;
	s7 =	sadd.s32 $0x202000, s4;
	[dreg:$0xc] =	wrdreg s25  }
0x10: {  	s9 =	sadd.s32 $0x302000, s4;
	s11 =	sadd.s32 s3, s10;
	[dreg:$0xd] =	wrdreg s26  }
0x11: {  	s28 =	sadd.s32 $0x203000, s4;
	s29 =	sadd.s32 $0x303000, s4;
	[dreg:$0xe] =	wrdreg s6  }
0x12: {  	s30 =	sadd.s32 s3, s12;
	s24 =	sadd.s32 s3, s13;
	[dreg:$0xf] =	wrdreg s7  }
0x13: {  	s5 =	sadd.s32 s0, s13;
	s14 =	sadd.s32 $0x105000, s4;
	[dreg:$0x10] =	wrdreg s9  }
0x14: {  	s7 =	sshrl.u32 s1, $0x1;
	[dreg:$0x11] =	wrdreg s11;
	s25 =	sadd.s32 s0, s10  }
0x15: {  	s26 =	sadd.s32 $0x103000, s4;
	s20 =	sadd.s32 s0, s12;
	s21 =	sadd.s32 $0x104000, s4  }
0x16: {  	s22 =	sadd.s32 $0x204000, s4;
	s23 =	sadd.s32 $0x304000, s4;
	[dreg:$0x13] =	wrdreg s5  }
0x17: {  	[dreg:$0x14] =	wrdreg s14;
	s16 =	sadd.s32 $0x205000, s4;
	s1 =	ssub.s32 s1, s7  }
0x18: {  	s17 =	sadd.s32 $0x305000, s4;
	s19 =	sadd.s32 s3, s15;
	s1 =	smax.u32 s1, $0x1  }
0x19: {  	s11 =	sadd.s32 s0, s15;
	s18 =	sor.u32 $0x7000, s8;
	p1 =	sne.s32 s1, $0x1  }
.Ltmp0:
0x1a: {  	s12 =	sadd.s32 $0x206000, s4;
	s14 =	sadd.s32 $0x306000, s4;
	(pc) =	sbr.rel @!p1 .LBB2_3-.Ltmp0, $4  }
0x1b: {  	s6 =	sadd.s32 $0x207000, s4;
	s8 =	simm.s32 $0x8000;
	[dreg:$0x15] =	wrdreg s16  }
0x1c: {  	[dreg:$0x16] =	wrdreg s17;
	s16 =	sadd.s32 $0x106000, s4;
	s17 =	sadd.s32 s3, s18  }
0x1d: {  	s5 =	sadd.s32 s0, s18;
	s18 =	sadd.s32 $0x107000, s4;
	s7 =	sadd.s32 $0x307000, s4  }
0x1e: {  	s3 =	simm.s32 $0x2;
	s9 =	sadd.s32 $0xFFFFFFFF, s1;
	s1 =	rddreg [dreg:$0x3]  }
0x1f: {  	[tilespmem:s2], [sflag:$0x1] =	stream.linear.gather [hbm4b:s1+s2], $0x8000, $0x38;
	[tilespmem:$0x10000] =	vst v63  }
0x20: {  	_ =	swait.ge [sflag:s31], $0x8000  }
0x21: {  	[sflag:s31] =	ssyncset.done $0x0  }
0x22: {  	[sflag:s31] =	ssyncadd.s32 $0xFFFF8000  }
0x23: {  	[hbm4b:s4+s2] =	stream.linear.scatter [tilespmem:s2], [sflag:$0x2], $0x8000, $0x38;
	[tilespmem:$0x10000] =	vst v63  }
0x24: {  	s10 =	rddreg [dreg:$0x4]  }
0x25: {  	[hbm4b:s10+s2] =	stream.linear.scatter [tilespmem:s2], [sflag:$0x2], $0x8000, $0x38;
	[tilespmem:$0x10000] =	vst v63  }
0x26: {  	s0 =	rddreg [dreg:$0x5]  }
0x27: {  	[hbm4b:s0+s2] =	stream.linear.scatter [tilespmem:s2], [sflag:$0x2], $0x8000, $0x38;
	[tilespmem:$0x10000] =	vst v63  }
0x28: {  	s13 =	rddreg [dreg:$0x6]  }
0x29: {  	[hbm4b:s13+s2] =	stream.linear.scatter [tilespmem:s2], [sflag:$0x2], $0x8000, $0x38;
	[tilespmem:$0x10000] =	vst v63  }
0x2a: {  	s15 =	rddreg [dreg:$0x7]  }
0x2b: {  	[tilespmem:s8], [sflag:$0x1] =	stream.linear.gather [hbm4b:s15+s2], $0x8000, $0x38;
	[tilespmem:$0x10000] =	vst v63  }
0x2c: {  	_ =	swait.ge [sflag:s3], $0x8000  }
0x2d: {  	[sflag:s3] =	ssyncset.done $0x0  }
0x2e: {  	[sflag:s3] =	ssyncadd.s32 $0xFFFF8000  }
0x2f: {  	_ =	swait.ge [sflag:s3], $0x8000  }
0x30: {  	[sflag:s3] =	ssyncset.done $0x0  }
0x31: {  	[sflag:s3] =	ssyncadd.s32 $0xFFFF8000  }
0x32: {  	_ =	swait.ge [sflag:s3], $0x8000  }
0x33: {  	[sflag:s3] =	ssyncset.done $0x0  }
0x34: {  	[sflag:s3] =	ssyncadd.s32 $0xFFFF8000  }
0x35: {  	_ =	swait.ge [sflag:s3], $0x8000  }
0x36: {  	[sflag:s3] =	ssyncset.done $0x0  }
0x37: {  	[sflag:s3] =	ssyncadd.s32 $0xFFFF8000  }
0x38: {  	_ =	swait.ge [sflag:s31], $0x8000  }
0x39: {  	[sflag:s31] =	ssyncset.done $0x0  }
0x3a: {  	s1 =	rddreg [dreg:$0x8];
	[sflag:s31] =	ssyncadd.s32 $0xFFFF8000  }
0x3b: {  	[hbm4b:s1+s2] =	stream.linear.scatter [tilespmem:s8], [sflag:$0x2], $0x8000, $0x38;
	[tilespmem:$0x10000] =	vst v63  }
0x3c: {  	s10 =	rddreg [dreg:$0x9]  }
0x3d: {  	[hbm4b:s10+s2] =	stream.linear.scatter [tilespmem:s8], [sflag:$0x2], $0x8000, $0x38;
	[tilespmem:$0x10000] =	vst v63  }
0x3e: {  	s13 =	rddreg [dreg:$0xa]  }
0x3f: {  	[hbm4b:s13+s2] =	stream.linear.scatter [tilespmem:s8], [sflag:$0x2], $0x8000, $0x38;
	[tilespmem:$0x10000] =	vst v63  }
0x40: {  	s15 =	rddreg [dreg:$0xb]  }
0x41: {  	[hbm4b:s15+s2] =	stream.linear.scatter [tilespmem:s8], [sflag:$0x2], $0x8000, $0x38;
	[tilespmem:$0x10000] =	vst v63  }
0x42: {  	s10 =	rddreg [dreg:$0xc]  }
0x43: {  	[tilespmem:s2], [sflag:$0x1] =	stream.linear.gather [hbm4b:s10+s2], $0x8000, $0x38;
	[tilespmem:$0x10000] =	vst v63  }
0x44: {  	_ =	swait.ge [sflag:s3], $0x8000  }
0x45: {  	[sflag:s3] =	ssyncset.done $0x0  }
0x46: {  	[sflag:s3] =	ssyncadd.s32 $0xFFFF8000  }
0x47: {  	_ =	swait.ge [sflag:s3], $0x8000  }
0x48: {  	[sflag:s3] =	ssyncset.done $0x0  }
0x49: {  	[sflag:s3] =	ssyncadd.s32 $0xFFFF8000  }
0x4a: {  	_ =	swait.ge [sflag:s3], $0x8000  }
0x4b: {  	[sflag:s3] =	ssyncset.done $0x0  }
0x4c: {  	[sflag:s3] =	ssyncadd.s32 $0xFFFF8000  }
0x4d: {  	_ =	swait.ge [sflag:s3], $0x8000  }
0x4e: {  	[sflag:s3] =	ssyncset.done $0x0  }
0x4f: {  	[sflag:s3] =	ssyncadd.s32 $0xFFFF8000  }
0x50: {  	_ =	swait.ge [sflag:s31], $0x8000  }
0x51: {  	[sflag:s31] =	ssyncset.done $0x0  }
0x52: {  	s13 =	rddreg [dreg:$0xd];
	[sflag:s31] =	ssyncadd.s32 $0xFFFF8000  }
0x53: {  	[hbm4b:s13+s2] =	stream.linear.scatter [tilespmem:s2], [sflag:$0x2], $0x8000, $0x38;
	[tilespmem:$0x10000] =	vst v63  }
0x54: {  	s15 =	rddreg [dreg:$0xe]  }
0x55: {  	[hbm4b:s15+s2] =	stream.linear.scatter [tilespmem:s2], [sflag:$0x2], $0x8000, $0x38;
	[tilespmem:$0x10000] =	vst v63  }
0x56: {  	s10 =	rddreg [dreg:$0xf]  }
0x57: {  	[hbm4b:s10+s2] =	stream.linear.scatter [tilespmem:s2], [sflag:$0x2], $0x8000, $0x38;
	[tilespmem:$0x10000] =	vst v63  }
0x58: {  	s13 =	rddreg [dreg:$0x10]  }
0x59: {  	[hbm4b:s13+s2] =	stream.linear.scatter [tilespmem:s2], [sflag:$0x2], $0x8000, $0x38;
	[tilespmem:$0x10000] =	vst v63  }
0x5a: {  	s15 =	rddreg [dreg:$0x11]  }
0x5b: {  	[tilespmem:s8], [sflag:$0x1] =	stream.linear.gather [hbm4b:s15+s2], $0x8000, $0x38;
	[tilespmem:$0x10000] =	vst v63  }
0x5c: {  	_ =	swait.ge [sflag:s3], $0x8000  }
0x5d: {  	[sflag:s3] =	ssyncset.done $0x0  }
0x5e: {  	[sflag:s3] =	ssyncadd.s32 $0xFFFF8000  }
0x5f: {  	_ =	swait.ge [sflag:s3], $0x8000  }
0x60: {  	[sflag:s3] =	ssyncset.done $0x0  }
0x61: {  	[sflag:s3] =	ssyncadd.s32 $0xFFFF8000  }
0x62: {  	_ =	swait.ge [sflag:s3], $0x8000  }
0x63: {  	[sflag:s3] =	ssyncset.done $0x0  }
0x64: {  	[sflag:s3] =	ssyncadd.s32 $0xFFFF8000  }
0x65: {  	_ =	swait.ge [sflag:s3], $0x8000  }
0x66: {  	[sflag:s3] =	ssyncset.done $0x0  }
0x67: {  	[sflag:s3] =	ssyncadd.s32 $0xFFFF8000  }
0x68: {  	_ =	swait.ge [sflag:s31], $0x8000  }
0x69: {  	[sflag:s31] =	ssyncset.done $0x0  }
0x6a: {  	[sflag:s31] =	ssyncadd.s32 $0xFFFF8000  }
0x6b: {  	[hbm4b:s25+s2] =	stream.linear.scatter [tilespmem:s8], [sflag:$0x2], $0x8000, $0x38;
	[tilespmem:$0x10000] =	vst v63  }
0x6c: {  	_ = 	snop  }
0x6d: {  	[hbm4b:s26+s2] =	stream.linear.scatter [tilespmem:s8], [sflag:$0x2], $0x8000, $0x38;
	[tilespmem:$0x10000] =	vst v63  }
0x6e: {  	_ = 	snop  }
0x6f: {  	[hbm4b:s28+s2] =	stream.linear.scatter [tilespmem:s8], [sflag:$0x2], $0x8000, $0x38;
	[tilespmem:$0x10000] =	vst v63  }
0x70: {  	_ = 	snop  }
0x71: {  	[hbm4b:s29+s2] =	stream.linear.scatter [tilespmem:s8], [sflag:$0x2], $0x8000, $0x38;
	[tilespmem:$0x10000] =	vst v63  }
0x72: {  	_ = 	snop  }
0x73: {  	[tilespmem:s2], [sflag:$0x1] =	stream.linear.gather [hbm4b:s30+s2], $0x8000, $0x38;
	[tilespmem:$0x10000] =	vst v63  }
0x74: {  	_ =	swait.ge [sflag:s3], $0x8000  }
0x75: {  	[sflag:s3] =	ssyncset.done $0x0  }
0x76: {  	[sflag:s3] =	ssyncadd.s32 $0xFFFF8000  }
0x77: {  	_ =	swait.ge [sflag:s3], $0x8000  }
0x78: {  	[sflag:s3] =	ssyncset.done $0x0  }
0x79: {  	[sflag:s3] =	ssyncadd.s32 $0xFFFF8000  }
0x7a: {  	_ =	swait.ge [sflag:s3], $0x8000  }
0x7b: {  	[sflag:s3] =	ssyncset.done $0x0  }
0x7c: {  	[sflag:s3] =	ssyncadd.s32 $0xFFFF8000  }
0x7d: {  	_ =	swait.ge [sflag:s3], $0x8000  }
0x7e: {  	[sflag:s3] =	ssyncset.done $0x0  }
0x7f: {  	[sflag:s3] =	ssyncadd.s32 $0xFFFF8000  }
0x80: {  	_ =	swait.ge [sflag:s31], $0x8000  }
0x81: {  	[sflag:s31] =	ssyncset.done $0x0  }
0x82: {  	[sflag:s31] =	ssyncadd.s32 $0xFFFF8000  }
0x83: {  	[hbm4b:s20+s2] =	stream.linear.scatter [tilespmem:s2], [sflag:$0x2], $0x8000, $0x38;
	[tilespmem:$0x10000] =	vst v63  }
0x84: {  	_ = 	snop  }
0x85: {  	[hbm4b:s21+s2] =	stream.linear.scatter [tilespmem:s2], [sflag:$0x2], $0x8000, $0x38;
	[tilespmem:$0x10000] =	vst v63  }
0x86: {  	_ = 	snop  }
0x87: {  	[hbm4b:s22+s2] =	stream.linear.scatter [tilespmem:s2], [sflag:$0x2], $0x8000, $0x38;
	[tilespmem:$0x10000] =	vst v63  }
0x88: {  	_ = 	snop  }
0x89: {  	[hbm4b:s23+s2] =	stream.linear.scatter [tilespmem:s2], [sflag:$0x2], $0x8000, $0x38;
	[tilespmem:$0x10000] =	vst v63  }
0x8a: {  	_ = 	snop  }
0x8b: {  	[tilespmem:s8], [sflag:$0x1] =	stream.linear.gather [hbm4b:s24+s2], $0x8000, $0x38;
	[tilespmem:$0x10000] =	vst v63  }
0x8c: {  	_ =	swait.ge [sflag:s3], $0x8000  }
0x8d: {  	[sflag:s3] =	ssyncset.done $0x0  }
0x8e: {  	[sflag:s3] =	ssyncadd.s32 $0xFFFF8000  }
0x8f: {  	_ =	swait.ge [sflag:s3], $0x8000  }
0x90: {  	[sflag:s3] =	ssyncset.done $0x0  }
0x91: {  	[sflag:s3] =	ssyncadd.s32 $0xFFFF8000  }
0x92: {  	_ =	swait.ge [sflag:s3], $0x8000  }
0x93: {  	[sflag:s3] =	ssyncset.done $0x0  }
0x94: {  	[sflag:s3] =	ssyncadd.s32 $0xFFFF8000  }
0x95: {  	_ =	swait.ge [sflag:s3], $0x8000  }
0x96: {  	[sflag:s3] =	ssyncset.done $0x0  }
0x97: {  	[sflag:s3] =	ssyncadd.s32 $0xFFFF8000  }
0x98: {  	_ =	swait.ge [sflag:s31], $0x8000  }
0x99: {  	[sflag:s31] =	ssyncset.done $0x0  }
0x9a: {  	s1 =	rddreg [dreg:$0x13];
	[sflag:s31] =	ssyncadd.s32 $0xFFFF8000  }
0x9b: {  	[hbm4b:s1+s2] =	stream.linear.scatter [tilespmem:s8], [sflag:$0x2], $0x8000, $0x38;
	[tilespmem:$0x10000] =	vst v63  }
0x9c: {  	s10 =	rddreg [dreg:$0x14]  }
0x9d: {  	[hbm4b:s10+s2] =	stream.linear.scatter [tilespmem:s8], [sflag:$0x2], $0x8000, $0x38;
	[tilespmem:$0x10000] =	vst v63  }
0x9e: {  	s13 =	rddreg [dreg:$0x15]  }
0x9f: {  	[hbm4b:s13+s2] =	stream.linear.scatter [tilespmem:s8], [sflag:$0x2], $0x8000, $0x38;
	[tilespmem:$0x10000] =	vst v63  }
0xa0: {  	s15 =	rddreg [dreg:$0x16]  }
0xa1: {  	[hbm4b:s15+s2] =	stream.linear.scatter [tilespmem:s8], [sflag:$0x2], $0x8000, $0x38;
	[tilespmem:$0x10000] =	vst v63  }
0xa2: {  	_ = 	snop  }
0xa3: {  	[tilespmem:s2], [sflag:$0x1] =	stream.linear.gather [hbm4b:s19+s2], $0x8000, $0x38;
	[tilespmem:$0x10000] =	vst v63  }
0xa4: {  	_ =	swait.ge [sflag:s3], $0x8000  }
0xa5: {  	[sflag:s3] =	ssyncset.done $0x0  }
0xa6: {  	[sflag:s3] =	ssyncadd.s32 $0xFFFF8000  }
0xa7: {  	_ =	swait.ge [sflag:s3], $0x8000  }
0xa8: {  	[sflag:s3] =	ssyncset.done $0x0  }
0xa9: {  	[sflag:s3] =	ssyncadd.s32 $0xFFFF8000  }
0xaa: {  	_ =	swait.ge [sflag:s3], $0x8000  }
0xab: {  	[sflag:s3] =	ssyncset.done $0x0  }
0xac: {  	[sflag:s3] =	ssyncadd.s32 $0xFFFF8000  }
0xad: {  	_ =	swait.ge [sflag:s3], $0x8000  }
0xae: {  	[sflag:s3] =	ssyncset.done $0x0  }
0xaf: {  	[sflag:s3] =	ssyncadd.s32 $0xFFFF8000  }
0xb0: {  	_ =	swait.ge [sflag:s31], $0x8000  }
0xb1: {  	[sflag:s31] =	ssyncset.done $0x0  }
0xb2: {  	[sflag:s31] =	ssyncadd.s32 $0xFFFF8000  }
0xb3: {  	[hbm4b:s11+s2] =	stream.linear.scatter [tilespmem:s2], [sflag:$0x2], $0x8000, $0x38;
	[tilespmem:$0x10000] =	vst v63  }
0xb4: {  	_ = 	snop  }
0xb5: {  	[hbm4b:s16+s2] =	stream.linear.scatter [tilespmem:s2], [sflag:$0x2], $0x8000, $0x38;
	[tilespmem:$0x10000] =	vst v63  }
0xb6: {  	_ = 	snop  }
0xb7: {  	[hbm4b:s12+s2] =	stream.linear.scatter [tilespmem:s2], [sflag:$0x2], $0x8000, $0x38;
	[tilespmem:$0x10000] =	vst v63  }
0xb8: {  	_ = 	snop  }
0xb9: {  	[hbm4b:s14+s2] =	stream.linear.scatter [tilespmem:s2], [sflag:$0x2], $0x8000, $0x38;
	[tilespmem:$0x10000] =	vst v63  }
0xba: {  	_ = 	snop  }
0xbb: {  	[tilespmem:s8], [sflag:$0x1] =	stream.linear.gather [hbm4b:s17+s2], $0x8000, $0x38;
	[tilespmem:$0x10000] =	vst v63  }
0xbc: {  	_ =	swait.ge [sflag:s3], $0x8000  }
0xbd: {  	[sflag:s3] =	ssyncset.done $0x0  }
0xbe: {  	[sflag:s3] =	ssyncadd.s32 $0xFFFF8000  }
0xbf: {  	_ =	swait.ge [sflag:s3], $0x8000  }
0xc0: {  	[sflag:s3] =	ssyncset.done $0x0  }
0xc1: {  	[sflag:s3] =	ssyncadd.s32 $0xFFFF8000  }
0xc2: {  	_ =	swait.ge [sflag:s3], $0x8000  }
0xc3: {  	[sflag:s3] =	ssyncset.done $0x0  }
0xc4: {  	[sflag:s3] =	ssyncadd.s32 $0xFFFF8000  }
0xc5: {  	_ =	swait.ge [sflag:s3], $0x8000  }
0xc6: {  	[sflag:s3] =	ssyncset.done $0x0  }
0xc7: {  	[sflag:s3] =	ssyncadd.s32 $0xFFFF8000  }
0xc8: {  	_ =	swait.ge [sflag:s31], $0x8000  }
0xc9: {  	[sflag:s31] =	ssyncset.done $0x0  }
0xca: {  	[sflag:s31] =	ssyncadd.s32 $0xFFFF8000  }
0xcb: {  	[hbm4b:s5+s2] =	stream.linear.scatter [tilespmem:s8], [sflag:$0x2], $0x8000, $0x38;
	[tilespmem:$0x10000] =	vst v63  }
0xcc: {  	_ = 	snop  }
0xcd: {  	[hbm4b:s18+s2] =	stream.linear.scatter [tilespmem:s8], [sflag:$0x2], $0x8000, $0x38;
	[tilespmem:$0x10000] =	vst v63  }
0xce: {  	_ = 	snop  }
0xcf: {  	[hbm4b:s6+s2] =	stream.linear.scatter [tilespmem:s8], [sflag:$0x2], $0x8000, $0x38;
	[tilespmem:$0x10000] =	vst v63  }
0xd0: {  	_ = 	snop  }
0xd1: {  	[hbm4b:s7+s2] =	stream.linear.scatter [tilespmem:s8], [sflag:$0x2], $0x8000, $0x38;
	[tilespmem:$0x10000] =	vst v63  }
0xd2: {  	_ =	swait.ge [sflag:s3], $0x8000  }
0xd3: {  	[sflag:s3] =	ssyncset.done $0x0  }
0xd4: {  	[sflag:s3] =	ssyncadd.s32 $0xFFFF8000  }
0xd5: {  	_ =	swait.ge [sflag:s3], $0x8000  }
0xd6: {  	[sflag:s3] =	ssyncset.done $0x0  }
0xd7: {  	p1 =	sne.s32 s9, $0x1;
	[sflag:s3] =	ssyncadd.s32 $0xFFFF8000  }
.Ltmp1:
0xd8: {  	_ =	swait.ge [sflag:s3], $0x8000;
	(pc) =	sbr.rel @!p1 .LBB2_3-.Ltmp1, $4  }
0xd9: {  	[sflag:s3] =	ssyncset.done $0x0  }
0xda: {  	[sflag:s3] =	ssyncadd.s32 $0xFFFF8000  }
0xdb: {  	p0 =	por $0x1, $0x1;
	_ =	swait.ge [sflag:s3], $0x8000;
	[dreg:$0x12] =	wrdreg s4  }
0xdc: {  	s0 =	sadd.s32 $0xFFFFFFFF, s9;
	s1 =	rddreg [dreg:$0x3];
	[sflag:s3] =	ssyncset.done $0x0  }
.LBB2_2:
0xdd: {  	[sflag:s3] =	ssyncadd.s32 $0xFFFF8000  }
0xde: {  	[tilespmem:s2], [sflag:$0x1] =	stream.linear.gather [hbm4b:s1+s2], $0x8000, $0x38;
	[tilespmem:$0x10000] =	vst v63  }
0xdf: {  	_ =	swait.ge [sflag:s31], $0x8000  }
0xe0: {  	s9 =	simm.s32 $0x8000;
	s8 =	smov.u32 s30;
	[sflag:s31] =	ssyncset.done $0x0  }
0xe1: {  	s30 =	smov.u32 s29;
	s29 =	smov.u32 s28;
	[sflag:s31] =	ssyncadd.s32 $0xFFFF8000  }
0xe2: {  	[hbm4b:s4+s2] =	stream.linear.scatter [tilespmem:s2], [sflag:$0x2], $0x8000, $0x38;
	[tilespmem:$0x10000] =	vst v63  }
0xe3: {  	s28 =	smov.u32 s26;
	s26 =	smov.u32 s25;
	s13 =	rddreg [dreg:$0x4]  }
0xe4: {  	[hbm4b:s13+s2] =	stream.linear.scatter [tilespmem:s2], [sflag:$0x2], $0x8000, $0x38;
	[tilespmem:$0x10000] =	vst v63  }
0xe5: {  	s15 =	smov.u32 s14;
	s14 =	smov.u32 s12;
	s12 =	rddreg [dreg:$0x5]  }
0xe6: {  	[hbm4b:s12+s2] =	stream.linear.scatter [tilespmem:s2], [sflag:$0x2], $0x8000, $0x38;
	[tilespmem:$0x10000] =	vst v63  }
0xe7: {  	s25 =	smov.u32 s24;
	s24 =	smov.u32 s23;
	s13 =	rddreg [dreg:$0x6]  }
0xe8: {  	[hbm4b:s13+s2] =	stream.linear.scatter [tilespmem:s2], [sflag:$0x2], $0x8000, $0x38;
	[tilespmem:$0x10000] =	vst v63  }
0xe9: {  	s23 =	smov.u32 s22;
	s22 =	smov.u32 s21;
	s21 =	rddreg [dreg:$0x7]  }
0xea: {  	[tilespmem:s9], [sflag:$0x1] =	stream.linear.gather [hbm4b:s21+s2], $0x8000, $0x38;
	[tilespmem:$0x10000] =	vst v63  }
0xeb: {  	_ =	swait.ge [sflag:s3], $0x8000  }
0xec: {  	[sflag:s3] =	ssyncset.done $0x0  }
0xed: {  	[sflag:s3] =	ssyncadd.s32 $0xFFFF8000  }
0xee: {  	_ =	swait.ge [sflag:s3], $0x8000  }
0xef: {  	[sflag:s3] =	ssyncset.done $0x0  }
0xf0: {  	[sflag:s3] =	ssyncadd.s32 $0xFFFF8000  }
0xf1: {  	_ =	swait.ge [sflag:s3], $0x8000  }
0xf2: {  	[sflag:s3] =	ssyncset.done $0x0  }
0xf3: {  	[sflag:s3] =	ssyncadd.s32 $0xFFFF8000  }
0xf4: {  	_ =	swait.ge [sflag:s3], $0x8000  }
0xf5: {  	[sflag:s3] =	ssyncset.done $0x0  }
0xf6: {  	[sflag:s3] =	ssyncadd.s32 $0xFFFF8000  }
0xf7: {  	_ =	swait.ge [sflag:s31], $0x8000  }
0xf8: {  	s10 =	smov.u32 s7;
	[sflag:s31] =	ssyncset.done $0x0  }
0xf9: {  	s7 =	smov.u32 s6;
	s6 =	rddreg [dreg:$0x8];
	[sflag:s31] =	ssyncadd.s32 $0xFFFF8000  }
0xfa: {  	[hbm4b:s6+s2] =	stream.linear.scatter [tilespmem:s9], [sflag:$0x2], $0x8000, $0x38;
	[tilespmem:$0x10000] =	vst v63  }
0xfb: {  	s12 =	rddreg [dreg:$0x9]  }
0xfc: {  	[hbm4b:s12+s2] =	stream.linear.scatter [tilespmem:s9], [sflag:$0x2], $0x8000, $0x38;
	[tilespmem:$0x10000] =	vst v63  }
0xfd: {  	s13 =	rddreg [dreg:$0xa]  }
0xfe: {  	[hbm4b:s13+s2] =	stream.linear.scatter [tilespmem:s9], [sflag:$0x2], $0x8000, $0x38;
	[tilespmem:$0x10000] =	vst v63  }
0xff: {  	s21 =	rddreg [dreg:$0xb]  }
0x100: {  	[hbm4b:s21+s2] =	stream.linear.scatter [tilespmem:s9], [sflag:$0x2], $0x8000, $0x38;
	[tilespmem:$0x10000] =	vst v63  }
0x101: {  	s6 =	rddreg [dreg:$0xc]  }
0x102: {  	[tilespmem:s2], [sflag:$0x1] =	stream.linear.gather [hbm4b:s6+s2], $0x8000, $0x38;
	[tilespmem:$0x10000] =	vst v63  }
0x103: {  	_ =	swait.ge [sflag:s3], $0x8000  }
0x104: {  	[sflag:s3] =	ssyncset.done $0x0  }
0x105: {  	[sflag:s3] =	ssyncadd.s32 $0xFFFF8000  }
0x106: {  	_ =	swait.ge [sflag:s3], $0x8000  }
0x107: {  	[sflag:s3] =	ssyncset.done $0x0  }
0x108: {  	[sflag:s3] =	ssyncadd.s32 $0xFFFF8000  }
0x109: {  	_ =	swait.ge [sflag:s3], $0x8000  }
0x10a: {  	[sflag:s3] =	ssyncset.done $0x0  }
0x10b: {  	[sflag:s3] =	ssyncadd.s32 $0xFFFF8000  }
0x10c: {  	_ =	swait.ge [sflag:s3], $0x8000  }
0x10d: {  	[sflag:s3] =	ssyncset.done $0x0  }
0x10e: {  	[sflag:s3] =	ssyncadd.s32 $0xFFFF8000  }
0x10f: {  	_ =	swait.ge [sflag:s31], $0x8000  }
0x110: {  	s9 =	rddreg [dreg:$0xd]  }
0x111: {  	s12 =	rddreg [dreg:$0xe]  }
0x112: {  	s13 =	rddreg [dreg:$0xf]  }
0x113: {  	[sflag:s31] =	ssyncset.done $0x0;
	s21 =	rddreg [dreg:$0x10]  }
0x114: {  	s1 =	rddreg [dreg:$0x11];
	[sflag:s31] =	ssyncadd.s32 $0xFFFF8000  }
0x115: {  	[hbm4b:s9+s2] =	stream.linear.scatter [tilespmem:s2], [sflag:$0x2], $0x8000, $0x38;
	[tilespmem:$0x10000] =	vst v63  }
0x116: {  	s6 =	smov.u32 s18;
	s18 =	rddreg [dreg:$0x16]  }
0x117: {  	[hbm4b:s12+s2] =	stream.linear.scatter [tilespmem:s2], [sflag:$0x2], $0x8000, $0x38;
	[tilespmem:$0x10000] =	vst v63  }
0x118: {  	s4 =	rddreg [dreg:$0x12]  }
0x119: {  	[hbm4b:s13+s2] =	stream.linear.scatter [tilespmem:s2], [sflag:$0x2], $0x8000, $0x38;
	[tilespmem:$0x10000] =	vst v63  }
0x11a: {  	s9 =	smov.u32 s5;
	s5 =	smov.u32 s11;
	s11 =	rddreg [dreg:$0x13]  }
0x11b: {  	[hbm4b:s21+s2] =	stream.linear.scatter [tilespmem:s2], [sflag:$0x2], $0x8000, $0x38;
	[tilespmem:$0x10000] =	vst v63  }
0x11c: {  	s12 =	smov.u32 s16;
	s16 =	rddreg [dreg:$0x14];
	s21 =	smov.u32 s22  }
0x11d: {  	s22 =	smov.u32 s23;
	s23 =	smov.u32 s24;
	s24 =	smov.u32 s25  }
0x11e: {  	s25 =	smov.u32 s26;
	s26 =	smov.u32 s28;
	s28 =	smov.u32 s29  }
0x11f: {  	s29 =	smov.u32 s30;
	s30 =	smov.u32 s8;
	s8 =	simm.s32 $0x8000  }
0x120: {  	[tilespmem:s8], [sflag:$0x1] =	stream.linear.gather [hbm4b:s1+s2], $0x8000, $0x38;
	[tilespmem:$0x10000] =	vst v63  }
0x121: {  	s13 =	smov.u32 s17;
	s17 =	rddreg [dreg:$0x15];
	_ =	swait.ge [sflag:s3], $0x8000  }
0x122: {  	[sflag:s3] =	ssyncset.done $0x0  }
0x123: {  	[sflag:s3] =	ssyncadd.s32 $0xFFFF8000  }
0x124: {  	_ =	swait.ge [sflag:s3], $0x8000  }
0x125: {  	[sflag:s3] =	ssyncset.done $0x0  }
0x126: {  	[sflag:s3] =	ssyncadd.s32 $0xFFFF8000  }
0x127: {  	_ =	swait.ge [sflag:s3], $0x8000  }
0x128: {  	[sflag:s3] =	ssyncset.done $0x0  }
0x129: {  	[sflag:s3] =	ssyncadd.s32 $0xFFFF8000  }
0x12a: {  	_ =	swait.ge [sflag:s3], $0x8000  }
0x12b: {  	[sflag:s3] =	ssyncset.done $0x0  }
0x12c: {  	[sflag:s3] =	ssyncadd.s32 $0xFFFF8000  }
0x12d: {  	_ =	swait.ge [sflag:s31], $0x8000  }
0x12e: {  	[sflag:s31] =	ssyncset.done $0x0  }
0x12f: {  	[sflag:s31] =	ssyncadd.s32 $0xFFFF8000  }
0x130: {  	[hbm4b:s25+s2] =	stream.linear.scatter [tilespmem:s8], [sflag:$0x2], $0x8000, $0x38;
	[tilespmem:$0x10000] =	vst v63  }
0x131: {  	_ = 	snop  }
0x132: {  	[hbm4b:s26+s2] =	stream.linear.scatter [tilespmem:s8], [sflag:$0x2], $0x8000, $0x38;
	[tilespmem:$0x10000] =	vst v63  }
0x133: {  	_ = 	snop  }
0x134: {  	[hbm4b:s28+s2] =	stream.linear.scatter [tilespmem:s8], [sflag:$0x2], $0x8000, $0x38;
	[tilespmem:$0x10000] =	vst v63  }
0x135: {  	_ = 	snop  }
0x136: {  	[hbm4b:s29+s2] =	stream.linear.scatter [tilespmem:s8], [sflag:$0x2], $0x8000, $0x38;
	[tilespmem:$0x10000] =	vst v63  }
0x137: {  	_ = 	snop  }
0x138: {  	[tilespmem:s2], [sflag:$0x1] =	stream.linear.gather [hbm4b:s30+s2], $0x8000, $0x38;
	[tilespmem:$0x10000] =	vst v63  }
0x139: {  	_ =	swait.ge [sflag:s3], $0x8000  }
0x13a: {  	[sflag:s3] =	ssyncset.done $0x0  }
0x13b: {  	[sflag:s3] =	ssyncadd.s32 $0xFFFF8000  }
0x13c: {  	_ =	swait.ge [sflag:s3], $0x8000  }
0x13d: {  	[sflag:s3] =	ssyncset.done $0x0  }
0x13e: {  	[sflag:s3] =	ssyncadd.s32 $0xFFFF8000  }
0x13f: {  	_ =	swait.ge [sflag:s3], $0x8000  }
0x140: {  	[sflag:s3] =	ssyncset.done $0x0  }
0x141: {  	[sflag:s3] =	ssyncadd.s32 $0xFFFF8000  }
0x142: {  	_ =	swait.ge [sflag:s3], $0x8000  }
0x143: {  	[sflag:s3] =	ssyncset.done $0x0  }
0x144: {  	[sflag:s3] =	ssyncadd.s32 $0xFFFF8000  }
0x145: {  	_ =	swait.ge [sflag:s31], $0x8000  }
0x146: {  	[sflag:s31] =	ssyncset.done $0x0  }
0x147: {  	[sflag:s31] =	ssyncadd.s32 $0xFFFF8000  }
0x148: {  	[hbm4b:s20+s2] =	stream.linear.scatter [tilespmem:s2], [sflag:$0x2], $0x8000, $0x38;
	[tilespmem:$0x10000] =	vst v63  }
0x149: {  	_ = 	snop  }
0x14a: {  	[hbm4b:s21+s2] =	stream.linear.scatter [tilespmem:s2], [sflag:$0x2], $0x8000, $0x38;
	[tilespmem:$0x10000] =	vst v63  }
0x14b: {  	_ = 	snop  }
0x14c: {  	[hbm4b:s22+s2] =	stream.linear.scatter [tilespmem:s2], [sflag:$0x2], $0x8000, $0x38;
	[tilespmem:$0x10000] =	vst v63  }
0x14d: {  	_ = 	snop  }
0x14e: {  	[hbm4b:s23+s2] =	stream.linear.scatter [tilespmem:s2], [sflag:$0x2], $0x8000, $0x38;
	[tilespmem:$0x10000] =	vst v63  }
0x14f: {  	_ = 	snop  }
0x150: {  	[tilespmem:s8], [sflag:$0x1] =	stream.linear.gather [hbm4b:s24+s2], $0x8000, $0x38;
	[tilespmem:$0x10000] =	vst v63  }
0x151: {  	_ =	swait.ge [sflag:s3], $0x8000  }
0x152: {  	[sflag:s3] =	ssyncset.done $0x0  }
0x153: {  	[sflag:s3] =	ssyncadd.s32 $0xFFFF8000  }
0x154: {  	_ =	swait.ge [sflag:s3], $0x8000  }
0x155: {  	[sflag:s3] =	ssyncset.done $0x0  }
0x156: {  	[sflag:s3] =	ssyncadd.s32 $0xFFFF8000  }
0x157: {  	_ =	swait.ge [sflag:s3], $0x8000  }
0x158: {  	[sflag:s3] =	ssyncset.done $0x0  }
0x159: {  	[sflag:s3] =	ssyncadd.s32 $0xFFFF8000  }
0x15a: {  	_ =	swait.ge [sflag:s3], $0x8000  }
0x15b: {  	[sflag:s3] =	ssyncset.done $0x0  }
0x15c: {  	[sflag:s3] =	ssyncadd.s32 $0xFFFF8000  }
0x15d: {  	_ =	swait.ge [sflag:s31], $0x8000  }
0x15e: {  	[sflag:s31] =	ssyncset.done $0x0  }
0x15f: {  	[sflag:s31] =	ssyncadd.s32 $0xFFFF8000  }
0x160: {  	[hbm4b:s11+s2] =	stream.linear.scatter [tilespmem:s8], [sflag:$0x2], $0x8000, $0x38;
	[tilespmem:$0x10000] =	vst v63  }
0x161: {  	_ = 	snop  }
0x162: {  	[hbm4b:s16+s2] =	stream.linear.scatter [tilespmem:s8], [sflag:$0x2], $0x8000, $0x38;
	[tilespmem:$0x10000] =	vst v63  }
0x163: {  	_ = 	snop  }
0x164: {  	[hbm4b:s17+s2] =	stream.linear.scatter [tilespmem:s8], [sflag:$0x2], $0x8000, $0x38;
	[tilespmem:$0x10000] =	vst v63  }
0x165: {  	_ = 	snop  }
0x166: {  	[hbm4b:s18+s2] =	stream.linear.scatter [tilespmem:s8], [sflag:$0x2], $0x8000, $0x38;
	[tilespmem:$0x10000] =	vst v63  }
0x167: {  	_ = 	snop  }
0x168: {  	[tilespmem:s2], [sflag:$0x1] =	stream.linear.gather [hbm4b:s19+s2], $0x8000, $0x38;
	[tilespmem:$0x10000] =	vst v63  }
0x169: {  	_ =	swait.ge [sflag:s3], $0x8000  }
0x16a: {  	[sflag:s3] =	ssyncset.done $0x0  }
0x16b: {  	[sflag:s3] =	ssyncadd.s32 $0xFFFF8000  }
0x16c: {  	_ =	swait.ge [sflag:s3], $0x8000  }
0x16d: {  	[sflag:s3] =	ssyncset.done $0x0  }
0x16e: {  	[sflag:s3] =	ssyncadd.s32 $0xFFFF8000  }
0x16f: {  	_ =	swait.ge [sflag:s3], $0x8000  }
0x170: {  	[sflag:s3] =	ssyncset.done $0x0  }
0x171: {  	[sflag:s3] =	ssyncadd.s32 $0xFFFF8000  }
0x172: {  	_ =	swait.ge [sflag:s3], $0x8000  }
0x173: {  	[sflag:s3] =	ssyncset.done $0x0  }
0x174: {  	[sflag:s3] =	ssyncadd.s32 $0xFFFF8000  }
0x175: {  	_ =	swait.ge [sflag:s31], $0x8000  }
0x176: {  	[sflag:s31] =	ssyncset.done $0x0  }
0x177: {  	[sflag:s31] =	ssyncadd.s32 $0xFFFF8000  }
0x178: {  	[hbm4b:s5+s2] =	stream.linear.scatter [tilespmem:s2], [sflag:$0x2], $0x8000, $0x38;
	[tilespmem:$0x10000] =	vst v63  }
0x179: {  	_ = 	snop  }
0x17a: {  	[hbm4b:s12+s2] =	stream.linear.scatter [tilespmem:s2], [sflag:$0x2], $0x8000, $0x38;
	[tilespmem:$0x10000] =	vst v63  }
0x17b: {  	_ = 	snop  }
0x17c: {  	[hbm4b:s14+s2] =	stream.linear.scatter [tilespmem:s2], [sflag:$0x2], $0x8000, $0x38;
	[tilespmem:$0x10000] =	vst v63  }
0x17d: {  	_ = 	snop  }
0x17e: {  	[hbm4b:s15+s2] =	stream.linear.scatter [tilespmem:s2], [sflag:$0x2], $0x8000, $0x38;
	[tilespmem:$0x10000] =	vst v63  }
0x17f: {  	_ = 	snop  }
0x180: {  	[tilespmem:s8], [sflag:$0x1] =	stream.linear.gather [hbm4b:s13+s2], $0x8000, $0x38;
	[tilespmem:$0x10000] =	vst v63  }
0x181: {  	_ =	swait.ge [sflag:s3], $0x8000  }
0x182: {  	[sflag:s3] =	ssyncset.done $0x0  }
0x183: {  	[sflag:s3] =	ssyncadd.s32 $0xFFFF8000  }
0x184: {  	_ =	swait.ge [sflag:s3], $0x8000  }
0x185: {  	[sflag:s3] =	ssyncset.done $0x0  }
0x186: {  	[sflag:s3] =	ssyncadd.s32 $0xFFFF8000  }
0x187: {  	_ =	swait.ge [sflag:s3], $0x8000  }
0x188: {  	[sflag:s3] =	ssyncset.done $0x0  }
0x189: {  	[sflag:s3] =	ssyncadd.s32 $0xFFFF8000  }
0x18a: {  	_ =	swait.ge [sflag:s3], $0x8000  }
0x18b: {  	[sflag:s3] =	ssyncset.done $0x0  }
0x18c: {  	[sflag:s3] =	ssyncadd.s32 $0xFFFF8000  }
0x18d: {  	_ =	swait.ge [sflag:s31], $0x8000  }
0x18e: {  	[sflag:s31] =	ssyncset.done $0x0  }
0x18f: {  	[sflag:s31] =	ssyncadd.s32 $0xFFFF8000  }
0x190: {  	[hbm4b:s9+s2] =	stream.linear.scatter [tilespmem:s8], [sflag:$0x2], $0x8000, $0x38;
	[tilespmem:$0x10000] =	vst v63  }
0x191: {  	_ = 	snop  }
0x192: {  	[hbm4b:s6+s2] =	stream.linear.scatter [tilespmem:s8], [sflag:$0x2], $0x8000, $0x38;
	[tilespmem:$0x10000] =	vst v63  }
0x193: {  	_ = 	snop  }
0x194: {  	[hbm4b:s7+s2] =	stream.linear.scatter [tilespmem:s8], [sflag:$0x2], $0x8000, $0x38;
	[tilespmem:$0x10000] =	vst v63  }
0x195: {  	_ = 	snop  }
0x196: {  	[hbm4b:s10+s2] =	stream.linear.scatter [tilespmem:s8], [sflag:$0x2], $0x8000, $0x38;
	[tilespmem:$0x10000] =	vst v63  }
0x197: {  	_ =	swait.ge [sflag:s3], $0x8000  }
0x198: {  	[sflag:s3] =	ssyncset.done $0x0  }
0x199: {  	[sflag:s3] =	ssyncadd.s32 $0xFFFF8000  }
0x19a: {  	_ =	swait.ge [sflag:s3], $0x8000  }
0x19b: {  	p1 =	sne.s32 s0, $0x1;
	[sflag:s3] =	ssyncset.done $0x0  }
0x19c: {  	s0 =	sadd.s32 $0xFFFFFFFF, s0;
	s11 =	smov.u32 s5;
	[sflag:s3] =	ssyncadd.s32 $0xFFFF8000  }
.Ltmp2:
0x19d: {  	s16 =	smov.u32 s12;
	_ =	swait.ge [sflag:s3], $0x8000;
	(pc) =	sbr.rel @p1 .LBB2_2-.Ltmp2, $4  }
0x19e: {  	s17 =	smov.u32 s13;
	s18 =	smov.u32 s6;
	[sflag:s3] =	ssyncset.done $0x0  }
0x19f: {  	s5 =	smov.u32 s9;
	s12 =	smov.u32 s14;
	[sflag:s3] =	ssyncadd.s32 $0xFFFF8000  }
0x1a0: {  	s14 =	smov.u32 s15;
	s6 =	smov.u32 s7;
	_ =	swait.ge [sflag:s3], $0x8000  }
0x1a1: {  	s7 =	smov.u32 s10;
	s1 =	rddreg [dreg:$0x3];
	[sflag:s3] =	ssyncset.done $0x0  }
.LBB2_3:
0x1a2: {  	[sflag:s3] =	ssyncadd.s32 @p0 $0xFFFF8000  }
0x1a3: {  	[tilespmem:s2], [sflag:$0x1] =	stream.linear.gather [hbm4b:s1+s2], $0x8000, $0x38;
	[tilespmem:$0x10000] =	vst v63  }
0x1a4: {  	_ =	swait.ge [sflag:s31], $0x8000  }
0x1a5: {  	[sflag:s31] =	ssyncset.done $0x0  }
0x1a6: {  	[sflag:s31] =	ssyncadd.s32 $0xFFFF8000  }
0x1a7: {  	[hbm4b:s4+s2] =	stream.linear.scatter [tilespmem:s2], [sflag:$0x2], $0x8000, $0x38;
	[tilespmem:$0x10000] =	vst v63  }
0x1a8: {  	s0 =	rddreg [dreg:$0x4]  }
0x1a9: {  	[hbm4b:s0+s2] =	stream.linear.scatter [tilespmem:s2], [sflag:$0x2], $0x8000, $0x38;
	[tilespmem:$0x10000] =	vst v63  }
0x1aa: {  	s10 =	rddreg [dreg:$0x5]  }
0x1ab: {  	[hbm4b:s10+s2] =	stream.linear.scatter [tilespmem:s2], [sflag:$0x2], $0x8000, $0x38;
	[tilespmem:$0x10000] =	vst v63  }
0x1ac: {  	s13 =	rddreg [dreg:$0x6]  }
0x1ad: {  	[hbm4b:s13+s2] =	stream.linear.scatter [tilespmem:s2], [sflag:$0x2], $0x8000, $0x38;
	[tilespmem:$0x10000] =	vst v63  }
0x1ae: {  	s15 =	rddreg [dreg:$0x7]  }
0x1af: {  	[tilespmem:s8], [sflag:$0x1] =	stream.linear.gather [hbm4b:s15+s2], $0x8000, $0x38;
	[tilespmem:$0x10000] =	vst v63  }
0x1b0: {  	_ =	swait.ge [sflag:s3], $0x8000  }
0x1b1: {  	[sflag:s3] =	ssyncset.done $0x0  }
0x1b2: {  	[sflag:s3] =	ssyncadd.s32 $0xFFFF8000  }
0x1b3: {  	_ =	swait.ge [sflag:s3], $0x8000  }
0x1b4: {  	[sflag:s3] =	ssyncset.done $0x0  }
0x1b5: {  	[sflag:s3] =	ssyncadd.s32 $0xFFFF8000  }
0x1b6: {  	_ =	swait.ge [sflag:s3], $0x8000  }
0x1b7: {  	[sflag:s3] =	ssyncset.done $0x0  }
0x1b8: {  	[sflag:s3] =	ssyncadd.s32 $0xFFFF8000  }
0x1b9: {  	_ =	swait.ge [sflag:s3], $0x8000  }
0x1ba: {  	[sflag:s3] =	ssyncset.done $0x0  }
0x1bb: {  	[sflag:s3] =	ssyncadd.s32 $0xFFFF8000  }
0x1bc: {  	_ =	swait.ge [sflag:s31], $0x8000  }
0x1bd: {  	[sflag:s31] =	ssyncset.done $0x0  }
0x1be: {  	s4 =	rddreg [dreg:$0x8];
	[sflag:s31] =	ssyncadd.s32 $0xFFFF8000  }
0x1bf: {  	[hbm4b:s4+s2] =	stream.linear.scatter [tilespmem:s8], [sflag:$0x2], $0x8000, $0x38;
	[tilespmem:$0x10000] =	vst v63  }
0x1c0: {  	s9 =	rddreg [dreg:$0x9]  }
0x1c1: {  	[hbm4b:s9+s2] =	stream.linear.scatter [tilespmem:s8], [sflag:$0x2], $0x8000, $0x38;
	[tilespmem:$0x10000] =	vst v63  }
0x1c2: {  	s10 =	rddreg [dreg:$0xa]  }
0x1c3: {  	[hbm4b:s10+s2] =	stream.linear.scatter [tilespmem:s8], [sflag:$0x2], $0x8000, $0x38;
	[tilespmem:$0x10000] =	vst v63  }
0x1c4: {  	s13 =	rddreg [dreg:$0xb]  }
0x1c5: {  	[hbm4b:s13+s2] =	stream.linear.scatter [tilespmem:s8], [sflag:$0x2], $0x8000, $0x38;
	[tilespmem:$0x10000] =	vst v63  }
0x1c6: {  	s15 =	rddreg [dreg:$0xc]  }
0x1c7: {  	[tilespmem:s2], [sflag:$0x1] =	stream.linear.gather [hbm4b:s15+s2], $0x8000, $0x38;
	[tilespmem:$0x10000] =	vst v63  }
0x1c8: {  	_ =	swait.ge [sflag:s3], $0x8000  }
0x1c9: {  	[sflag:s3] =	ssyncset.done $0x0  }
0x1ca: {  	[sflag:s3] =	ssyncadd.s32 $0xFFFF8000  }
0x1cb: {  	_ =	swait.ge [sflag:s3], $0x8000  }
0x1cc: {  	[sflag:s3] =	ssyncset.done $0x0  }
0x1cd: {  	[sflag:s3] =	ssyncadd.s32 $0xFFFF8000  }
0x1ce: {  	_ =	swait.ge [sflag:s3], $0x8000  }
0x1cf: {  	[sflag:s3] =	ssyncset.done $0x0  }
0x1d0: {  	[sflag:s3] =	ssyncadd.s32 $0xFFFF8000  }
0x1d1: {  	_ =	swait.ge [sflag:s3], $0x8000  }
0x1d2: {  	[sflag:s3] =	ssyncset.done $0x0  }
0x1d3: {  	[sflag:s3] =	ssyncadd.s32 $0xFFFF8000  }
0x1d4: {  	_ =	swait.ge [sflag:s31], $0x8000  }
0x1d5: {  	[sflag:s31] =	ssyncset.done $0x0  }
0x1d6: {  	s4 =	rddreg [dreg:$0xd];
	[sflag:s31] =	ssyncadd.s32 $0xFFFF8000  }
0x1d7: {  	[hbm4b:s4+s2] =	stream.linear.scatter [tilespmem:s2], [sflag:$0x2], $0x8000, $0x38;
	[tilespmem:$0x10000] =	vst v63  }
0x1d8: {  	s9 =	rddreg [dreg:$0xe]  }
0x1d9: {  	[hbm4b:s9+s2] =	stream.linear.scatter [tilespmem:s2], [sflag:$0x2], $0x8000, $0x38;
	[tilespmem:$0x10000] =	vst v63  }
0x1da: {  	s10 =	rddreg [dreg:$0xf]  }
0x1db: {  	[hbm4b:s10+s2] =	stream.linear.scatter [tilespmem:s2], [sflag:$0x2], $0x8000, $0x38;
	[tilespmem:$0x10000] =	vst v63  }
0x1dc: {  	s13 =	rddreg [dreg:$0x10]  }
0x1dd: {  	[hbm4b:s13+s2] =	stream.linear.scatter [tilespmem:s2], [sflag:$0x2], $0x8000, $0x38;
	[tilespmem:$0x10000] =	vst v63  }
0x1de: {  	s15 =	rddreg [dreg:$0x11]  }
0x1df: {  	[tilespmem:s8], [sflag:$0x1] =	stream.linear.gather [hbm4b:s15+s2], $0x8000, $0x38;
	[tilespmem:$0x10000] =	vst v63  }
0x1e0: {  	_ =	swait.ge [sflag:s3], $0x8000  }
0x1e1: {  	[sflag:s3] =	ssyncset.done $0x0  }
0x1e2: {  	[sflag:s3] =	ssyncadd.s32 $0xFFFF8000  }
0x1e3: {  	_ =	swait.ge [sflag:s3], $0x8000  }
0x1e4: {  	[sflag:s3] =	ssyncset.done $0x0  }
0x1e5: {  	[sflag:s3] =	ssyncadd.s32 $0xFFFF8000  }
0x1e6: {  	_ =	swait.ge [sflag:s3], $0x8000  }
0x1e7: {  	[sflag:s3] =	ssyncset.done $0x0  }
0x1e8: {  	[sflag:s3] =	ssyncadd.s32 $0xFFFF8000  }
0x1e9: {  	_ =	swait.ge [sflag:s3], $0x8000  }
0x1ea: {  	[sflag:s3] =	ssyncset.done $0x0  }
0x1eb: {  	[sflag:s3] =	ssyncadd.s32 $0xFFFF8000  }
0x1ec: {  	_ =	swait.ge [sflag:s31], $0x8000  }
0x1ed: {  	[sflag:s31] =	ssyncset.done $0x0  }
0x1ee: {  	[sflag:s31] =	ssyncadd.s32 $0xFFFF8000  }
0x1ef: {  	[hbm4b:s25+s2] =	stream.linear.scatter [tilespmem:s8], [sflag:$0x2], $0x8000, $0x38;
	[tilespmem:$0x10000] =	vst v63  }
0x1f0: {  	_ = 	snop  }
0x1f1: {  	[hbm4b:s26+s2] =	stream.linear.scatter [tilespmem:s8], [sflag:$0x2], $0x8000, $0x38;
	[tilespmem:$0x10000] =	vst v63  }
0x1f2: {  	_ = 	snop  }
0x1f3: {  	[hbm4b:s28+s2] =	stream.linear.scatter [tilespmem:s8], [sflag:$0x2], $0x8000, $0x38;
	[tilespmem:$0x10000] =	vst v63  }
0x1f4: {  	_ = 	snop  }
0x1f5: {  	[hbm4b:s29+s2] =	stream.linear.scatter [tilespmem:s8], [sflag:$0x2], $0x8000, $0x38;
	[tilespmem:$0x10000] =	vst v63  }
0x1f6: {  	_ = 	snop  }
0x1f7: {  	[tilespmem:s2], [sflag:$0x1] =	stream.linear.gather [hbm4b:s30+s2], $0x8000, $0x38;
	[tilespmem:$0x10000] =	vst v63  }
0x1f8: {  	_ =	swait.ge [sflag:s3], $0x8000  }
0x1f9: {  	[sflag:s3] =	ssyncset.done $0x0  }
0x1fa: {  	[sflag:s3] =	ssyncadd.s32 $0xFFFF8000  }
0x1fb: {  	_ =	swait.ge [sflag:s3], $0x8000  }
0x1fc: {  	[sflag:s3] =	ssyncset.done $0x0  }
0x1fd: {  	[sflag:s3] =	ssyncadd.s32 $0xFFFF8000  }
0x1fe: {  	_ =	swait.ge [sflag:s3], $0x8000  }
0x1ff: {  	[sflag:s3] =	ssyncset.done $0x0  }
0x200: {  	[sflag:s3] =	ssyncadd.s32 $0xFFFF8000  }
0x201: {  	_ =	swait.ge [sflag:s3], $0x8000  }
0x202: {  	[sflag:s3] =	ssyncset.done $0x0  }
0x203: {  	[sflag:s3] =	ssyncadd.s32 $0xFFFF8000  }
0x204: {  	_ =	swait.ge [sflag:s31], $0x8000  }
0x205: {  	[sflag:s31] =	ssyncset.done $0x0  }
0x206: {  	[sflag:s31] =	ssyncadd.s32 $0xFFFF8000  }
0x207: {  	[hbm4b:s20+s2] =	stream.linear.scatter [tilespmem:s2], [sflag:$0x2], $0x8000, $0x38;
	[tilespmem:$0x10000] =	vst v63  }
0x208: {  	_ = 	snop  }
0x209: {  	[hbm4b:s21+s2] =	stream.linear.scatter [tilespmem:s2], [sflag:$0x2], $0x8000, $0x38;
	[tilespmem:$0x10000] =	vst v63  }
0x20a: {  	_ = 	snop  }
0x20b: {  	[hbm4b:s22+s2] =	stream.linear.scatter [tilespmem:s2], [sflag:$0x2], $0x8000, $0x38;
	[tilespmem:$0x10000] =	vst v63  }
0x20c: {  	_ = 	snop  }
0x20d: {  	[hbm4b:s23+s2] =	stream.linear.scatter [tilespmem:s2], [sflag:$0x2], $0x8000, $0x38;
	[tilespmem:$0x10000] =	vst v63  }
0x20e: {  	_ = 	snop  }
0x20f: {  	[tilespmem:s8], [sflag:$0x1] =	stream.linear.gather [hbm4b:s24+s2], $0x8000, $0x38;
	[tilespmem:$0x10000] =	vst v63  }
0x210: {  	_ =	swait.ge [sflag:s3], $0x8000  }
0x211: {  	[sflag:s3] =	ssyncset.done $0x0  }
0x212: {  	[sflag:s3] =	ssyncadd.s32 $0xFFFF8000  }
0x213: {  	_ =	swait.ge [sflag:s3], $0x8000  }
0x214: {  	[sflag:s3] =	ssyncset.done $0x0  }
0x215: {  	[sflag:s3] =	ssyncadd.s32 $0xFFFF8000  }
0x216: {  	_ =	swait.ge [sflag:s3], $0x8000  }
0x217: {  	[sflag:s3] =	ssyncset.done $0x0  }
0x218: {  	[sflag:s3] =	ssyncadd.s32 $0xFFFF8000  }
0x219: {  	_ =	swait.ge [sflag:s3], $0x8000  }
0x21a: {  	[sflag:s3] =	ssyncset.done $0x0  }
0x21b: {  	[sflag:s3] =	ssyncadd.s32 $0xFFFF8000  }
0x21c: {  	_ =	swait.ge [sflag:s31], $0x8000  }
0x21d: {  	[sflag:s31] =	ssyncset.done $0x0  }
0x21e: {  	s26 =	rddreg [dreg:$0x13];
	[sflag:s31] =	ssyncadd.s32 $0xFFFF8000  }
0x21f: {  	[hbm4b:s26+s2] =	stream.linear.scatter [tilespmem:s8], [sflag:$0x2], $0x8000, $0x38;
	[tilespmem:$0x10000] =	vst v63  }
0x220: {  	s28 =	rddreg [dreg:$0x14]  }
0x221: {  	[hbm4b:s28+s2] =	stream.linear.scatter [tilespmem:s8], [sflag:$0x2], $0x8000, $0x38;
	[tilespmem:$0x10000] =	vst v63  }
0x222: {  	s29 =	rddreg [dreg:$0x15]  }
0x223: {  	[hbm4b:s29+s2] =	stream.linear.scatter [tilespmem:s8], [sflag:$0x2], $0x8000, $0x38;
	[tilespmem:$0x10000] =	vst v63  }
0x224: {  	s30 =	rddreg [dreg:$0x16]  }
0x225: {  	[hbm4b:s30+s2] =	stream.linear.scatter [tilespmem:s8], [sflag:$0x2], $0x8000, $0x38;
	[tilespmem:$0x10000] =	vst v63  }
0x226: {  	_ = 	snop  }
0x227: {  	[tilespmem:s2], [sflag:$0x1] =	stream.linear.gather [hbm4b:s19+s2], $0x8000, $0x38;
	[tilespmem:$0x10000] =	vst v63  }
0x228: {  	_ =	swait.ge [sflag:s3], $0x8000  }
0x229: {  	[sflag:s3] =	ssyncset.done $0x0  }
0x22a: {  	[sflag:s3] =	ssyncadd.s32 $0xFFFF8000  }
0x22b: {  	_ =	swait.ge [sflag:s3], $0x8000  }
0x22c: {  	[sflag:s3] =	ssyncset.done $0x0  }
0x22d: {  	[sflag:s3] =	ssyncadd.s32 $0xFFFF8000  }
0x22e: {  	_ =	swait.ge [sflag:s3], $0x8000  }
0x22f: {  	[sflag:s3] =	ssyncset.done $0x0  }
0x230: {  	[sflag:s3] =	ssyncadd.s32 $0xFFFF8000  }
0x231: {  	_ =	swait.ge [sflag:s3], $0x8000  }
0x232: {  	[sflag:s3] =	ssyncset.done $0x0  }
0x233: {  	[sflag:s3] =	ssyncadd.s32 $0xFFFF8000  }
0x234: {  	_ =	swait.ge [sflag:s31], $0x8000  }
0x235: {  	[sflag:s31] =	ssyncset.done $0x0  }
0x236: {  	[sflag:s31] =	ssyncadd.s32 $0xFFFF8000  }
0x237: {  	[hbm4b:s11+s2] =	stream.linear.scatter [tilespmem:s2], [sflag:$0x2], $0x8000, $0x38;
	[tilespmem:$0x10000] =	vst v63  }
0x238: {  	_ = 	snop  }
0x239: {  	[hbm4b:s16+s2] =	stream.linear.scatter [tilespmem:s2], [sflag:$0x2], $0x8000, $0x38;
	[tilespmem:$0x10000] =	vst v63  }
0x23a: {  	_ = 	snop  }
0x23b: {  	[hbm4b:s12+s2] =	stream.linear.scatter [tilespmem:s2], [sflag:$0x2], $0x8000, $0x38;
	[tilespmem:$0x10000] =	vst v63  }
0x23c: {  	_ = 	snop  }
0x23d: {  	[hbm4b:s14+s2] =	stream.linear.scatter [tilespmem:s2], [sflag:$0x2], $0x8000, $0x38;
	[tilespmem:$0x10000] =	vst v63  }
0x23e: {  	_ = 	snop  }
0x23f: {  	[tilespmem:s8], [sflag:$0x1] =	stream.linear.gather [hbm4b:s17+s2], $0x8000, $0x38;
	[tilespmem:$0x10000] =	vst v63  }
0x240: {  	_ =	swait.ge [sflag:s3], $0x8000  }
0x241: {  	[sflag:s3] =	ssyncset.done $0x0  }
0x242: {  	[sflag:s3] =	ssyncadd.s32 $0xFFFF8000  }
0x243: {  	_ =	swait.ge [sflag:s3], $0x8000  }
0x244: {  	[sflag:s3] =	ssyncset.done $0x0  }
0x245: {  	[sflag:s3] =	ssyncadd.s32 $0xFFFF8000  }
0x246: {  	_ =	swait.ge [sflag:s3], $0x8000  }
0x247: {  	[sflag:s3] =	ssyncset.done $0x0  }
0x248: {  	[sflag:s3] =	ssyncadd.s32 $0xFFFF8000  }
0x249: {  	_ =	swait.ge [sflag:s3], $0x8000  }
0x24a: {  	[sflag:s3] =	ssyncset.done $0x0  }
0x24b: {  	[sflag:s3] =	ssyncadd.s32 $0xFFFF8000  }
0x24c: {  	_ =	swait.ge [sflag:s31], $0x8000  }
0x24d: {  	[sflag:s31] =	ssyncset.done $0x0  }
0x24e: {  	[sflag:s31] =	ssyncadd.s32 $0xFFFF8000  }
0x24f: {  	[hbm4b:s5+s2] =	stream.linear.scatter [tilespmem:s8], [sflag:$0x2], $0x8000, $0x38;
	[tilespmem:$0x10000] =	vst v63  }
0x250: {  	_ = 	snop  }
0x251: {  	[hbm4b:s18+s2] =	stream.linear.scatter [tilespmem:s8], [sflag:$0x2], $0x8000, $0x38;
	[tilespmem:$0x10000] =	vst v63  }
0x252: {  	_ = 	snop  }
0x253: {  	[hbm4b:s6+s2] =	stream.linear.scatter [tilespmem:s8], [sflag:$0x2], $0x8000, $0x38;
	[tilespmem:$0x10000] =	vst v63  }
0x254: {  	_ = 	snop  }
0x255: {  	[hbm4b:s7+s2] =	stream.linear.scatter [tilespmem:s8], [sflag:$0x2], $0x8000, $0x38;
	[tilespmem:$0x10000] =	vst v63  }
0x256: {  	_ =	swait.ge [sflag:s3], $0x8000  }
0x257: {  	[sflag:s3] =	ssyncset.done $0x0  }
0x258: {  	[sflag:s3] =	ssyncadd.s32 $0xFFFF8000  }
0x259: {  	_ =	swait.ge [sflag:s3], $0x8000  }
0x25a: {  	[sflag:s3] =	ssyncset.done $0x0  }
0x25b: {  	[sflag:s3] =	ssyncadd.s32 $0xFFFF8000  }
0x25c: {  	_ =	swait.ge [sflag:s3], $0x8000  }
0x25d: {  	[sflag:s3] =	ssyncset.done $0x0  }
0x25e: {  	[sflag:s3] =	ssyncadd.s32 $0xFFFF8000  }
0x25f: {  	_ =	swait.ge [sflag:s3], $0x8000  }
0x260: {  	[sflag:s3] =	ssyncset.done $0x0  }
0x261: {  	[sflag:s3] =	ssyncadd.s32 $0xFFFF8000  }
0x262: {  	_ =	sfence.sel $0x180000  }
0x263: {  	[bflag:$0x0] =	sbarrier.arrive $0xFFFF  }
0x264: {  	_ =	strace $0x90000047  }
0x265: {  	s31 =	stileid.u32;
	[bflag:$0x2] =	sbarrier.arrive $0xFFFF  }
0x266: {  	p0 =	sne.s32 s31, $0x0;
	s0 =	rddreg [dreg:$0x2]  }
0x267: {  	s0 =	sadd.s32 @!p0 $0x100000, s0  }
0x268: {  	[sflag:s0] =	ssyncadd.tile.s32 @!p0 $0x1;
	_ =	shalt  }
.Lfunc_end2:
_tile_overlayer_lowered:
.L_overlay_start_2:
0x269: {  	(tag) =	ssettag $0x2  }
0x26a: {  	s0 =	rddreg [dreg:$0x0];
	s2 =	stileid.u32  }
0x26b: {  	s1 =	rddreg [dreg:$0x1];
	p0 =	sne.s32 s2, $0x0  }
0x26c: {  	s3 =	rddreg [dreg:$0x2];
	[bflag:$0x3] =	sbarrier.arrive $0xFFFF;
	s2 =	simm.s32 @!p0 $0x1C03  }
0x26d: {  	[timem:s3], [sflag:s2] =	dma.local @!p0 [hbm:s0], s1  }
0x26e: {  	s0 =	simm.s32 @!p0 $0x3  }
0x26f: {  	_ =	swait.ge @!p0 [sflag:s0], s1  }
0x270: {  	s1 =	ssub.s32 @!p0 $0x0, s1;
	[sflag:s0] =	ssyncset.done @!p0 $0x0  }
0x271: {  	[sflag:s0] =	ssyncadd.s32 @!p0 s1  }
0x272: {  	[bflag:$0x3] =	sbarrier.arrive $0xFFFF  }
0x273: {  	_ =	shalt  }

</sc_bundles>
